<compile_context>
chip_gen: v7x
topology: tpu7x:2x2x1
jax: 0.10.2.dev20260603
libtpu: 0.0.44.dev20260713+nightly
codegen_flags: <defaults>
</compile_context>

<pallas_src>
import functools

import jax
import jax.numpy as jnp
from jax import lax
from jax.experimental import pallas as pl
from jax.experimental.pallas import tpu as pltpu
from jax.experimental.pallas import tpu_sc as plsc

B = 16384
EMBED_DIM = 32
NUM_CATEGORIES = 1000000
V = NUM_CATEGORIES + 1

NC = 2
NS = 16
NW = NC * NS
BPW = B // NW
NBUF = 12


def _sc_embed_body(xt_hbm, wt_hbm, out_hbm, idsf, idsi, wins, obuf, sem):
    wid = lax.axis_index("c") * NS + lax.axis_index("s")
    base = pl.multiple_of(wid * BPW, BPW)
    pltpu.sync_copy(xt_hbm.at[pl.ds(0, 1), pl.ds(base, BPW)], idsf)
    for i in range(BPW // 16):
        v = idsf[0, pl.ds(i * 16, 16)]
        idsi[0, pl.ds(i * 16, 16)] = jnp.clip(v.astype(jnp.int32), 0, NUM_CATEGORIES)
    lanes = lax.iota(jnp.int32, 16)
    r_lo = lanes
    r_hi = lanes + 16

    def id_at(j):
        vec = idsi[0, pl.ds(pl.multiple_of((j // 16) * 16, 16), 16)]
        return jnp.sum(jnp.where(lanes == (j % 16), vec, 0))

    def fetch(j, b):
        q = pl.multiple_of((id_at(j) // 128) * 128, 128)
        for t in range(4):
            pltpu.async_copy(
                wt_hbm.at[pl.ds(8 * t, 8), pl.ds(q, 128)],
                wins.at[b, pl.ds(8 * t, 8), :],
                sem,
            )

    def drain(b):
        pltpu.make_async_copy(wt_hbm.at[:, pl.ds(0, 128)], wins.at[b], sem).wait()

    for j in range(NBUF):
        fetch(j, j)

    def body(j, carry):
        b = lax.rem(j, NBUF)
        drain(b)
        idv = id_at(j)
        c16 = jnp.full((16,), lax.rem(idv, 128), jnp.int32)
        lo = plsc.load_gather(wins.at[b], [r_lo, c16])
        hi = plsc.load_gather(wins.at[b], [r_hi, c16])
        obuf[j, pl.ds(0, 16)] = lo
        obuf[j, pl.ds(16, 16)] = hi

        @pl.when(j < BPW - NBUF)
        def _():
            fetch(j + NBUF, b)

        return carry

    lax.fori_loop(0, BPW, body, 0)
    pltpu.sync_copy(obuf, out_hbm.at[pl.ds(base, BPW)])


_sc_embed = functools.partial(
    pl.kernel,
    out_type=jax.ShapeDtypeStruct((B, EMBED_DIM), jnp.float32),
    mesh=plsc.VectorSubcoreMesh(core_axis_name="c", subcore_axis_name="s"),
    compiler_params=pltpu.CompilerParams(needs_layout_passes=False),
    scratch_types=[
        pltpu.VMEM((1, BPW), jnp.float32),
        pltpu.VMEM((1, BPW), jnp.int32),
        pltpu.VMEM((NBUF, 32, 128), jnp.float32),
        pltpu.VMEM((BPW, EMBED_DIM), jnp.float32),
        pltpu.SemaphoreType.DMA,
    ],
)(_sc_embed_body)


def _bn_body(xt_ref, g_ref, b_ref, o_ref):
    xv = xt_ref[...]
    m = jnp.mean(xv, axis=1, keepdims=True)
    d = xv - m
    v = jnp.mean(d * d, axis=1, keepdims=True)
    o_ref[...] = d * lax.rsqrt(v + 1e-5) * g_ref[...] + b_ref[...]


def _tc_batchnorm(xt, g4, b4):
    return pl.pallas_call(
        _bn_body,
        out_shape=jax.ShapeDtypeStruct((4, B), jnp.float32),
    )(xt, g4, b4)


def kernel(x, W, gamma, beta):
    xt = x.T
    wt = W.T
    emb = _sc_embed(xt, wt)
    g4 = jnp.concatenate([jnp.ones((1,), jnp.float32), gamma]).reshape(4, 1)
    b4 = jnp.concatenate([jnp.zeros((1,), jnp.float32), beta]).reshape(4, 1)
    bnt = _tc_batchnorm(xt, g4, b4)
    return jnp.concatenate([emb, bnt[1:, :].T], axis=1)

# --- scband reference (transcript-rebuilt; emitter-appended) ---
"""Pipeline reference for scband-content-embedding-56100862820360 (READ-ONLY COPY).

The authoritative reference and input builder live on the scoring server;
editing this copy changes nothing except your own understanding.
"""

import jax, jax.numpy as jnp
import numpy as np

B = 16384
NUM_CATEGORIES = 1000000
EMBED_DIM = 32


def setup_inputs(seed: int = 0) -> dict:
    key = jax.random.key(seed)
    k1, k2 = jax.random.split(key, 2)
    # x: float tensor; column 0 holds category ids, columns 1:4 are dense features
    x = jax.random.randint(k1, (B, 4), 0, NUM_CATEGORIES).astype(jnp.float32)
    # embedding table (num_categories + 1, embed_dim), xavier_uniform init
    fan_in, fan_out = NUM_CATEGORIES + 1, EMBED_DIM
    bound = float(np.sqrt(6.0 / (fan_in + fan_out)))
    W = jax.random.uniform(k2, (NUM_CATEGORIES + 1, EMBED_DIM), minval=-bound, maxval=bound, dtype=jnp.float32)
    W = W.at[0].set(0.0)  # padding_idx=0 row
    # BatchNorm1d(3) affine params (training-mode batch stats used in forward)
    gamma = jnp.ones((3,), dtype=jnp.float32)
    beta = jnp.zeros((3,), dtype=jnp.float32)
    return {"x": x, "W": W, "gamma": gamma, "beta": beta}


def reference(x, W, gamma, beta):
    num_categories = W.shape[0] - 1
    category_ids = jnp.clip(x[:, 0].astype(jnp.int32), 0, num_categories)
    category_embed = jnp.take(W, category_ids, axis=0)
    other_features = x[:, 1:]
    # BatchNorm1d in training mode: batch statistics (biased variance), eps=1e-5
    mean = jnp.mean(other_features, axis=0)
    var = jnp.var(other_features, axis=0)
    other_features = (other_features - mean) / jnp.sqrt(var + 1e-5) * gamma + beta
    return jnp.concatenate([category_embed, other_features], axis=1)

if __name__ == "__main__":
    import jax
    _d = setup_inputs()
    print(jax.jit(kernel)(*tuple(_d.values())))

</pallas_src>

<mosaic_0001>
#map = affine_map<(d0, d1) -> (0, 0)>
module attributes {stable_mosaic.version = 14 : i64} {
  func.func @_sc_embed_body(%arg0: i32, %arg1: i32, %arg2: memref<4x16384xf32, #tpu.memory_space<hbm>>, %arg3: memref<32x1000001xf32, #tpu.memory_space<hbm>>, %arg4: memref<16384x32xf32, #tpu.memory_space<hbm>>, %arg5: memref<1x512xf32, #tpu.memory_space<vmem>>, %arg6: memref<1x512xi32, #tpu.memory_space<vmem>>, %arg7: memref<12x32x128xf32, #tpu.memory_space<vmem>>, %arg8: memref<512x32xf32, #tpu.memory_space<vmem>>, %arg9: memref<!tpu.dma_semaphore, #tpu.memory_space<semaphore_mem>>) attributes {dimension_semantics = [#tpu.dimension_semantics<core_parallel>, #tpu.dimension_semantics<subcore_parallel>], iteration_bounds = array<i64: 2, 16>, scalar_prefetch = 0 : i64, scratch_operands = 5 : i64, tpu.core_type = #tpu.core_type<sc_vector_subcore>, window_params = [{transform_indices = #map}, {transform_indices = #map}, {transform_indices = #map}]} {
    %mul3A = arith.constant 16 : i32
    %mul3A_0 = arith.muli %arg0, %mul3A : i32
    %add3A = arith.addi %mul3A_0, %arg1 : i32
    %mul3A_1 = arith.constant 512 : i32
    %mul3A_2 = arith.muli %add3A, %mul3A_1 : i32
    %multiple_of3A = tpu.assume_multiple %mul3A_2, 512 : i32
    "tpu.region"() ({
      %run_scoped3A = tpu.sem_alloc : memref<!tpu.dma_semaphore, #tpu.memory_space<semaphore_mem>>
      %dma_start3A_1614 = arith.constant 0 : i32
      %dma_start3A_1615 = tpu.memref_slice %arg2[%dma_start3A_1614, %multiple_of3A] : memref<4x16384xf32, #tpu.memory_space<hbm>> -> memref<1x512xf32, #tpu.memory_space<hbm>>
      %dma_start3A_1616 = arith.constant 0 : i32
      %dma_start3A_1617 = tpu.memref_slice %arg2[%dma_start3A_1616, %multiple_of3A] : memref<4x16384xf32, #tpu.memory_space<hbm>> -> memref<1x512xf32, #tpu.memory_space<hbm>>
      tpu.enqueue_dma source(%dma_start3A_1617 : memref<1x512xf32, #tpu.memory_space<hbm>>) target(%arg5 : memref<1x512xf32, #tpu.memory_space<vmem>>) target_semaphore(%run_scoped3A : memref<!tpu.dma_semaphore, #tpu.memory_space<semaphore_mem>>)
      %dma_wait3A = arith.constant 0 : i32
      %dma_wait3A_1618 = tpu.memref_slice %arg2[%dma_wait3A, %multiple_of3A] : memref<4x16384xf32, #tpu.memory_space<hbm>> -> memref<1x512xf32, #tpu.memory_space<hbm>>
      %dma_wait3A_1619 = arith.constant 0 : i32
      %dma_wait3A_1620 = tpu.memref_slice %arg2[%dma_wait3A_1619, %multiple_of3A] : memref<4x16384xf32, #tpu.memory_space<hbm>> -> memref<1x512xf32, #tpu.memory_space<hbm>>
      tpu.wait_dma2 semaphore(%run_scoped3A : memref<!tpu.dma_semaphore, #tpu.memory_space<semaphore_mem>>) src(%dma_wait3A_1620 : memref<1x512xf32, #tpu.memory_space<hbm>>) dst(%arg5 : memref<1x512xf32, #tpu.memory_space<vmem>>)
      tpu.yield
    }) : () -> ()
    %get3A = arith.constant 0 : i32
    %get3A_3 = arith.index_cast %get3A : i32 to index
    %get3A_4 = arith.constant 0 : index
    %get3A_5 = tpu.vector_load %arg5[%get3A_3, %get3A_4] {strides = array<i32>} : memref<1x512xf32, #tpu.memory_space<vmem>>, vector<16xf32>,
    %convert_element_type3A = arith.fptosi %get3A_5 : vector<16xf32> to vector<16xi32>
    %jit3A = arith.constant 0 : i32
    %jit3A_6 = arith.constant 1000000 : i32
    %max3A = vector.broadcast %jit3A : i32 to vector<16xi32>
    %max3A_7 = arith.maxsi %max3A, %convert_element_type3A : vector<16xi32>
    %min3A = vector.broadcast %jit3A_6 : i32 to vector<16xi32>
    %min3A_8 = arith.minsi %min3A, %max3A_7 : vector<16xi32>
    %swap3A = arith.constant 0 : i32
    %swap3A_9 = arith.index_cast %swap3A : i32 to index
    %swap3A_10 = arith.constant 0 : index
    %swap3A_11 = tpu.vector_load %arg6[%swap3A_9, %swap3A_10] {strides = array<i32>} : memref<1x512xi32, #tpu.memory_space<vmem>>, vector<16xi32>,
    tpu.vector_store %arg6[%swap3A_9, %swap3A_10], %min3A_8 {strides = array<i32>} : memref<1x512xi32, #tpu.memory_space<vmem>>, vector<16xi32>,
    %get3A_12 = arith.constant 0 : i32
    %get3A_13 = arith.index_cast %get3A_12 : i32 to index
    %get3A_14 = arith.constant 16 : index
    %get3A_15 = tpu.vector_load %arg5[%get3A_13, %get3A_14] {strides = array<i32>} : memref<1x512xf32, #tpu.memory_space<vmem>>, vector<16xf32>,
    %convert_element_type3A_16 = arith.fptosi %get3A_15 : vector<16xf32> to vector<16xi32>
    %jit3A_17 = arith.constant 0 : i32
    %jit3A_18 = arith.constant 1000000 : i32
    %max3A_19 = vector.broadcast %jit3A_17 : i32 to vector<16xi32>
    %max3A_20 = arith.maxsi %max3A_19, %convert_element_type3A_16 : vector<16xi32>
    %min3A_21 = vector.broadcast %jit3A_18 : i32 to vector<16xi32>
    %min3A_22 = arith.minsi %min3A_21, %max3A_20 : vector<16xi32>
    %swap3A_23 = arith.constant 0 : i32
    %swap3A_24 = arith.index_cast %swap3A_23 : i32 to index
    %swap3A_25 = arith.constant 16 : index
    %swap3A_26 = tpu.vector_load %arg6[%swap3A_24, %swap3A_25] {strides = array<i32>} : memref<1x512xi32, #tpu.memory_space<vmem>>, vector<16xi32>,
    tpu.vector_store %arg6[%swap3A_24, %swap3A_25], %min3A_22 {strides = array<i32>} : memref<1x512xi32, #tpu.memory_space<vmem>>, vector<16xi32>,
    %get3A_27 = arith.constant 0 : i32
    %get3A_28 = arith.index_cast %get3A_27 : i32 to index
    %get3A_29 = arith.constant 32 : index
    %get3A_30 = tpu.vector_load %arg5[%get3A_28, %get3A_29] {strides = array<i32>} : memref<1x512xf32, #tpu.memory_space<vmem>>, vector<16xf32>,
    %convert_element_type3A_31 = arith.fptosi %get3A_30 : vector<16xf32> to vector<16xi32>
    %jit3A_32 = arith.constant 0 : i32
    %jit3A_33 = arith.constant 1000000 : i32
    %max3A_34 = vector.broadcast %jit3A_32 : i32 to vector<16xi32>
    %max3A_35 = arith.maxsi %max3A_34, %convert_element_type3A_31 : vector<16xi32>
    %min3A_36 = vector.broadcast %jit3A_33 : i32 to vector<16xi32>
    %min3A_37 = arith.minsi %min3A_36, %max3A_35 : vector<16xi32>
    %swap3A_38 = arith.constant 0 : i32
    %swap3A_39 = arith.index_cast %swap3A_38 : i32 to index
    %swap3A_40 = arith.constant 32 : index
    %swap3A_41 = tpu.vector_load %arg6[%swap3A_39, %swap3A_40] {strides = array<i32>} : memref<1x512xi32, #tpu.memory_space<vmem>>, vector<16xi32>,
    tpu.vector_store %arg6[%swap3A_39, %swap3A_40], %min3A_37 {strides = array<i32>} : memref<1x512xi32, #tpu.memory_space<vmem>>, vector<16xi32>,
    %get3A_42 = arith.constant 0 : i32
    %get3A_43 = arith.index_cast %get3A_42 : i32 to index
    %get3A_44 = arith.constant 48 : index
    %get3A_45 = tpu.vector_load %arg5[%get3A_43, %get3A_44] {strides = array<i32>} : memref<1x512xf32, #tpu.memory_space<vmem>>, vector<16xf32>,
    %convert_element_type3A_46 = arith.fptosi %get3A_45 : vector<16xf32> to vector<16xi32>
    %jit3A_47 = arith.constant 0 : i32
    %jit3A_48 = arith.constant 1000000 : i32
    %max3A_49 = vector.broadcast %jit3A_47 : i32 to vector<16xi32>
    %max3A_50 = arith.maxsi %max3A_49, %convert_element_type3A_46 : vector<16xi32>
    %min3A_51 = vector.broadcast %jit3A_48 : i32 to vector<16xi32>
    %min3A_52 = arith.minsi %min3A_51, %max3A_50 : vector<16xi32>
    %swap3A_53 = arith.constant 0 : i32
    %swap3A_54 = arith.index_cast %swap3A_53 : i32 to index
    %swap3A_55 = arith.constant 48 : index
    %swap3A_56 = tpu.vector_load %arg6[%swap3A_54, %swap3A_55] {strides = array<i32>} : memref<1x512xi32, #tpu.memory_space<vmem>>, vector<16xi32>,
    tpu.vector_store %arg6[%swap3A_54, %swap3A_55], %min3A_52 {strides = array<i32>} : memref<1x512xi32, #tpu.memory_space<vmem>>, vector<16xi32>,
    %get3A_57 = arith.constant 0 : i32
    %get3A_58 = arith.index_cast %get3A_57 : i32 to index
    %get3A_59 = arith.constant 64 : index
    %get3A_60 = tpu.vector_load %arg5[%get3A_58, %get3A_59] {strides = array<i32>} : memref<1x512xf32, #tpu.memory_space<vmem>>, vector<16xf32>,
    %convert_element_type3A_61 = arith.fptosi %get3A_60 : vector<16xf32> to vector<16xi32>
    %jit3A_62 = arith.constant 0 : i32
    %jit3A_63 = arith.constant 1000000 : i32
    %max3A_64 = vector.broadcast %jit3A_62 : i32 to vector<16xi32>
    %max3A_65 = arith.maxsi %max3A_64, %convert_element_type3A_61 : vector<16xi32>
    %min3A_66 = vector.broadcast %jit3A_63 : i32 to vector<16xi32>
    %min3A_67 = arith.minsi %min3A_66, %max3A_65 : vector<16xi32>
    %swap3A_68 = arith.constant 0 : i32
    %swap3A_69 = arith.index_cast %swap3A_68 : i32 to index
    %swap3A_70 = arith.constant 64 : index
    %swap3A_71 = tpu.vector_load %arg6[%swap3A_69, %swap3A_70] {strides = array<i32>} : memref<1x512xi32, #tpu.memory_space<vmem>>, vector<16xi32>,
    tpu.vector_store %arg6[%swap3A_69, %swap3A_70], %min3A_67 {strides = array<i32>} : memref<1x512xi32, #tpu.memory_space<vmem>>, vector<16xi32>,
    %get3A_72 = arith.constant 0 : i32
    %get3A_73 = arith.index_cast %get3A_72 : i32 to index
    %get3A_74 = arith.constant 80 : index
    %get3A_75 = tpu.vector_load %arg5[%get3A_73, %get3A_74] {strides = array<i32>} : memref<1x512xf32, #tpu.memory_space<vmem>>, vector<16xf32>,
    %convert_element_type3A_76 = arith.fptosi %get3A_75 : vector<16xf32> to vector<16xi32>
    %jit3A_77 = arith.constant 0 : i32
    %jit3A_78 = arith.constant 1000000 : i32
    %max3A_79 = vector.broadcast %jit3A_77 : i32 to vector<16xi32>
    %max3A_80 = arith.maxsi %max3A_79, %convert_element_type3A_76 : vector<16xi32>
    %min3A_81 = vector.broadcast %jit3A_78 : i32 to vector<16xi32>
    %min3A_82 = arith.minsi %min3A_81, %max3A_80 : vector<16xi32>
    %swap3A_83 = arith.constant 0 : i32
    %swap3A_84 = arith.index_cast %swap3A_83 : i32 to index
    %swap3A_85 = arith.constant 80 : index
    %swap3A_86 = tpu.vector_load %arg6[%swap3A_84, %swap3A_85] {strides = array<i32>} : memref<1x512xi32, #tpu.memory_space<vmem>>, vector<16xi32>,
    tpu.vector_store %arg6[%swap3A_84, %swap3A_85], %min3A_82 {strides = array<i32>} : memref<1x512xi32, #tpu.memory_space<vmem>>, vector<16xi32>,
    %get3A_87 = arith.constant 0 : i32
    %get3A_88 = arith.index_cast %get3A_87 : i32 to index
    %get3A_89 = arith.constant 96 : index
    %get3A_90 = tpu.vector_load %arg5[%get3A_88, %get3A_89] {strides = array<i32>} : memref<1x512xf32, #tpu.memory_space<vmem>>, vector<16xf32>,
    %convert_element_type3A_91 = arith.fptosi %get3A_90 : vector<16xf32> to vector<16xi32>
    %jit3A_92 = arith.constant 0 : i32
    %jit3A_93 = arith.constant 1000000 : i32
    %max3A_94 = vector.broadcast %jit3A_92 : i32 to vector<16xi32>
    %max3A_95 = arith.maxsi %max3A_94, %convert_element_type3A_91 : vector<16xi32>
    %min3A_96 = vector.broadcast %jit3A_93 : i32 to vector<16xi32>
    %min3A_97 = arith.minsi %min3A_96, %max3A_95 : vector<16xi32>
    %swap3A_98 = arith.constant 0 : i32
    %swap3A_99 = arith.index_cast %swap3A_98 : i32 to index
    %swap3A_100 = arith.constant 96 : index
    %swap3A_101 = tpu.vector_load %arg6[%swap3A_99, %swap3A_100] {strides = array<i32>} : memref<1x512xi32, #tpu.memory_space<vmem>>, vector<16xi32>,
    tpu.vector_store %arg6[%swap3A_99, %swap3A_100], %min3A_97 {strides = array<i32>} : memref<1x512xi32, #tpu.memory_space<vmem>>, vector<16xi32>,
    %get3A_102 = arith.constant 0 : i32
    %get3A_103 = arith.index_cast %get3A_102 : i32 to index
    %get3A_104 = arith.constant 112 : index
    %get3A_105 = tpu.vector_load %arg5[%get3A_103, %get3A_104] {strides = array<i32>} : memref<1x512xf32, #tpu.memory_space<vmem>>, vector<16xf32>,
    %convert_element_type3A_106 = arith.fptosi %get3A_105 : vector<16xf32> to vector<16xi32>
    %jit3A_107 = arith.constant 0 : i32
    %jit3A_108 = arith.constant 1000000 : i32
    %max3A_109 = vector.broadcast %jit3A_107 : i32 to vector<16xi32>
    %max3A_110 = arith.maxsi %max3A_109, %convert_element_type3A_106 : vector<16xi32>
    %min3A_111 = vector.broadcast %jit3A_108 : i32 to vector<16xi32>
    %min3A_112 = arith.minsi %min3A_111, %max3A_110 : vector<16xi32>
    %swap3A_113 = arith.constant 0 : i32
    %swap3A_114 = arith.index_cast %swap3A_113 : i32 to index
    %swap3A_115 = arith.constant 112 : index
    %swap3A_116 = tpu.vector_load %arg6[%swap3A_114, %swap3A_115] {strides = array<i32>} : memref<1x512xi32, #tpu.memory_space<vmem>>, vector<16xi32>,
    tpu.vector_store %arg6[%swap3A_114, %swap3A_115], %min3A_112 {strides = array<i32>} : memref<1x512xi32, #tpu.memory_space<vmem>>, vector<16xi32>,
    %get3A_117 = arith.constant 0 : i32
    %get3A_118 = arith.index_cast %get3A_117 : i32 to index
    %get3A_119 = arith.constant 128 : index
    %get3A_120 = tpu.vector_load %arg5[%get3A_118, %get3A_119] {strides = array<i32>} : memref<1x512xf32, #tpu.memory_space<vmem>>, vector<16xf32>,
    %convert_element_type3A_121 = arith.fptosi %get3A_120 : vector<16xf32> to vector<16xi32>
    %jit3A_122 = arith.constant 0 : i32
    %jit3A_123 = arith.constant 1000000 : i32
    %max3A_124 = vector.broadcast %jit3A_122 : i32 to vector<16xi32>
    %max3A_125 = arith.maxsi %max3A_124, %convert_element_type3A_121 : vector<16xi32>
    %min3A_126 = vector.broadcast %jit3A_123 : i32 to vector<16xi32>
    %min3A_127 = arith.minsi %min3A_126, %max3A_125 : vector<16xi32>
    %swap3A_128 = arith.constant 0 : i32
    %swap3A_129 = arith.index_cast %swap3A_128 : i32 to index
    %swap3A_130 = arith.constant 128 : index
    %swap3A_131 = tpu.vector_load %arg6[%swap3A_129, %swap3A_130] {strides = array<i32>} : memref<1x512xi32, #tpu.memory_space<vmem>>, vector<16xi32>,
    tpu.vector_store %arg6[%swap3A_129, %swap3A_130], %min3A_127 {strides = array<i32>} : memref<1x512xi32, #tpu.memory_space<vmem>>, vector<16xi32>,
    %get3A_132 = arith.constant 0 : i32
    %get3A_133 = arith.index_cast %get3A_132 : i32 to index
    %get3A_134 = arith.constant 144 : index
    %get3A_135 = tpu.vector_load %arg5[%get3A_133, %get3A_134] {strides = array<i32>} : memref<1x512xf32, #tpu.memory_space<vmem>>, vector<16xf32>,
    %convert_element_type3A_136 = arith.fptosi %get3A_135 : vector<16xf32> to vector<16xi32>
    %jit3A_137 = arith.constant 0 : i32
    %jit3A_138 = arith.constant 1000000 : i32
    %max3A_139 = vector.broadcast %jit3A_137 : i32 to vector<16xi32>
    %max3A_140 = arith.maxsi %max3A_139, %convert_element_type3A_136 : vector<16xi32>
    %min3A_141 = vector.broadcast %jit3A_138 : i32 to vector<16xi32>
    %min3A_142 = arith.minsi %min3A_141, %max3A_140 : vector<16xi32>
    %swap3A_143 = arith.constant 0 : i32
    %swap3A_144 = arith.index_cast %swap3A_143 : i32 to index
    %swap3A_145 = arith.constant 144 : index
    %swap3A_146 = tpu.vector_load %arg6[%swap3A_144, %swap3A_145] {strides = array<i32>} : memref<1x512xi32, #tpu.memory_space<vmem>>, vector<16xi32>,
    tpu.vector_store %arg6[%swap3A_144, %swap3A_145], %min3A_142 {strides = array<i32>} : memref<1x512xi32, #tpu.memory_space<vmem>>, vector<16xi32>,
    %get3A_147 = arith.constant 0 : i32
    %get3A_148 = arith.index_cast %get3A_147 : i32 to index
    %get3A_149 = arith.constant 160 : index
    %get3A_150 = tpu.vector_load %arg5[%get3A_148, %get3A_149] {strides = array<i32>} : memref<1x512xf32, #tpu.memory_space<vmem>>, vector<16xf32>,
    %convert_element_type3A_151 = arith.fptosi %get3A_150 : vector<16xf32> to vector<16xi32>
    %jit3A_152 = arith.constant 0 : i32
    %jit3A_153 = arith.constant 1000000 : i32
    %max3A_154 = vector.broadcast %jit3A_152 : i32 to vector<16xi32>
    %max3A_155 = arith.maxsi %max3A_154, %convert_element_type3A_151 : vector<16xi32>
    %min3A_156 = vector.broadcast %jit3A_153 : i32 to vector<16xi32>
    %min3A_157 = arith.minsi %min3A_156, %max3A_155 : vector<16xi32>
    %swap3A_158 = arith.constant 0 : i32
    %swap3A_159 = arith.index_cast %swap3A_158 : i32 to index
    %swap3A_160 = arith.constant 160 : index
    %swap3A_161 = tpu.vector_load %arg6[%swap3A_159, %swap3A_160] {strides = array<i32>} : memref<1x512xi32, #tpu.memory_space<vmem>>, vector<16xi32>,
    tpu.vector_store %arg6[%swap3A_159, %swap3A_160], %min3A_157 {strides = array<i32>} : memref<1x512xi32, #tpu.memory_space<vmem>>, vector<16xi32>,
    %get3A_162 = arith.constant 0 : i32
    %get3A_163 = arith.index_cast %get3A_162 : i32 to index
    %get3A_164 = arith.constant 176 : index
    %get3A_165 = tpu.vector_load %arg5[%get3A_163, %get3A_164] {strides = array<i32>} : memref<1x512xf32, #tpu.memory_space<vmem>>, vector<16xf32>,
    %convert_element_type3A_166 = arith.fptosi %get3A_165 : vector<16xf32> to vector<16xi32>
    %jit3A_167 = arith.constant 0 : i32
    %jit3A_168 = arith.constant 1000000 : i32
    %max3A_169 = vector.broadcast %jit3A_167 : i32 to vector<16xi32>
    %max3A_170 = arith.maxsi %max3A_169, %convert_element_type3A_166 : vector<16xi32>
    %min3A_171 = vector.broadcast %jit3A_168 : i32 to vector<16xi32>
    %min3A_172 = arith.minsi %min3A_171, %max3A_170 : vector<16xi32>
    %swap3A_173 = arith.constant 0 : i32
    %swap3A_174 = arith.index_cast %swap3A_173 : i32 to index
    %swap3A_175 = arith.constant 176 : index
    %swap3A_176 = tpu.vector_load %arg6[%swap3A_174, %swap3A_175] {strides = array<i32>} : memref<1x512xi32, #tpu.memory_space<vmem>>, vector<16xi32>,
    tpu.vector_store %arg6[%swap3A_174, %swap3A_175], %min3A_172 {strides = array<i32>} : memref<1x512xi32, #tpu.memory_space<vmem>>, vector<16xi32>,
    %get3A_177 = arith.constant 0 : i32
    %get3A_178 = arith.index_cast %get3A_177 : i32 to index
    %get3A_179 = arith.constant 192 : index
    %get3A_180 = tpu.vector_load %arg5[%get3A_178, %get3A_179] {strides = array<i32>} : memref<1x512xf32, #tpu.memory_space<vmem>>, vector<16xf32>,
    %convert_element_type3A_181 = arith.fptosi %get3A_180 : vector<16xf32> to vector<16xi32>
    %jit3A_182 = arith.constant 0 : i32
    %jit3A_183 = arith.constant 1000000 : i32
    %max3A_184 = vector.broadcast %jit3A_182 : i32 to vector<16xi32>
    %max3A_185 = arith.maxsi %max3A_184, %convert_element_type3A_181 : vector<16xi32>
    %min3A_186 = vector.broadcast %jit3A_183 : i32 to vector<16xi32>
    %min3A_187 = arith.minsi %min3A_186, %max3A_185 : vector<16xi32>
    %swap3A_188 = arith.constant 0 : i32
    %swap3A_189 = arith.index_cast %swap3A_188 : i32 to index
    %swap3A_190 = arith.constant 192 : index
    %swap3A_191 = tpu.vector_load %arg6[%swap3A_189, %swap3A_190] {strides = array<i32>} : memref<1x512xi32, #tpu.memory_space<vmem>>, vector<16xi32>,
    tpu.vector_store %arg6[%swap3A_189, %swap3A_190], %min3A_187 {strides = array<i32>} : memref<1x512xi32, #tpu.memory_space<vmem>>, vector<16xi32>,
    %get3A_192 = arith.constant 0 : i32
    %get3A_193 = arith.index_cast %get3A_192 : i32 to index
    %get3A_194 = arith.constant 208 : index
    %get3A_195 = tpu.vector_load %arg5[%get3A_193, %get3A_194] {strides = array<i32>} : memref<1x512xf32, #tpu.memory_space<vmem>>, vector<16xf32>,
    %convert_element_type3A_196 = arith.fptosi %get3A_195 : vector<16xf32> to vector<16xi32>
    %jit3A_197 = arith.constant 0 : i32
    %jit3A_198 = arith.constant 1000000 : i32
    %max3A_199 = vector.broadcast %jit3A_197 : i32 to vector<16xi32>
    %max3A_200 = arith.maxsi %max3A_199, %convert_element_type3A_196 : vector<16xi32>
    %min3A_201 = vector.broadcast %jit3A_198 : i32 to vector<16xi32>
    %min3A_202 = arith.minsi %min3A_201, %max3A_200 : vector<16xi32>
    %swap3A_203 = arith.constant 0 : i32
    %swap3A_204 = arith.index_cast %swap3A_203 : i32 to index
    %swap3A_205 = arith.constant 208 : index
    %swap3A_206 = tpu.vector_load %arg6[%swap3A_204, %swap3A_205] {strides = array<i32>} : memref<1x512xi32, #tpu.memory_space<vmem>>, vector<16xi32>,
    tpu.vector_store %arg6[%swap3A_204, %swap3A_205], %min3A_202 {strides = array<i32>} : memref<1x512xi32, #tpu.memory_space<vmem>>, vector<16xi32>,
    %get3A_207 = arith.constant 0 : i32
    %get3A_208 = arith.index_cast %get3A_207 : i32 to index
    %get3A_209 = arith.constant 224 : index
    %get3A_210 = tpu.vector_load %arg5[%get3A_208, %get3A_209] {strides = array<i32>} : memref<1x512xf32, #tpu.memory_space<vmem>>, vector<16xf32>,
    %convert_element_type3A_211 = arith.fptosi %get3A_210 : vector<16xf32> to vector<16xi32>
    %jit3A_212 = arith.constant 0 : i32
    %jit3A_213 = arith.constant 1000000 : i32
    %max3A_214 = vector.broadcast %jit3A_212 : i32 to vector<16xi32>
    %max3A_215 = arith.maxsi %max3A_214, %convert_element_type3A_211 : vector<16xi32>
    %min3A_216 = vector.broadcast %jit3A_213 : i32 to vector<16xi32>
    %min3A_217 = arith.minsi %min3A_216, %max3A_215 : vector<16xi32>
    %swap3A_218 = arith.constant 0 : i32
    %swap3A_219 = arith.index_cast %swap3A_218 : i32 to index
    %swap3A_220 = arith.constant 224 : index
    %swap3A_221 = tpu.vector_load %arg6[%swap3A_219, %swap3A_220] {strides = array<i32>} : memref<1x512xi32, #tpu.memory_space<vmem>>, vector<16xi32>,
    tpu.vector_store %arg6[%swap3A_219, %swap3A_220], %min3A_217 {strides = array<i32>} : memref<1x512xi32, #tpu.memory_space<vmem>>, vector<16xi32>,
    %get3A_222 = arith.constant 0 : i32
    %get3A_223 = arith.index_cast %get3A_222 : i32 to index
    %get3A_224 = arith.constant 240 : index
    %get3A_225 = tpu.vector_load %arg5[%get3A_223, %get3A_224] {strides = array<i32>} : memref<1x512xf32, #tpu.memory_space<vmem>>, vector<16xf32>,
    %convert_element_type3A_226 = arith.fptosi %get3A_225 : vector<16xf32> to vector<16xi32>
    %jit3A_227 = arith.constant 0 : i32
    %jit3A_228 = arith.constant 1000000 : i32
    %max3A_229 = vector.broadcast %jit3A_227 : i32 to vector<16xi32>
    %max3A_230 = arith.maxsi %max3A_229, %convert_element_type3A_226 : vector<16xi32>
    %min3A_231 = vector.broadcast %jit3A_228 : i32 to vector<16xi32>
    %min3A_232 = arith.minsi %min3A_231, %max3A_230 : vector<16xi32>
    %swap3A_233 = arith.constant 0 : i32
    %swap3A_234 = arith.index_cast %swap3A_233 : i32 to index
    %swap3A_235 = arith.constant 240 : index
    %swap3A_236 = tpu.vector_load %arg6[%swap3A_234, %swap3A_235] {strides = array<i32>} : memref<1x512xi32, #tpu.memory_space<vmem>>, vector<16xi32>,
    tpu.vector_store %arg6[%swap3A_234, %swap3A_235], %min3A_232 {strides = array<i32>} : memref<1x512xi32, #tpu.memory_space<vmem>>, vector<16xi32>,
    %get3A_237 = arith.constant 0 : i32
    %get3A_238 = arith.index_cast %get3A_237 : i32 to index
    %get3A_239 = arith.constant 256 : index
    %get3A_240 = tpu.vector_load %arg5[%get3A_238, %get3A_239] {strides = array<i32>} : memref<1x512xf32, #tpu.memory_space<vmem>>, vector<16xf32>,
    %convert_element_type3A_241 = arith.fptosi %get3A_240 : vector<16xf32> to vector<16xi32>
    %jit3A_242 = arith.constant 0 : i32
    %jit3A_243 = arith.constant 1000000 : i32
    %max3A_244 = vector.broadcast %jit3A_242 : i32 to vector<16xi32>
    %max3A_245 = arith.maxsi %max3A_244, %convert_element_type3A_241 : vector<16xi32>
    %min3A_246 = vector.broadcast %jit3A_243 : i32 to vector<16xi32>
    %min3A_247 = arith.minsi %min3A_246, %max3A_245 : vector<16xi32>
    %swap3A_248 = arith.constant 0 : i32
    %swap3A_249 = arith.index_cast %swap3A_248 : i32 to index
    %swap3A_250 = arith.constant 256 : index
    %swap3A_251 = tpu.vector_load %arg6[%swap3A_249, %swap3A_250] {strides = array<i32>} : memref<1x512xi32, #tpu.memory_space<vmem>>, vector<16xi32>,
    tpu.vector_store %arg6[%swap3A_249, %swap3A_250], %min3A_247 {strides = array<i32>} : memref<1x512xi32, #tpu.memory_space<vmem>>, vector<16xi32>,
    %get3A_252 = arith.constant 0 : i32
    %get3A_253 = arith.index_cast %get3A_252 : i32 to index
    %get3A_254 = arith.constant 272 : index
    %get3A_255 = tpu.vector_load %arg5[%get3A_253, %get3A_254] {strides = array<i32>} : memref<1x512xf32, #tpu.memory_space<vmem>>, vector<16xf32>,
    %convert_element_type3A_256 = arith.fptosi %get3A_255 : vector<16xf32> to vector<16xi32>
    %jit3A_257 = arith.constant 0 : i32
    %jit3A_258 = arith.constant 1000000 : i32
    %max3A_259 = vector.broadcast %jit3A_257 : i32 to vector<16xi32>
    %max3A_260 = arith.maxsi %max3A_259, %convert_element_type3A_256 : vector<16xi32>
    %min3A_261 = vector.broadcast %jit3A_258 : i32 to vector<16xi32>
    %min3A_262 = arith.minsi %min3A_261, %max3A_260 : vector<16xi32>
    %swap3A_263 = arith.constant 0 : i32
    %swap3A_264 = arith.index_cast %swap3A_263 : i32 to index
    %swap3A_265 = arith.constant 272 : index
    %swap3A_266 = tpu.vector_load %arg6[%swap3A_264, %swap3A_265] {strides = array<i32>} : memref<1x512xi32, #tpu.memory_space<vmem>>, vector<16xi32>,
    tpu.vector_store %arg6[%swap3A_264, %swap3A_265], %min3A_262 {strides = array<i32>} : memref<1x512xi32, #tpu.memory_space<vmem>>, vector<16xi32>,
    %get3A_267 = arith.constant 0 : i32
    %get3A_268 = arith.index_cast %get3A_267 : i32 to index
    %get3A_269 = arith.constant 288 : index
    %get3A_270 = tpu.vector_load %arg5[%get3A_268, %get3A_269] {strides = array<i32>} : memref<1x512xf32, #tpu.memory_space<vmem>>, vector<16xf32>,
    %convert_element_type3A_271 = arith.fptosi %get3A_270 : vector<16xf32> to vector<16xi32>
    %jit3A_272 = arith.constant 0 : i32
    %jit3A_273 = arith.constant 1000000 : i32
    %max3A_274 = vector.broadcast %jit3A_272 : i32 to vector<16xi32>
    %max3A_275 = arith.maxsi %max3A_274, %convert_element_type3A_271 : vector<16xi32>
    %min3A_276 = vector.broadcast %jit3A_273 : i32 to vector<16xi32>
    %min3A_277 = arith.minsi %min3A_276, %max3A_275 : vector<16xi32>
    %swap3A_278 = arith.constant 0 : i32
    %swap3A_279 = arith.index_cast %swap3A_278 : i32 to index
    %swap3A_280 = arith.constant 288 : index
    %swap3A_281 = tpu.vector_load %arg6[%swap3A_279, %swap3A_280] {strides = array<i32>} : memref<1x512xi32, #tpu.memory_space<vmem>>, vector<16xi32>,
    tpu.vector_store %arg6[%swap3A_279, %swap3A_280], %min3A_277 {strides = array<i32>} : memref<1x512xi32, #tpu.memory_space<vmem>>, vector<16xi32>,
    %get3A_282 = arith.constant 0 : i32
    %get3A_283 = arith.index_cast %get3A_282 : i32 to index
    %get3A_284 = arith.constant 304 : index
    %get3A_285 = tpu.vector_load %arg5[%get3A_283, %get3A_284] {strides = array<i32>} : memref<1x512xf32, #tpu.memory_space<vmem>>, vector<16xf32>,
    %convert_element_type3A_286 = arith.fptosi %get3A_285 : vector<16xf32> to vector<16xi32>
    %jit3A_287 = arith.constant 0 : i32
    %jit3A_288 = arith.constant 1000000 : i32
    %max3A_289 = vector.broadcast %jit3A_287 : i32 to vector<16xi32>
    %max3A_290 = arith.maxsi %max3A_289, %convert_element_type3A_286 : vector<16xi32>
    %min3A_291 = vector.broadcast %jit3A_288 : i32 to vector<16xi32>
    %min3A_292 = arith.minsi %min3A_291, %max3A_290 : vector<16xi32>
    %swap3A_293 = arith.constant 0 : i32
    %swap3A_294 = arith.index_cast %swap3A_293 : i32 to index
    %swap3A_295 = arith.constant 304 : index
    %swap3A_296 = tpu.vector_load %arg6[%swap3A_294, %swap3A_295] {strides = array<i32>} : memref<1x512xi32, #tpu.memory_space<vmem>>, vector<16xi32>,
    tpu.vector_store %arg6[%swap3A_294, %swap3A_295], %min3A_292 {strides = array<i32>} : memref<1x512xi32, #tpu.memory_space<vmem>>, vector<16xi32>,
    %get3A_297 = arith.constant 0 : i32
    %get3A_298 = arith.index_cast %get3A_297 : i32 to index
    %get3A_299 = arith.constant 320 : index
    %get3A_300 = tpu.vector_load %arg5[%get3A_298, %get3A_299] {strides = array<i32>} : memref<1x512xf32, #tpu.memory_space<vmem>>, vector<16xf32>,
    %convert_element_type3A_301 = arith.fptosi %get3A_300 : vector<16xf32> to vector<16xi32>
    %jit3A_302 = arith.constant 0 : i32
    %jit3A_303 = arith.constant 1000000 : i32
    %max3A_304 = vector.broadcast %jit3A_302 : i32 to vector<16xi32>
    %max3A_305 = arith.maxsi %max3A_304, %convert_element_type3A_301 : vector<16xi32>
    %min3A_306 = vector.broadcast %jit3A_303 : i32 to vector<16xi32>
    %min3A_307 = arith.minsi %min3A_306, %max3A_305 : vector<16xi32>
    %swap3A_308 = arith.constant 0 : i32
    %swap3A_309 = arith.index_cast %swap3A_308 : i32 to index
    %swap3A_310 = arith.constant 320 : index
    %swap3A_311 = tpu.vector_load %arg6[%swap3A_309, %swap3A_310] {strides = array<i32>} : memref<1x512xi32, #tpu.memory_space<vmem>>, vector<16xi32>,
    tpu.vector_store %arg6[%swap3A_309, %swap3A_310], %min3A_307 {strides = array<i32>} : memref<1x512xi32, #tpu.memory_space<vmem>>, vector<16xi32>,
    %get3A_312 = arith.constant 0 : i32
    %get3A_313 = arith.index_cast %get3A_312 : i32 to index
    %get3A_314 = arith.constant 336 : index
    %get3A_315 = tpu.vector_load %arg5[%get3A_313, %get3A_314] {strides = array<i32>} : memref<1x512xf32, #tpu.memory_space<vmem>>, vector<16xf32>,
    %convert_element_type3A_316 = arith.fptosi %get3A_315 : vector<16xf32> to vector<16xi32>
    %jit3A_317 = arith.constant 0 : i32
    %jit3A_318 = arith.constant 1000000 : i32
    %max3A_319 = vector.broadcast %jit3A_317 : i32 to vector<16xi32>
    %max3A_320 = arith.maxsi %max3A_319, %convert_element_type3A_316 : vector<16xi32>
    %min3A_321 = vector.broadcast %jit3A_318 : i32 to vector<16xi32>
    %min3A_322 = arith.minsi %min3A_321, %max3A_320 : vector<16xi32>
    %swap3A_323 = arith.constant 0 : i32
    %swap3A_324 = arith.index_cast %swap3A_323 : i32 to index
    %swap3A_325 = arith.constant 336 : index
    %swap3A_326 = tpu.vector_load %arg6[%swap3A_324, %swap3A_325] {strides = array<i32>} : memref<1x512xi32, #tpu.memory_space<vmem>>, vector<16xi32>,
    tpu.vector_store %arg6[%swap3A_324, %swap3A_325], %min3A_322 {strides = array<i32>} : memref<1x512xi32, #tpu.memory_space<vmem>>, vector<16xi32>,
    %get3A_327 = arith.constant 0 : i32
    %get3A_328 = arith.index_cast %get3A_327 : i32 to index
    %get3A_329 = arith.constant 352 : index
    %get3A_330 = tpu.vector_load %arg5[%get3A_328, %get3A_329] {strides = array<i32>} : memref<1x512xf32, #tpu.memory_space<vmem>>, vector<16xf32>,
    %convert_element_type3A_331 = arith.fptosi %get3A_330 : vector<16xf32> to vector<16xi32>
    %jit3A_332 = arith.constant 0 : i32
    %jit3A_333 = arith.constant 1000000 : i32
    %max3A_334 = vector.broadcast %jit3A_332 : i32 to vector<16xi32>
    %max3A_335 = arith.maxsi %max3A_334, %convert_element_type3A_331 : vector<16xi32>
    %min3A_336 = vector.broadcast %jit3A_333 : i32 to vector<16xi32>
    %min3A_337 = arith.minsi %min3A_336, %max3A_335 : vector<16xi32>
    %swap3A_338 = arith.constant 0 : i32
    %swap3A_339 = arith.index_cast %swap3A_338 : i32 to index
    %swap3A_340 = arith.constant 352 : index
    %swap3A_341 = tpu.vector_load %arg6[%swap3A_339, %swap3A_340] {strides = array<i32>} : memref<1x512xi32, #tpu.memory_space<vmem>>, vector<16xi32>,
    tpu.vector_store %arg6[%swap3A_339, %swap3A_340], %min3A_337 {strides = array<i32>} : memref<1x512xi32, #tpu.memory_space<vmem>>, vector<16xi32>,
    %get3A_342 = arith.constant 0 : i32
    %get3A_343 = arith.index_cast %get3A_342 : i32 to index
    %get3A_344 = arith.constant 368 : index
    %get3A_345 = tpu.vector_load %arg5[%get3A_343, %get3A_344] {strides = array<i32>} : memref<1x512xf32, #tpu.memory_space<vmem>>, vector<16xf32>,
    %convert_element_type3A_346 = arith.fptosi %get3A_345 : vector<16xf32> to vector<16xi32>
    %jit3A_347 = arith.constant 0 : i32
    %jit3A_348 = arith.constant 1000000 : i32
    %max3A_349 = vector.broadcast %jit3A_347 : i32 to vector<16xi32>
    %max3A_350 = arith.maxsi %max3A_349, %convert_element_type3A_346 : vector<16xi32>
    %min3A_351 = vector.broadcast %jit3A_348 : i32 to vector<16xi32>
    %min3A_352 = arith.minsi %min3A_351, %max3A_350 : vector<16xi32>
    %swap3A_353 = arith.constant 0 : i32
    %swap3A_354 = arith.index_cast %swap3A_353 : i32 to index
    %swap3A_355 = arith.constant 368 : index
    %swap3A_356 = tpu.vector_load %arg6[%swap3A_354, %swap3A_355] {strides = array<i32>} : memref<1x512xi32, #tpu.memory_space<vmem>>, vector<16xi32>,
    tpu.vector_store %arg6[%swap3A_354, %swap3A_355], %min3A_352 {strides = array<i32>} : memref<1x512xi32, #tpu.memory_space<vmem>>, vector<16xi32>,
    %get3A_357 = arith.constant 0 : i32
    %get3A_358 = arith.index_cast %get3A_357 : i32 to index
    %get3A_359 = arith.constant 384 : index
    %get3A_360 = tpu.vector_load %arg5[%get3A_358, %get3A_359] {strides = array<i32>} : memref<1x512xf32, #tpu.memory_space<vmem>>, vector<16xf32>,
    %convert_element_type3A_361 = arith.fptosi %get3A_360 : vector<16xf32> to vector<16xi32>
    %jit3A_362 = arith.constant 0 : i32
    %jit3A_363 = arith.constant 1000000 : i32
    %max3A_364 = vector.broadcast %jit3A_362 : i32 to vector<16xi32>
    %max3A_365 = arith.maxsi %max3A_364, %convert_element_type3A_361 : vector<16xi32>
    %min3A_366 = vector.broadcast %jit3A_363 : i32 to vector<16xi32>
    %min3A_367 = arith.minsi %min3A_366, %max3A_365 : vector<16xi32>
    %swap3A_368 = arith.constant 0 : i32
    %swap3A_369 = arith.index_cast %swap3A_368 : i32 to index
    %swap3A_370 = arith.constant 384 : index
    %swap3A_371 = tpu.vector_load %arg6[%swap3A_369, %swap3A_370] {strides = array<i32>} : memref<1x512xi32, #tpu.memory_space<vmem>>, vector<16xi32>,
    tpu.vector_store %arg6[%swap3A_369, %swap3A_370], %min3A_367 {strides = array<i32>} : memref<1x512xi32, #tpu.memory_space<vmem>>, vector<16xi32>,
    %get3A_372 = arith.constant 0 : i32
    %get3A_373 = arith.index_cast %get3A_372 : i32 to index
    %get3A_374 = arith.constant 400 : index
    %get3A_375 = tpu.vector_load %arg5[%get3A_373, %get3A_374] {strides = array<i32>} : memref<1x512xf32, #tpu.memory_space<vmem>>, vector<16xf32>,
    %convert_element_type3A_376 = arith.fptosi %get3A_375 : vector<16xf32> to vector<16xi32>
    %jit3A_377 = arith.constant 0 : i32
    %jit3A_378 = arith.constant 1000000 : i32
    %max3A_379 = vector.broadcast %jit3A_377 : i32 to vector<16xi32>
    %max3A_380 = arith.maxsi %max3A_379, %convert_element_type3A_376 : vector<16xi32>
    %min3A_381 = vector.broadcast %jit3A_378 : i32 to vector<16xi32>
    %min3A_382 = arith.minsi %min3A_381, %max3A_380 : vector<16xi32>
    %swap3A_383 = arith.constant 0 : i32
    %swap3A_384 = arith.index_cast %swap3A_383 : i32 to index
    %swap3A_385 = arith.constant 400 : index
    %swap3A_386 = tpu.vector_load %arg6[%swap3A_384, %swap3A_385] {strides = array<i32>} : memref<1x512xi32, #tpu.memory_space<vmem>>, vector<16xi32>,
    tpu.vector_store %arg6[%swap3A_384, %swap3A_385], %min3A_382 {strides = array<i32>} : memref<1x512xi32, #tpu.memory_space<vmem>>, vector<16xi32>,
    %get3A_387 = arith.constant 0 : i32
    %get3A_388 = arith.index_cast %get3A_387 : i32 to index
    %get3A_389 = arith.constant 416 : index
    %get3A_390 = tpu.vector_load %arg5[%get3A_388, %get3A_389] {strides = array<i32>} : memref<1x512xf32, #tpu.memory_space<vmem>>, vector<16xf32>,
    %convert_element_type3A_391 = arith.fptosi %get3A_390 : vector<16xf32> to vector<16xi32>
    %jit3A_392 = arith.constant 0 : i32
    %jit3A_393 = arith.constant 1000000 : i32
    %max3A_394 = vector.broadcast %jit3A_392 : i32 to vector<16xi32>
    %max3A_395 = arith.maxsi %max3A_394, %convert_element_type3A_391 : vector<16xi32>
    %min3A_396 = vector.broadcast %jit3A_393 : i32 to vector<16xi32>
    %min3A_397 = arith.minsi %min3A_396, %max3A_395 : vector<16xi32>
    %swap3A_398 = arith.constant 0 : i32
    %swap3A_399 = arith.index_cast %swap3A_398 : i32 to index
    %swap3A_400 = arith.constant 416 : index
    %swap3A_401 = tpu.vector_load %arg6[%swap3A_399, %swap3A_400] {strides = array<i32>} : memref<1x512xi32, #tpu.memory_space<vmem>>, vector<16xi32>,
    tpu.vector_store %arg6[%swap3A_399, %swap3A_400], %min3A_397 {strides = array<i32>} : memref<1x512xi32, #tpu.memory_space<vmem>>, vector<16xi32>,
    %get3A_402 = arith.constant 0 : i32
    %get3A_403 = arith.index_cast %get3A_402 : i32 to index
    %get3A_404 = arith.constant 432 : index
    %get3A_405 = tpu.vector_load %arg5[%get3A_403, %get3A_404] {strides = array<i32>} : memref<1x512xf32, #tpu.memory_space<vmem>>, vector<16xf32>,
    %convert_element_type3A_406 = arith.fptosi %get3A_405 : vector<16xf32> to vector<16xi32>
    %jit3A_407 = arith.constant 0 : i32
    %jit3A_408 = arith.constant 1000000 : i32
    %max3A_409 = vector.broadcast %jit3A_407 : i32 to vector<16xi32>
    %max3A_410 = arith.maxsi %max3A_409, %convert_element_type3A_406 : vector<16xi32>
    %min3A_411 = vector.broadcast %jit3A_408 : i32 to vector<16xi32>
    %min3A_412 = arith.minsi %min3A_411, %max3A_410 : vector<16xi32>
    %swap3A_413 = arith.constant 0 : i32
    %swap3A_414 = arith.index_cast %swap3A_413 : i32 to index
    %swap3A_415 = arith.constant 432 : index
    %swap3A_416 = tpu.vector_load %arg6[%swap3A_414, %swap3A_415] {strides = array<i32>} : memref<1x512xi32, #tpu.memory_space<vmem>>, vector<16xi32>,
    tpu.vector_store %arg6[%swap3A_414, %swap3A_415], %min3A_412 {strides = array<i32>} : memref<1x512xi32, #tpu.memory_space<vmem>>, vector<16xi32>,
    %get3A_417 = arith.constant 0 : i32
    %get3A_418 = arith.index_cast %get3A_417 : i32 to index
    %get3A_419 = arith.constant 448 : index
    %get3A_420 = tpu.vector_load %arg5[%get3A_418, %get3A_419] {strides = array<i32>} : memref<1x512xf32, #tpu.memory_space<vmem>>, vector<16xf32>,
    %convert_element_type3A_421 = arith.fptosi %get3A_420 : vector<16xf32> to vector<16xi32>
    %jit3A_422 = arith.constant 0 : i32
    %jit3A_423 = arith.constant 1000000 : i32
    %max3A_424 = vector.broadcast %jit3A_422 : i32 to vector<16xi32>
    %max3A_425 = arith.maxsi %max3A_424, %convert_element_type3A_421 : vector<16xi32>
    %min3A_426 = vector.broadcast %jit3A_423 : i32 to vector<16xi32>
    %min3A_427 = arith.minsi %min3A_426, %max3A_425 : vector<16xi32>
    %swap3A_428 = arith.constant 0 : i32
    %swap3A_429 = arith.index_cast %swap3A_428 : i32 to index
    %swap3A_430 = arith.constant 448 : index
    %swap3A_431 = tpu.vector_load %arg6[%swap3A_429, %swap3A_430] {strides = array<i32>} : memref<1x512xi32, #tpu.memory_space<vmem>>, vector<16xi32>,
    tpu.vector_store %arg6[%swap3A_429, %swap3A_430], %min3A_427 {strides = array<i32>} : memref<1x512xi32, #tpu.memory_space<vmem>>, vector<16xi32>,
    %get3A_432 = arith.constant 0 : i32
    %get3A_433 = arith.index_cast %get3A_432 : i32 to index
    %get3A_434 = arith.constant 464 : index
    %get3A_435 = tpu.vector_load %arg5[%get3A_433, %get3A_434] {strides = array<i32>} : memref<1x512xf32, #tpu.memory_space<vmem>>, vector<16xf32>,
    %convert_element_type3A_436 = arith.fptosi %get3A_435 : vector<16xf32> to vector<16xi32>
    %jit3A_437 = arith.constant 0 : i32
    %jit3A_438 = arith.constant 1000000 : i32
    %max3A_439 = vector.broadcast %jit3A_437 : i32 to vector<16xi32>
    %max3A_440 = arith.maxsi %max3A_439, %convert_element_type3A_436 : vector<16xi32>
    %min3A_441 = vector.broadcast %jit3A_438 : i32 to vector<16xi32>
    %min3A_442 = arith.minsi %min3A_441, %max3A_440 : vector<16xi32>
    %swap3A_443 = arith.constant 0 : i32
    %swap3A_444 = arith.index_cast %swap3A_443 : i32 to index
    %swap3A_445 = arith.constant 464 : index
    %swap3A_446 = tpu.vector_load %arg6[%swap3A_444, %swap3A_445] {strides = array<i32>} : memref<1x512xi32, #tpu.memory_space<vmem>>, vector<16xi32>,
    tpu.vector_store %arg6[%swap3A_444, %swap3A_445], %min3A_442 {strides = array<i32>} : memref<1x512xi32, #tpu.memory_space<vmem>>, vector<16xi32>,
    %get3A_447 = arith.constant 0 : i32
    %get3A_448 = arith.index_cast %get3A_447 : i32 to index
    %get3A_449 = arith.constant 480 : index
    %get3A_450 = tpu.vector_load %arg5[%get3A_448, %get3A_449] {strides = array<i32>} : memref<1x512xf32, #tpu.memory_space<vmem>>, vector<16xf32>,
    %convert_element_type3A_451 = arith.fptosi %get3A_450 : vector<16xf32> to vector<16xi32>
    %jit3A_452 = arith.constant 0 : i32
    %jit3A_453 = arith.constant 1000000 : i32
    %max3A_454 = vector.broadcast %jit3A_452 : i32 to vector<16xi32>
    %max3A_455 = arith.maxsi %max3A_454, %convert_element_type3A_451 : vector<16xi32>
    %min3A_456 = vector.broadcast %jit3A_453 : i32 to vector<16xi32>
    %min3A_457 = arith.minsi %min3A_456, %max3A_455 : vector<16xi32>
    %swap3A_458 = arith.constant 0 : i32
    %swap3A_459 = arith.index_cast %swap3A_458 : i32 to index
    %swap3A_460 = arith.constant 480 : index
    %swap3A_461 = tpu.vector_load %arg6[%swap3A_459, %swap3A_460] {strides = array<i32>} : memref<1x512xi32, #tpu.memory_space<vmem>>, vector<16xi32>,
    tpu.vector_store %arg6[%swap3A_459, %swap3A_460], %min3A_457 {strides = array<i32>} : memref<1x512xi32, #tpu.memory_space<vmem>>, vector<16xi32>,
    %get3A_462 = arith.constant 0 : i32
    %get3A_463 = arith.index_cast %get3A_462 : i32 to index
    %get3A_464 = arith.constant 496 : index
    %get3A_465 = tpu.vector_load %arg5[%get3A_463, %get3A_464] {strides = array<i32>} : memref<1x512xf32, #tpu.memory_space<vmem>>, vector<16xf32>,
    %convert_element_type3A_466 = arith.fptosi %get3A_465 : vector<16xf32> to vector<16xi32>
    %jit3A_467 = arith.constant 0 : i32
    %jit3A_468 = arith.constant 1000000 : i32
    %max3A_469 = vector.broadcast %jit3A_467 : i32 to vector<16xi32>
    %max3A_470 = arith.maxsi %max3A_469, %convert_element_type3A_466 : vector<16xi32>
    %min3A_471 = vector.broadcast %jit3A_468 : i32 to vector<16xi32>
    %min3A_472 = arith.minsi %min3A_471, %max3A_470 : vector<16xi32>
    %swap3A_473 = arith.constant 0 : i32
    %swap3A_474 = arith.index_cast %swap3A_473 : i32 to index
    %swap3A_475 = arith.constant 496 : index
    %swap3A_476 = tpu.vector_load %arg6[%swap3A_474, %swap3A_475] {strides = array<i32>} : memref<1x512xi32, #tpu.memory_space<vmem>>, vector<16xi32>,
    tpu.vector_store %arg6[%swap3A_474, %swap3A_475], %min3A_472 {strides = array<i32>} : memref<1x512xi32, #tpu.memory_space<vmem>>, vector<16xi32>,
    %iota3A = tpu.iota {dimensions = array<i32: 0>} : vector<16xi32>
    %add3A_477 = arith.constant 16 : i32
    %add3A_478 = vector.broadcast %add3A_477 : i32 to vector<16xi32>
    %add3A_479 = arith.addi %iota3A, %add3A_478 : vector<16xi32>
    %multiple_of3A_480 = arith.constant 0 : i32
    %multiple_of3A_481 = tpu.assume_multiple %multiple_of3A_480, 16 : i32
    %get3A_482 = arith.constant 0 : i32
    %get3A_483 = arith.index_cast %get3A_482 : i32 to index
    %get3A_484 = arith.index_cast %multiple_of3A_481 : i32 to index
    %get3A_485 = tpu.vector_load %arg6[%get3A_483, %get3A_484] {strides = array<i32>} : memref<1x512xi32, #tpu.memory_space<vmem>>, vector<16xi32>,
    %eq3A = arith.constant 0 : i32
    %eq3A_486 = vector.broadcast %eq3A : i32 to vector<16xi32>
    %eq3A_487 = arith.cmpi eq, %iota3A, %eq3A_486 : vector<16xi32>
    %jit3A_488 = arith.constant 0 : i32
    %broadcast_in_dim3A = vector.broadcast %jit3A_488 : i32 to vector<16xi32>
    %select_n3A = arith.select %eq3A_487, %get3A_485, %broadcast_in_dim3A : vector<16xi1>, vector<16xi32>
    %reduce_sum3A = arith.constant true
    %reduce_sum3A_489 = vector.broadcast %reduce_sum3A : i1 to vector<16xi1>
    %reduce_sum3A_490 = tpu.scan <sum>, %select_n3A masked %reduce_sum3A_489 : vector<16xi32>, vector<16xi1> -> vector<16xi32>
    %reduce_sum3A_491 = vector.extract %reduce_sum3A_490[15] : i32 from vector<16xi32>
    %jit3A_492 = arith.constant 128 : i32
    %div3A = arith.divsi %reduce_sum3A_491, %jit3A_492 : i32
    %sign3A = arith.constant 0 : i32
    %sign3A_493 = arith.cmpi sgt, %reduce_sum3A_491, %sign3A : i32
    %sign3A_494 = arith.extui %sign3A_493 : i1 to i32
    %sign3A_495 = arith.constant 0 : i32
    %sign3A_496 = arith.cmpi slt, %reduce_sum3A_491, %sign3A_495 : i32
    %sign3A_497 = arith.extui %sign3A_496 : i1 to i32
    %sign3A_498 = arith.subi %sign3A_494, %sign3A_497 : i32
    %sign3A_499 = arith.constant 0 : i32
    %sign3A_500 = arith.cmpi sgt, %jit3A_492, %sign3A_499 : i32
    %sign3A_501 = arith.extui %sign3A_500 : i1 to i32
    %sign3A_502 = arith.constant 0 : i32
    %sign3A_503 = arith.cmpi slt, %jit3A_492, %sign3A_502 : i32
    %sign3A_504 = arith.extui %sign3A_503 : i1 to i32
    %sign3A_505 = arith.subi %sign3A_501, %sign3A_504 : i32
    %ne3A = arith.cmpi ne, %sign3A_498, %sign3A_505 : i32
    %rem3A = arith.remsi %reduce_sum3A_491, %jit3A_492 : i32
    %ne3A_506 = arith.constant 0 : i32
    %ne3A_507 = arith.cmpi ne, %rem3A, %ne3A_506 : i32
    %and3A = arith.andi %ne3A, %ne3A_507 : i1
    %sub3A = arith.constant 1 : i32
    %sub3A_508 = arith.subi %div3A, %sub3A : i32
    %select_n3A_509 = arith.select %and3A, %sub3A_508, %div3A : i32
    %mul3A_510 = arith.constant 128 : i32
    %mul3A_511 = arith.muli %select_n3A_509, %mul3A_510 : i32
    %multiple_of3A_512 = tpu.assume_multiple %mul3A_511, 128 : i32
    %dma_start3A = arith.constant 0 : i32
    %dma_start3A_513 = arith.constant 0 : i32
    %dma_start3A_514 = arith.constant 0 : i32
    %dma_start3A_515 = tpu.memref_slice %arg7[%dma_start3A, %dma_start3A_513, %dma_start3A_514] : memref<12x32x128xf32, #tpu.memory_space<vmem>> -> memref<1x8x128xf32, #tpu.memory_space<vmem>>
    %dma_start3A_516 = tpu.memref_squeeze %dma_start3A_515 : memref<1x8x128xf32, #tpu.memory_space<vmem>> -> memref<8x128xf32, #tpu.memory_space<vmem>>
    %dma_start3A_517 = arith.constant 0 : i32
    %dma_start3A_518 = tpu.memref_slice %arg3[%dma_start3A_517, %multiple_of3A_512] : memref<32x1000001xf32, #tpu.memory_space<hbm>> -> memref<8x128xf32, #tpu.memory_space<hbm>>
    %dma_start3A_519 = arith.constant 0 : i32
    %dma_start3A_520 = arith.constant 0 : i32
    %dma_start3A_521 = tpu.memref_slice %arg7[%dma_start3A, %dma_start3A_519, %dma_start3A_520] : memref<12x32x128xf32, #tpu.memory_space<vmem>> -> memref<1x8x128xf32, #tpu.memory_space<vmem>>
    %dma_start3A_522 = tpu.memref_squeeze %dma_start3A_521 : memref<1x8x128xf32, #tpu.memory_space<vmem>> -> memref<8x128xf32, #tpu.memory_space<vmem>>
    %dma_start3A_523 = arith.constant 0 : i32
    %dma_start3A_524 = tpu.memref_slice %arg3[%dma_start3A_523, %multiple_of3A_512] : memref<32x1000001xf32, #tpu.memory_space<hbm>> -> memref<8x128xf32, #tpu.memory_space<hbm>>
    tpu.enqueue_dma source(%dma_start3A_524 : memref<8x128xf32, #tpu.memory_space<hbm>>) target(%dma_start3A_522 : memref<8x128xf32, #tpu.memory_space<vmem>>) target_semaphore(%arg9 : memref<!tpu.dma_semaphore, #tpu.memory_space<semaphore_mem>>)
    %dma_start3A_525 = arith.constant 0 : i32
    %dma_start3A_526 = arith.constant 8 : i32
    %dma_start3A_527 = arith.constant 0 : i32
    %dma_start3A_528 = tpu.memref_slice %arg7[%dma_start3A_525, %dma_start3A_526, %dma_start3A_527] : memref<12x32x128xf32, #tpu.memory_space<vmem>> -> memref<1x8x128xf32, #tpu.memory_space<vmem>>
    %dma_start3A_529 = tpu.memref_squeeze %dma_start3A_528 : memref<1x8x128xf32, #tpu.memory_space<vmem>> -> memref<8x128xf32, #tpu.memory_space<vmem>>
    %dma_start3A_530 = arith.constant 8 : i32
    %dma_start3A_531 = tpu.memref_slice %arg3[%dma_start3A_530, %multiple_of3A_512] : memref<32x1000001xf32, #tpu.memory_space<hbm>> -> memref<8x128xf32, #tpu.memory_space<hbm>>
    %dma_start3A_532 = arith.constant 8 : i32
    %dma_start3A_533 = arith.constant 0 : i32
    %dma_start3A_534 = tpu.memref_slice %arg7[%dma_start3A_525, %dma_start3A_532, %dma_start3A_533] : memref<12x32x128xf32, #tpu.memory_space<vmem>> -> memref<1x8x128xf32, #tpu.memory_space<vmem>>
    %dma_start3A_535 = tpu.memref_squeeze %dma_start3A_534 : memref<1x8x128xf32, #tpu.memory_space<vmem>> -> memref<8x128xf32, #tpu.memory_space<vmem>>
    %dma_start3A_536 = arith.constant 8 : i32
    %dma_start3A_537 = tpu.memref_slice %arg3[%dma_start3A_536, %multiple_of3A_512] : memref<32x1000001xf32, #tpu.memory_space<hbm>> -> memref<8x128xf32, #tpu.memory_space<hbm>>
    tpu.enqueue_dma source(%dma_start3A_537 : memref<8x128xf32, #tpu.memory_space<hbm>>) target(%dma_start3A_535 : memref<8x128xf32, #tpu.memory_space<vmem>>) target_semaphore(%arg9 : memref<!tpu.dma_semaphore, #tpu.memory_space<semaphore_mem>>)
    %dma_start3A_538 = arith.constant 0 : i32
    %dma_start3A_539 = arith.constant 16 : i32
    %dma_start3A_540 = arith.constant 0 : i32
    %dma_start3A_541 = tpu.memref_slice %arg7[%dma_start3A_538, %dma_start3A_539, %dma_start3A_540] : memref<12x32x128xf32, #tpu.memory_space<vmem>> -> memref<1x8x128xf32, #tpu.memory_space<vmem>>
    %dma_start3A_542 = tpu.memref_squeeze %dma_start3A_541 : memref<1x8x128xf32, #tpu.memory_space<vmem>> -> memref<8x128xf32, #tpu.memory_space<vmem>>
    %dma_start3A_543 = arith.constant 16 : i32
    %dma_start3A_544 = tpu.memref_slice %arg3[%dma_start3A_543, %multiple_of3A_512] : memref<32x1000001xf32, #tpu.memory_space<hbm>> -> memref<8x128xf32, #tpu.memory_space<hbm>>
    %dma_start3A_545 = arith.constant 16 : i32
    %dma_start3A_546 = arith.constant 0 : i32
    %dma_start3A_547 = tpu.memref_slice %arg7[%dma_start3A_538, %dma_start3A_545, %dma_start3A_546] : memref<12x32x128xf32, #tpu.memory_space<vmem>> -> memref<1x8x128xf32, #tpu.memory_space<vmem>>
    %dma_start3A_548 = tpu.memref_squeeze %dma_start3A_547 : memref<1x8x128xf32, #tpu.memory_space<vmem>> -> memref<8x128xf32, #tpu.memory_space<vmem>>
    %dma_start3A_549 = arith.constant 16 : i32
    %dma_start3A_550 = tpu.memref_slice %arg3[%dma_start3A_549, %multiple_of3A_512] : memref<32x1000001xf32, #tpu.memory_space<hbm>> -> memref<8x128xf32, #tpu.memory_space<hbm>>
    tpu.enqueue_dma source(%dma_start3A_550 : memref<8x128xf32, #tpu.memory_space<hbm>>) target(%dma_start3A_548 : memref<8x128xf32, #tpu.memory_space<vmem>>) target_semaphore(%arg9 : memref<!tpu.dma_semaphore, #tpu.memory_space<semaphore_mem>>)
    %dma_start3A_551 = arith.constant 0 : i32
    %dma_start3A_552 = arith.constant 24 : i32
    %dma_start3A_553 = arith.constant 0 : i32
    %dma_start3A_554 = tpu.memref_slice %arg7[%dma_start3A_551, %dma_start3A_552, %dma_start3A_553] : memref<12x32x128xf32, #tpu.memory_space<vmem>> -> memref<1x8x128xf32, #tpu.memory_space<vmem>>
    %dma_start3A_555 = tpu.memref_squeeze %dma_start3A_554 : memref<1x8x128xf32, #tpu.memory_space<vmem>> -> memref<8x128xf32, #tpu.memory_space<vmem>>
    %dma_start3A_556 = arith.constant 24 : i32
    %dma_start3A_557 = tpu.memref_slice %arg3[%dma_start3A_556, %multiple_of3A_512] : memref<32x1000001xf32, #tpu.memory_space<hbm>> -> memref<8x128xf32, #tpu.memory_space<hbm>>
    %dma_start3A_558 = arith.constant 24 : i32
    %dma_start3A_559 = arith.constant 0 : i32
    %dma_start3A_560 = tpu.memref_slice %arg7[%dma_start3A_551, %dma_start3A_558, %dma_start3A_559] : memref<12x32x128xf32, #tpu.memory_space<vmem>> -> memref<1x8x128xf32, #tpu.memory_space<vmem>>
    %dma_start3A_561 = tpu.memref_squeeze %dma_start3A_560 : memref<1x8x128xf32, #tpu.memory_space<vmem>> -> memref<8x128xf32, #tpu.memory_space<vmem>>
    %dma_start3A_562 = arith.constant 24 : i32
    %dma_start3A_563 = tpu.memref_slice %arg3[%dma_start3A_562, %multiple_of3A_512] : memref<32x1000001xf32, #tpu.memory_space<hbm>> -> memref<8x128xf32, #tpu.memory_space<hbm>>
    tpu.enqueue_dma source(%dma_start3A_563 : memref<8x128xf32, #tpu.memory_space<hbm>>) target(%dma_start3A_561 : memref<8x128xf32, #tpu.memory_space<vmem>>) target_semaphore(%arg9 : memref<!tpu.dma_semaphore, #tpu.memory_space<semaphore_mem>>)
    %multiple_of3A_564 = arith.constant 0 : i32
    %multiple_of3A_565 = tpu.assume_multiple %multiple_of3A_564, 16 : i32
    %get3A_566 = arith.constant 0 : i32
    %get3A_567 = arith.index_cast %get3A_566 : i32 to index
    %get3A_568 = arith.index_cast %multiple_of3A_565 : i32 to index
    %get3A_569 = tpu.vector_load %arg6[%get3A_567, %get3A_568] {strides = array<i32>} : memref<1x512xi32, #tpu.memory_space<vmem>>, vector<16xi32>,
    %eq3A_570 = arith.constant 1 : i32
    %eq3A_571 = vector.broadcast %eq3A_570 : i32 to vector<16xi32>
    %eq3A_572 = arith.cmpi eq, %iota3A, %eq3A_571 : vector<16xi32>
    %jit3A_573 = arith.constant 0 : i32
    %broadcast_in_dim3A_574 = vector.broadcast %jit3A_573 : i32 to vector<16xi32>
    %select_n3A_575 = arith.select %eq3A_572, %get3A_569, %broadcast_in_dim3A_574 : vector<16xi1>, vector<16xi32>
    %reduce_sum3A_576 = arith.constant true
    %reduce_sum3A_577 = vector.broadcast %reduce_sum3A_576 : i1 to vector<16xi1>
    %reduce_sum3A_578 = tpu.scan <sum>, %select_n3A_575 masked %reduce_sum3A_577 : vector<16xi32>, vector<16xi1> -> vector<16xi32>
    %reduce_sum3A_579 = vector.extract %reduce_sum3A_578[15] : i32 from vector<16xi32>
    %jit3A_580 = arith.constant 128 : i32
    %div3A_581 = arith.divsi %reduce_sum3A_579, %jit3A_580 : i32
    %sign3A_582 = arith.constant 0 : i32
    %sign3A_583 = arith.cmpi sgt, %reduce_sum3A_579, %sign3A_582 : i32
    %sign3A_584 = arith.extui %sign3A_583 : i1 to i32
    %sign3A_585 = arith.constant 0 : i32
    %sign3A_586 = arith.cmpi slt, %reduce_sum3A_579, %sign3A_585 : i32
    %sign3A_587 = arith.extui %sign3A_586 : i1 to i32
    %sign3A_588 = arith.subi %sign3A_584, %sign3A_587 : i32
    %sign3A_589 = arith.constant 0 : i32
    %sign3A_590 = arith.cmpi sgt, %jit3A_580, %sign3A_589 : i32
    %sign3A_591 = arith.extui %sign3A_590 : i1 to i32
    %sign3A_592 = arith.constant 0 : i32
    %sign3A_593 = arith.cmpi slt, %jit3A_580, %sign3A_592 : i32
    %sign3A_594 = arith.extui %sign3A_593 : i1 to i32
    %sign3A_595 = arith.subi %sign3A_591, %sign3A_594 : i32
    %ne3A_596 = arith.cmpi ne, %sign3A_588, %sign3A_595 : i32
    %rem3A_597 = arith.remsi %reduce_sum3A_579, %jit3A_580 : i32
    %ne3A_598 = arith.constant 0 : i32
    %ne3A_599 = arith.cmpi ne, %rem3A_597, %ne3A_598 : i32
    %and3A_600 = arith.andi %ne3A_596, %ne3A_599 : i1
    %sub3A_601 = arith.constant 1 : i32
    %sub3A_602 = arith.subi %div3A_581, %sub3A_601 : i32
    %select_n3A_603 = arith.select %and3A_600, %sub3A_602, %div3A_581 : i32
    %mul3A_604 = arith.constant 128 : i32
    %mul3A_605 = arith.muli %select_n3A_603, %mul3A_604 : i32
    %multiple_of3A_606 = tpu.assume_multiple %mul3A_605, 128 : i32
    %dma_start3A_607 = arith.constant 1 : i32
    %dma_start3A_608 = arith.constant 0 : i32
    %dma_start3A_609 = arith.constant 0 : i32
    %dma_start3A_610 = tpu.memref_slice %arg7[%dma_start3A_607, %dma_start3A_608, %dma_start3A_609] : memref<12x32x128xf32, #tpu.memory_space<vmem>> -> memref<1x8x128xf32, #tpu.memory_space<vmem>>
    %dma_start3A_611 = tpu.memref_squeeze %dma_start3A_610 : memref<1x8x128xf32, #tpu.memory_space<vmem>> -> memref<8x128xf32, #tpu.memory_space<vmem>>
    %dma_start3A_612 = arith.constant 0 : i32
    %dma_start3A_613 = tpu.memref_slice %arg3[%dma_start3A_612, %multiple_of3A_606] : memref<32x1000001xf32, #tpu.memory_space<hbm>> -> memref<8x128xf32, #tpu.memory_space<hbm>>
    %dma_start3A_614 = arith.constant 0 : i32
    %dma_start3A_615 = arith.constant 0 : i32
    %dma_start3A_616 = tpu.memref_slice %arg7[%dma_start3A_607, %dma_start3A_614, %dma_start3A_615] : memref<12x32x128xf32, #tpu.memory_space<vmem>> -> memref<1x8x128xf32, #tpu.memory_space<vmem>>
    %dma_start3A_617 = tpu.memref_squeeze %dma_start3A_616 : memref<1x8x128xf32, #tpu.memory_space<vmem>> -> memref<8x128xf32, #tpu.memory_space<vmem>>
    %dma_start3A_618 = arith.constant 0 : i32
    %dma_start3A_619 = tpu.memref_slice %arg3[%dma_start3A_618, %multiple_of3A_606] : memref<32x1000001xf32, #tpu.memory_space<hbm>> -> memref<8x128xf32, #tpu.memory_space<hbm>>
    tpu.enqueue_dma source(%dma_start3A_619 : memref<8x128xf32, #tpu.memory_space<hbm>>) target(%dma_start3A_617 : memref<8x128xf32, #tpu.memory_space<vmem>>) target_semaphore(%arg9 : memref<!tpu.dma_semaphore, #tpu.memory_space<semaphore_mem>>)
    %dma_start3A_620 = arith.constant 1 : i32
    %dma_start3A_621 = arith.constant 8 : i32
    %dma_start3A_622 = arith.constant 0 : i32
    %dma_start3A_623 = tpu.memref_slice %arg7[%dma_start3A_620, %dma_start3A_621, %dma_start3A_622] : memref<12x32x128xf32, #tpu.memory_space<vmem>> -> memref<1x8x128xf32, #tpu.memory_space<vmem>>
    %dma_start3A_624 = tpu.memref_squeeze %dma_start3A_623 : memref<1x8x128xf32, #tpu.memory_space<vmem>> -> memref<8x128xf32, #tpu.memory_space<vmem>>
    %dma_start3A_625 = arith.constant 8 : i32
    %dma_start3A_626 = tpu.memref_slice %arg3[%dma_start3A_625, %multiple_of3A_606] : memref<32x1000001xf32, #tpu.memory_space<hbm>> -> memref<8x128xf32, #tpu.memory_space<hbm>>
    %dma_start3A_627 = arith.constant 8 : i32
    %dma_start3A_628 = arith.constant 0 : i32
    %dma_start3A_629 = tpu.memref_slice %arg7[%dma_start3A_620, %dma_start3A_627, %dma_start3A_628] : memref<12x32x128xf32, #tpu.memory_space<vmem>> -> memref<1x8x128xf32, #tpu.memory_space<vmem>>
    %dma_start3A_630 = tpu.memref_squeeze %dma_start3A_629 : memref<1x8x128xf32, #tpu.memory_space<vmem>> -> memref<8x128xf32, #tpu.memory_space<vmem>>
    %dma_start3A_631 = arith.constant 8 : i32
    %dma_start3A_632 = tpu.memref_slice %arg3[%dma_start3A_631, %multiple_of3A_606] : memref<32x1000001xf32, #tpu.memory_space<hbm>> -> memref<8x128xf32, #tpu.memory_space<hbm>>
    tpu.enqueue_dma source(%dma_start3A_632 : memref<8x128xf32, #tpu.memory_space<hbm>>) target(%dma_start3A_630 : memref<8x128xf32, #tpu.memory_space<vmem>>) target_semaphore(%arg9 : memref<!tpu.dma_semaphore, #tpu.memory_space<semaphore_mem>>)
    %dma_start3A_633 = arith.constant 1 : i32
    %dma_start3A_634 = arith.constant 16 : i32
    %dma_start3A_635 = arith.constant 0 : i32
    %dma_start3A_636 = tpu.memref_slice %arg7[%dma_start3A_633, %dma_start3A_634, %dma_start3A_635] : memref<12x32x128xf32, #tpu.memory_space<vmem>> -> memref<1x8x128xf32, #tpu.memory_space<vmem>>
    %dma_start3A_637 = tpu.memref_squeeze %dma_start3A_636 : memref<1x8x128xf32, #tpu.memory_space<vmem>> -> memref<8x128xf32, #tpu.memory_space<vmem>>
    %dma_start3A_638 = arith.constant 16 : i32
    %dma_start3A_639 = tpu.memref_slice %arg3[%dma_start3A_638, %multiple_of3A_606] : memref<32x1000001xf32, #tpu.memory_space<hbm>> -> memref<8x128xf32, #tpu.memory_space<hbm>>
    %dma_start3A_640 = arith.constant 16 : i32
    %dma_start3A_641 = arith.constant 0 : i32
    %dma_start3A_642 = tpu.memref_slice %arg7[%dma_start3A_633, %dma_start3A_640, %dma_start3A_641] : memref<12x32x128xf32, #tpu.memory_space<vmem>> -> memref<1x8x128xf32, #tpu.memory_space<vmem>>
    %dma_start3A_643 = tpu.memref_squeeze %dma_start3A_642 : memref<1x8x128xf32, #tpu.memory_space<vmem>> -> memref<8x128xf32, #tpu.memory_space<vmem>>
    %dma_start3A_644 = arith.constant 16 : i32
    %dma_start3A_645 = tpu.memref_slice %arg3[%dma_start3A_644, %multiple_of3A_606] : memref<32x1000001xf32, #tpu.memory_space<hbm>> -> memref<8x128xf32, #tpu.memory_space<hbm>>
    tpu.enqueue_dma source(%dma_start3A_645 : memref<8x128xf32, #tpu.memory_space<hbm>>) target(%dma_start3A_643 : memref<8x128xf32, #tpu.memory_space<vmem>>) target_semaphore(%arg9 : memref<!tpu.dma_semaphore, #tpu.memory_space<semaphore_mem>>)
    %dma_start3A_646 = arith.constant 1 : i32
    %dma_start3A_647 = arith.constant 24 : i32
    %dma_start3A_648 = arith.constant 0 : i32
    %dma_start3A_649 = tpu.memref_slice %arg7[%dma_start3A_646, %dma_start3A_647, %dma_start3A_648] : memref<12x32x128xf32, #tpu.memory_space<vmem>> -> memref<1x8x128xf32, #tpu.memory_space<vmem>>
    %dma_start3A_650 = tpu.memref_squeeze %dma_start3A_649 : memref<1x8x128xf32, #tpu.memory_space<vmem>> -> memref<8x128xf32, #tpu.memory_space<vmem>>
    %dma_start3A_651 = arith.constant 24 : i32
    %dma_start3A_652 = tpu.memref_slice %arg3[%dma_start3A_651, %multiple_of3A_606] : memref<32x1000001xf32, #tpu.memory_space<hbm>> -> memref<8x128xf32, #tpu.memory_space<hbm>>
    %dma_start3A_653 = arith.constant 24 : i32
    %dma_start3A_654 = arith.constant 0 : i32
    %dma_start3A_655 = tpu.memref_slice %arg7[%dma_start3A_646, %dma_start3A_653, %dma_start3A_654] : memref<12x32x128xf32, #tpu.memory_space<vmem>> -> memref<1x8x128xf32, #tpu.memory_space<vmem>>
    %dma_start3A_656 = tpu.memref_squeeze %dma_start3A_655 : memref<1x8x128xf32, #tpu.memory_space<vmem>> -> memref<8x128xf32, #tpu.memory_space<vmem>>
    %dma_start3A_657 = arith.constant 24 : i32
    %dma_start3A_658 = tpu.memref_slice %arg3[%dma_start3A_657, %multiple_of3A_606] : memref<32x1000001xf32, #tpu.memory_space<hbm>> -> memref<8x128xf32, #tpu.memory_space<hbm>>
    tpu.enqueue_dma source(%dma_start3A_658 : memref<8x128xf32, #tpu.memory_space<hbm>>) target(%dma_start3A_656 : memref<8x128xf32, #tpu.memory_space<vmem>>) target_semaphore(%arg9 : memref<!tpu.dma_semaphore, #tpu.memory_space<semaphore_mem>>)
    %multiple_of3A_659 = arith.constant 0 : i32
    %multiple_of3A_660 = tpu.assume_multiple %multiple_of3A_659, 16 : i32
    %get3A_661 = arith.constant 0 : i32
    %get3A_662 = arith.index_cast %get3A_661 : i32 to index
    %get3A_663 = arith.index_cast %multiple_of3A_660 : i32 to index
    %get3A_664 = tpu.vector_load %arg6[%get3A_662, %get3A_663] {strides = array<i32>} : memref<1x512xi32, #tpu.memory_space<vmem>>, vector<16xi32>,
    %eq3A_665 = arith.constant 2 : i32
    %eq3A_666 = vector.broadcast %eq3A_665 : i32 to vector<16xi32>
    %eq3A_667 = arith.cmpi eq, %iota3A, %eq3A_666 : vector<16xi32>
    %jit3A_668 = arith.constant 0 : i32
    %broadcast_in_dim3A_669 = vector.broadcast %jit3A_668 : i32 to vector<16xi32>
    %select_n3A_670 = arith.select %eq3A_667, %get3A_664, %broadcast_in_dim3A_669 : vector<16xi1>, vector<16xi32>
    %reduce_sum3A_671 = arith.constant true
    %reduce_sum3A_672 = vector.broadcast %reduce_sum3A_671 : i1 to vector<16xi1>
    %reduce_sum3A_673 = tpu.scan <sum>, %select_n3A_670 masked %reduce_sum3A_672 : vector<16xi32>, vector<16xi1> -> vector<16xi32>
    %reduce_sum3A_674 = vector.extract %reduce_sum3A_673[15] : i32 from vector<16xi32>
    %jit3A_675 = arith.constant 128 : i32
    %div3A_676 = arith.divsi %reduce_sum3A_674, %jit3A_675 : i32
    %sign3A_677 = arith.constant 0 : i32
    %sign3A_678 = arith.cmpi sgt, %reduce_sum3A_674, %sign3A_677 : i32
    %sign3A_679 = arith.extui %sign3A_678 : i1 to i32
    %sign3A_680 = arith.constant 0 : i32
    %sign3A_681 = arith.cmpi slt, %reduce_sum3A_674, %sign3A_680 : i32
    %sign3A_682 = arith.extui %sign3A_681 : i1 to i32
    %sign3A_683 = arith.subi %sign3A_679, %sign3A_682 : i32
    %sign3A_684 = arith.constant 0 : i32
    %sign3A_685 = arith.cmpi sgt, %jit3A_675, %sign3A_684 : i32
    %sign3A_686 = arith.extui %sign3A_685 : i1 to i32
    %sign3A_687 = arith.constant 0 : i32
    %sign3A_688 = arith.cmpi slt, %jit3A_675, %sign3A_687 : i32
    %sign3A_689 = arith.extui %sign3A_688 : i1 to i32
    %sign3A_690 = arith.subi %sign3A_686, %sign3A_689 : i32
    %ne3A_691 = arith.cmpi ne, %sign3A_683, %sign3A_690 : i32
    %rem3A_692 = arith.remsi %reduce_sum3A_674, %jit3A_675 : i32
    %ne3A_693 = arith.constant 0 : i32
    %ne3A_694 = arith.cmpi ne, %rem3A_692, %ne3A_693 : i32
    %and3A_695 = arith.andi %ne3A_691, %ne3A_694 : i1
    %sub3A_696 = arith.constant 1 : i32
    %sub3A_697 = arith.subi %div3A_676, %sub3A_696 : i32
    %select_n3A_698 = arith.select %and3A_695, %sub3A_697, %div3A_676 : i32
    %mul3A_699 = arith.constant 128 : i32
    %mul3A_700 = arith.muli %select_n3A_698, %mul3A_699 : i32
    %multiple_of3A_701 = tpu.assume_multiple %mul3A_700, 128 : i32
    %dma_start3A_702 = arith.constant 2 : i32
    %dma_start3A_703 = arith.constant 0 : i32
    %dma_start3A_704 = arith.constant 0 : i32
    %dma_start3A_705 = tpu.memref_slice %arg7[%dma_start3A_702, %dma_start3A_703, %dma_start3A_704] : memref<12x32x128xf32, #tpu.memory_space<vmem>> -> memref<1x8x128xf32, #tpu.memory_space<vmem>>
    %dma_start3A_706 = tpu.memref_squeeze %dma_start3A_705 : memref<1x8x128xf32, #tpu.memory_space<vmem>> -> memref<8x128xf32, #tpu.memory_space<vmem>>
    %dma_start3A_707 = arith.constant 0 : i32
    %dma_start3A_708 = tpu.memref_slice %arg3[%dma_start3A_707, %multiple_of3A_701] : memref<32x1000001xf32, #tpu.memory_space<hbm>> -> memref<8x128xf32, #tpu.memory_space<hbm>>
    %dma_start3A_709 = arith.constant 0 : i32
    %dma_start3A_710 = arith.constant 0 : i32
    %dma_start3A_711 = tpu.memref_slice %arg7[%dma_start3A_702, %dma_start3A_709, %dma_start3A_710] : memref<12x32x128xf32, #tpu.memory_space<vmem>> -> memref<1x8x128xf32, #tpu.memory_space<vmem>>
    %dma_start3A_712 = tpu.memref_squeeze %dma_start3A_711 : memref<1x8x128xf32, #tpu.memory_space<vmem>> -> memref<8x128xf32, #tpu.memory_space<vmem>>
    %dma_start3A_713 = arith.constant 0 : i32
    %dma_start3A_714 = tpu.memref_slice %arg3[%dma_start3A_713, %multiple_of3A_701] : memref<32x1000001xf32, #tpu.memory_space<hbm>> -> memref<8x128xf32, #tpu.memory_space<hbm>>
    tpu.enqueue_dma source(%dma_start3A_714 : memref<8x128xf32, #tpu.memory_space<hbm>>) target(%dma_start3A_712 : memref<8x128xf32, #tpu.memory_space<vmem>>) target_semaphore(%arg9 : memref<!tpu.dma_semaphore, #tpu.memory_space<semaphore_mem>>)
    %dma_start3A_715 = arith.constant 2 : i32
    %dma_start3A_716 = arith.constant 8 : i32
    %dma_start3A_717 = arith.constant 0 : i32
    %dma_start3A_718 = tpu.memref_slice %arg7[%dma_start3A_715, %dma_start3A_716, %dma_start3A_717] : memref<12x32x128xf32, #tpu.memory_space<vmem>> -> memref<1x8x128xf32, #tpu.memory_space<vmem>>
    %dma_start3A_719 = tpu.memref_squeeze %dma_start3A_718 : memref<1x8x128xf32, #tpu.memory_space<vmem>> -> memref<8x128xf32, #tpu.memory_space<vmem>>
    %dma_start3A_720 = arith.constant 8 : i32
    %dma_start3A_721 = tpu.memref_slice %arg3[%dma_start3A_720, %multiple_of3A_701] : memref<32x1000001xf32, #tpu.memory_space<hbm>> -> memref<8x128xf32, #tpu.memory_space<hbm>>
    %dma_start3A_722 = arith.constant 8 : i32
    %dma_start3A_723 = arith.constant 0 : i32
    %dma_start3A_724 = tpu.memref_slice %arg7[%dma_start3A_715, %dma_start3A_722, %dma_start3A_723] : memref<12x32x128xf32, #tpu.memory_space<vmem>> -> memref<1x8x128xf32, #tpu.memory_space<vmem>>
    %dma_start3A_725 = tpu.memref_squeeze %dma_start3A_724 : memref<1x8x128xf32, #tpu.memory_space<vmem>> -> memref<8x128xf32, #tpu.memory_space<vmem>>
    %dma_start3A_726 = arith.constant 8 : i32
    %dma_start3A_727 = tpu.memref_slice %arg3[%dma_start3A_726, %multiple_of3A_701] : memref<32x1000001xf32, #tpu.memory_space<hbm>> -> memref<8x128xf32, #tpu.memory_space<hbm>>
    tpu.enqueue_dma source(%dma_start3A_727 : memref<8x128xf32, #tpu.memory_space<hbm>>) target(%dma_start3A_725 : memref<8x128xf32, #tpu.memory_space<vmem>>) target_semaphore(%arg9 : memref<!tpu.dma_semaphore, #tpu.memory_space<semaphore_mem>>)
    %dma_start3A_728 = arith.constant 2 : i32
    %dma_start3A_729 = arith.constant 16 : i32
    %dma_start3A_730 = arith.constant 0 : i32
    %dma_start3A_731 = tpu.memref_slice %arg7[%dma_start3A_728, %dma_start3A_729, %dma_start3A_730] : memref<12x32x128xf32, #tpu.memory_space<vmem>> -> memref<1x8x128xf32, #tpu.memory_space<vmem>>
    %dma_start3A_732 = tpu.memref_squeeze %dma_start3A_731 : memref<1x8x128xf32, #tpu.memory_space<vmem>> -> memref<8x128xf32, #tpu.memory_space<vmem>>
    %dma_start3A_733 = arith.constant 16 : i32
    %dma_start3A_734 = tpu.memref_slice %arg3[%dma_start3A_733, %multiple_of3A_701] : memref<32x1000001xf32, #tpu.memory_space<hbm>> -> memref<8x128xf32, #tpu.memory_space<hbm>>
    %dma_start3A_735 = arith.constant 16 : i32
    %dma_start3A_736 = arith.constant 0 : i32
    %dma_start3A_737 = tpu.memref_slice %arg7[%dma_start3A_728, %dma_start3A_735, %dma_start3A_736] : memref<12x32x128xf32, #tpu.memory_space<vmem>> -> memref<1x8x128xf32, #tpu.memory_space<vmem>>
    %dma_start3A_738 = tpu.memref_squeeze %dma_start3A_737 : memref<1x8x128xf32, #tpu.memory_space<vmem>> -> memref<8x128xf32, #tpu.memory_space<vmem>>
    %dma_start3A_739 = arith.constant 16 : i32
    %dma_start3A_740 = tpu.memref_slice %arg3[%dma_start3A_739, %multiple_of3A_701] : memref<32x1000001xf32, #tpu.memory_space<hbm>> -> memref<8x128xf32, #tpu.memory_space<hbm>>
    tpu.enqueue_dma source(%dma_start3A_740 : memref<8x128xf32, #tpu.memory_space<hbm>>) target(%dma_start3A_738 : memref<8x128xf32, #tpu.memory_space<vmem>>) target_semaphore(%arg9 : memref<!tpu.dma_semaphore, #tpu.memory_space<semaphore_mem>>)
    %dma_start3A_741 = arith.constant 2 : i32
    %dma_start3A_742 = arith.constant 24 : i32
    %dma_start3A_743 = arith.constant 0 : i32
    %dma_start3A_744 = tpu.memref_slice %arg7[%dma_start3A_741, %dma_start3A_742, %dma_start3A_743] : memref<12x32x128xf32, #tpu.memory_space<vmem>> -> memref<1x8x128xf32, #tpu.memory_space<vmem>>
    %dma_start3A_745 = tpu.memref_squeeze %dma_start3A_744 : memref<1x8x128xf32, #tpu.memory_space<vmem>> -> memref<8x128xf32, #tpu.memory_space<vmem>>
    %dma_start3A_746 = arith.constant 24 : i32
    %dma_start3A_747 = tpu.memref_slice %arg3[%dma_start3A_746, %multiple_of3A_701] : memref<32x1000001xf32, #tpu.memory_space<hbm>> -> memref<8x128xf32, #tpu.memory_space<hbm>>
    %dma_start3A_748 = arith.constant 24 : i32
    %dma_start3A_749 = arith.constant 0 : i32
    %dma_start3A_750 = tpu.memref_slice %arg7[%dma_start3A_741, %dma_start3A_748, %dma_start3A_749] : memref<12x32x128xf32, #tpu.memory_space<vmem>> -> memref<1x8x128xf32, #tpu.memory_space<vmem>>
    %dma_start3A_751 = tpu.memref_squeeze %dma_start3A_750 : memref<1x8x128xf32, #tpu.memory_space<vmem>> -> memref<8x128xf32, #tpu.memory_space<vmem>>
    %dma_start3A_752 = arith.constant 24 : i32
    %dma_start3A_753 = tpu.memref_slice %arg3[%dma_start3A_752, %multiple_of3A_701] : memref<32x1000001xf32, #tpu.memory_space<hbm>> -> memref<8x128xf32, #tpu.memory_space<hbm>>
    tpu.enqueue_dma source(%dma_start3A_753 : memref<8x128xf32, #tpu.memory_space<hbm>>) target(%dma_start3A_751 : memref<8x128xf32, #tpu.memory_space<vmem>>) target_semaphore(%arg9 : memref<!tpu.dma_semaphore, #tpu.memory_space<semaphore_mem>>)
    %multiple_of3A_754 = arith.constant 0 : i32
    %multiple_of3A_755 = tpu.assume_multiple %multiple_of3A_754, 16 : i32
    %get3A_756 = arith.constant 0 : i32
    %get3A_757 = arith.index_cast %get3A_756 : i32 to index
    %get3A_758 = arith.index_cast %multiple_of3A_755 : i32 to index
    %get3A_759 = tpu.vector_load %arg6[%get3A_757, %get3A_758] {strides = array<i32>} : memref<1x512xi32, #tpu.memory_space<vmem>>, vector<16xi32>,
    %eq3A_760 = arith.constant 3 : i32
    %eq3A_761 = vector.broadcast %eq3A_760 : i32 to vector<16xi32>
    %eq3A_762 = arith.cmpi eq, %iota3A, %eq3A_761 : vector<16xi32>
    %jit3A_763 = arith.constant 0 : i32
    %broadcast_in_dim3A_764 = vector.broadcast %jit3A_763 : i32 to vector<16xi32>
    %select_n3A_765 = arith.select %eq3A_762, %get3A_759, %broadcast_in_dim3A_764 : vector<16xi1>, vector<16xi32>
    %reduce_sum3A_766 = arith.constant true
    %reduce_sum3A_767 = vector.broadcast %reduce_sum3A_766 : i1 to vector<16xi1>
    %reduce_sum3A_768 = tpu.scan <sum>, %select_n3A_765 masked %reduce_sum3A_767 : vector<16xi32>, vector<16xi1> -> vector<16xi32>
    %reduce_sum3A_769 = vector.extract %reduce_sum3A_768[15] : i32 from vector<16xi32>
    %jit3A_770 = arith.constant 128 : i32
    %div3A_771 = arith.divsi %reduce_sum3A_769, %jit3A_770 : i32
    %sign3A_772 = arith.constant 0 : i32
    %sign3A_773 = arith.cmpi sgt, %reduce_sum3A_769, %sign3A_772 : i32
    %sign3A_774 = arith.extui %sign3A_773 : i1 to i32
    %sign3A_775 = arith.constant 0 : i32
    %sign3A_776 = arith.cmpi slt, %reduce_sum3A_769, %sign3A_775 : i32
    %sign3A_777 = arith.extui %sign3A_776 : i1 to i32
    %sign3A_778 = arith.subi %sign3A_774, %sign3A_777 : i32
    %sign3A_779 = arith.constant 0 : i32
    %sign3A_780 = arith.cmpi sgt, %jit3A_770, %sign3A_779 : i32
    %sign3A_781 = arith.extui %sign3A_780 : i1 to i32
    %sign3A_782 = arith.constant 0 : i32
    %sign3A_783 = arith.cmpi slt, %jit3A_770, %sign3A_782 : i32
    %sign3A_784 = arith.extui %sign3A_783 : i1 to i32
    %sign3A_785 = arith.subi %sign3A_781, %sign3A_784 : i32
    %ne3A_786 = arith.cmpi ne, %sign3A_778, %sign3A_785 : i32
    %rem3A_787 = arith.remsi %reduce_sum3A_769, %jit3A_770 : i32
    %ne3A_788 = arith.constant 0 : i32
    %ne3A_789 = arith.cmpi ne, %rem3A_787, %ne3A_788 : i32
    %and3A_790 = arith.andi %ne3A_786, %ne3A_789 : i1
    %sub3A_791 = arith.constant 1 : i32
    %sub3A_792 = arith.subi %div3A_771, %sub3A_791 : i32
    %select_n3A_793 = arith.select %and3A_790, %sub3A_792, %div3A_771 : i32
    %mul3A_794 = arith.constant 128 : i32
    %mul3A_795 = arith.muli %select_n3A_793, %mul3A_794 : i32
    %multiple_of3A_796 = tpu.assume_multiple %mul3A_795, 128 : i32
    %dma_start3A_797 = arith.constant 3 : i32
    %dma_start3A_798 = arith.constant 0 : i32
    %dma_start3A_799 = arith.constant 0 : i32
    %dma_start3A_800 = tpu.memref_slice %arg7[%dma_start3A_797, %dma_start3A_798, %dma_start3A_799] : memref<12x32x128xf32, #tpu.memory_space<vmem>> -> memref<1x8x128xf32, #tpu.memory_space<vmem>>
    %dma_start3A_801 = tpu.memref_squeeze %dma_start3A_800 : memref<1x8x128xf32, #tpu.memory_space<vmem>> -> memref<8x128xf32, #tpu.memory_space<vmem>>
    %dma_start3A_802 = arith.constant 0 : i32
    %dma_start3A_803 = tpu.memref_slice %arg3[%dma_start3A_802, %multiple_of3A_796] : memref<32x1000001xf32, #tpu.memory_space<hbm>> -> memref<8x128xf32, #tpu.memory_space<hbm>>
    %dma_start3A_804 = arith.constant 0 : i32
    %dma_start3A_805 = arith.constant 0 : i32
    %dma_start3A_806 = tpu.memref_slice %arg7[%dma_start3A_797, %dma_start3A_804, %dma_start3A_805] : memref<12x32x128xf32, #tpu.memory_space<vmem>> -> memref<1x8x128xf32, #tpu.memory_space<vmem>>
    %dma_start3A_807 = tpu.memref_squeeze %dma_start3A_806 : memref<1x8x128xf32, #tpu.memory_space<vmem>> -> memref<8x128xf32, #tpu.memory_space<vmem>>
    %dma_start3A_808 = arith.constant 0 : i32
    %dma_start3A_809 = tpu.memref_slice %arg3[%dma_start3A_808, %multiple_of3A_796] : memref<32x1000001xf32, #tpu.memory_space<hbm>> -> memref<8x128xf32, #tpu.memory_space<hbm>>
    tpu.enqueue_dma source(%dma_start3A_809 : memref<8x128xf32, #tpu.memory_space<hbm>>) target(%dma_start3A_807 : memref<8x128xf32, #tpu.memory_space<vmem>>) target_semaphore(%arg9 : memref<!tpu.dma_semaphore, #tpu.memory_space<semaphore_mem>>)
    %dma_start3A_810 = arith.constant 3 : i32
    %dma_start3A_811 = arith.constant 8 : i32
    %dma_start3A_812 = arith.constant 0 : i32
    %dma_start3A_813 = tpu.memref_slice %arg7[%dma_start3A_810, %dma_start3A_811, %dma_start3A_812] : memref<12x32x128xf32, #tpu.memory_space<vmem>> -> memref<1x8x128xf32, #tpu.memory_space<vmem>>
    %dma_start3A_814 = tpu.memref_squeeze %dma_start3A_813 : memref<1x8x128xf32, #tpu.memory_space<vmem>> -> memref<8x128xf32, #tpu.memory_space<vmem>>
    %dma_start3A_815 = arith.constant 8 : i32
    %dma_start3A_816 = tpu.memref_slice %arg3[%dma_start3A_815, %multiple_of3A_796] : memref<32x1000001xf32, #tpu.memory_space<hbm>> -> memref<8x128xf32, #tpu.memory_space<hbm>>
    %dma_start3A_817 = arith.constant 8 : i32
    %dma_start3A_818 = arith.constant 0 : i32
    %dma_start3A_819 = tpu.memref_slice %arg7[%dma_start3A_810, %dma_start3A_817, %dma_start3A_818] : memref<12x32x128xf32, #tpu.memory_space<vmem>> -> memref<1x8x128xf32, #tpu.memory_space<vmem>>
    %dma_start3A_820 = tpu.memref_squeeze %dma_start3A_819 : memref<1x8x128xf32, #tpu.memory_space<vmem>> -> memref<8x128xf32, #tpu.memory_space<vmem>>
    %dma_start3A_821 = arith.constant 8 : i32
    %dma_start3A_822 = tpu.memref_slice %arg3[%dma_start3A_821, %multiple_of3A_796] : memref<32x1000001xf32, #tpu.memory_space<hbm>> -> memref<8x128xf32, #tpu.memory_space<hbm>>
    tpu.enqueue_dma source(%dma_start3A_822 : memref<8x128xf32, #tpu.memory_space<hbm>>) target(%dma_start3A_820 : memref<8x128xf32, #tpu.memory_space<vmem>>) target_semaphore(%arg9 : memref<!tpu.dma_semaphore, #tpu.memory_space<semaphore_mem>>)
    %dma_start3A_823 = arith.constant 3 : i32
    %dma_start3A_824 = arith.constant 16 : i32
    %dma_start3A_825 = arith.constant 0 : i32
    %dma_start3A_826 = tpu.memref_slice %arg7[%dma_start3A_823, %dma_start3A_824, %dma_start3A_825] : memref<12x32x128xf32, #tpu.memory_space<vmem>> -> memref<1x8x128xf32, #tpu.memory_space<vmem>>
    %dma_start3A_827 = tpu.memref_squeeze %dma_start3A_826 : memref<1x8x128xf32, #tpu.memory_space<vmem>> -> memref<8x128xf32, #tpu.memory_space<vmem>>
    %dma_start3A_828 = arith.constant 16 : i32
    %dma_start3A_829 = tpu.memref_slice %arg3[%dma_start3A_828, %multiple_of3A_796] : memref<32x1000001xf32, #tpu.memory_space<hbm>> -> memref<8x128xf32, #tpu.memory_space<hbm>>
    %dma_start3A_830 = arith.constant 16 : i32
    %dma_start3A_831 = arith.constant 0 : i32
    %dma_start3A_832 = tpu.memref_slice %arg7[%dma_start3A_823, %dma_start3A_830, %dma_start3A_831] : memref<12x32x128xf32, #tpu.memory_space<vmem>> -> memref<1x8x128xf32, #tpu.memory_space<vmem>>
    %dma_start3A_833 = tpu.memref_squeeze %dma_start3A_832 : memref<1x8x128xf32, #tpu.memory_space<vmem>> -> memref<8x128xf32, #tpu.memory_space<vmem>>
    %dma_start3A_834 = arith.constant 16 : i32
    %dma_start3A_835 = tpu.memref_slice %arg3[%dma_start3A_834, %multiple_of3A_796] : memref<32x1000001xf32, #tpu.memory_space<hbm>> -> memref<8x128xf32, #tpu.memory_space<hbm>>
    tpu.enqueue_dma source(%dma_start3A_835 : memref<8x128xf32, #tpu.memory_space<hbm>>) target(%dma_start3A_833 : memref<8x128xf32, #tpu.memory_space<vmem>>) target_semaphore(%arg9 : memref<!tpu.dma_semaphore, #tpu.memory_space<semaphore_mem>>)
    %dma_start3A_836 = arith.constant 3 : i32
    %dma_start3A_837 = arith.constant 24 : i32
    %dma_start3A_838 = arith.constant 0 : i32
    %dma_start3A_839 = tpu.memref_slice %arg7[%dma_start3A_836, %dma_start3A_837, %dma_start3A_838] : memref<12x32x128xf32, #tpu.memory_space<vmem>> -> memref<1x8x128xf32, #tpu.memory_space<vmem>>
    %dma_start3A_840 = tpu.memref_squeeze %dma_start3A_839 : memref<1x8x128xf32, #tpu.memory_space<vmem>> -> memref<8x128xf32, #tpu.memory_space<vmem>>
    %dma_start3A_841 = arith.constant 24 : i32
    %dma_start3A_842 = tpu.memref_slice %arg3[%dma_start3A_841, %multiple_of3A_796] : memref<32x1000001xf32, #tpu.memory_space<hbm>> -> memref<8x128xf32, #tpu.memory_space<hbm>>
    %dma_start3A_843 = arith.constant 24 : i32
    %dma_start3A_844 = arith.constant 0 : i32
    %dma_start3A_845 = tpu.memref_slice %arg7[%dma_start3A_836, %dma_start3A_843, %dma_start3A_844] : memref<12x32x128xf32, #tpu.memory_space<vmem>> -> memref<1x8x128xf32, #tpu.memory_space<vmem>>
    %dma_start3A_846 = tpu.memref_squeeze %dma_start3A_845 : memref<1x8x128xf32, #tpu.memory_space<vmem>> -> memref<8x128xf32, #tpu.memory_space<vmem>>
    %dma_start3A_847 = arith.constant 24 : i32
    %dma_start3A_848 = tpu.memref_slice %arg3[%dma_start3A_847, %multiple_of3A_796] : memref<32x1000001xf32, #tpu.memory_space<hbm>> -> memref<8x128xf32, #tpu.memory_space<hbm>>
    tpu.enqueue_dma source(%dma_start3A_848 : memref<8x128xf32, #tpu.memory_space<hbm>>) target(%dma_start3A_846 : memref<8x128xf32, #tpu.memory_space<vmem>>) target_semaphore(%arg9 : memref<!tpu.dma_semaphore, #tpu.memory_space<semaphore_mem>>)
    %multiple_of3A_849 = arith.constant 0 : i32
    %multiple_of3A_850 = tpu.assume_multiple %multiple_of3A_849, 16 : i32
    %get3A_851 = arith.constant 0 : i32
    %get3A_852 = arith.index_cast %get3A_851 : i32 to index
    %get3A_853 = arith.index_cast %multiple_of3A_850 : i32 to index
    %get3A_854 = tpu.vector_load %arg6[%get3A_852, %get3A_853] {strides = array<i32>} : memref<1x512xi32, #tpu.memory_space<vmem>>, vector<16xi32>,
    %eq3A_855 = arith.constant 4 : i32
    %eq3A_856 = vector.broadcast %eq3A_855 : i32 to vector<16xi32>
    %eq3A_857 = arith.cmpi eq, %iota3A, %eq3A_856 : vector<16xi32>
    %jit3A_858 = arith.constant 0 : i32
    %broadcast_in_dim3A_859 = vector.broadcast %jit3A_858 : i32 to vector<16xi32>
    %select_n3A_860 = arith.select %eq3A_857, %get3A_854, %broadcast_in_dim3A_859 : vector<16xi1>, vector<16xi32>
    %reduce_sum3A_861 = arith.constant true
    %reduce_sum3A_862 = vector.broadcast %reduce_sum3A_861 : i1 to vector<16xi1>
    %reduce_sum3A_863 = tpu.scan <sum>, %select_n3A_860 masked %reduce_sum3A_862 : vector<16xi32>, vector<16xi1> -> vector<16xi32>
    %reduce_sum3A_864 = vector.extract %reduce_sum3A_863[15] : i32 from vector<16xi32>
    %jit3A_865 = arith.constant 128 : i32
    %div3A_866 = arith.divsi %reduce_sum3A_864, %jit3A_865 : i32
    %sign3A_867 = arith.constant 0 : i32
    %sign3A_868 = arith.cmpi sgt, %reduce_sum3A_864, %sign3A_867 : i32
    %sign3A_869 = arith.extui %sign3A_868 : i1 to i32
    %sign3A_870 = arith.constant 0 : i32
    %sign3A_871 = arith.cmpi slt, %reduce_sum3A_864, %sign3A_870 : i32
    %sign3A_872 = arith.extui %sign3A_871 : i1 to i32
    %sign3A_873 = arith.subi %sign3A_869, %sign3A_872 : i32
    %sign3A_874 = arith.constant 0 : i32
    %sign3A_875 = arith.cmpi sgt, %jit3A_865, %sign3A_874 : i32
    %sign3A_876 = arith.extui %sign3A_875 : i1 to i32
    %sign3A_877 = arith.constant 0 : i32
    %sign3A_878 = arith.cmpi slt, %jit3A_865, %sign3A_877 : i32
    %sign3A_879 = arith.extui %sign3A_878 : i1 to i32
    %sign3A_880 = arith.subi %sign3A_876, %sign3A_879 : i32
    %ne3A_881 = arith.cmpi ne, %sign3A_873, %sign3A_880 : i32
    %rem3A_882 = arith.remsi %reduce_sum3A_864, %jit3A_865 : i32
    %ne3A_883 = arith.constant 0 : i32
    %ne3A_884 = arith.cmpi ne, %rem3A_882, %ne3A_883 : i32
    %and3A_885 = arith.andi %ne3A_881, %ne3A_884 : i1
    %sub3A_886 = arith.constant 1 : i32
    %sub3A_887 = arith.subi %div3A_866, %sub3A_886 : i32
    %select_n3A_888 = arith.select %and3A_885, %sub3A_887, %div3A_866 : i32
    %mul3A_889 = arith.constant 128 : i32
    %mul3A_890 = arith.muli %select_n3A_888, %mul3A_889 : i32
    %multiple_of3A_891 = tpu.assume_multiple %mul3A_890, 128 : i32
    %dma_start3A_892 = arith.constant 4 : i32
    %dma_start3A_893 = arith.constant 0 : i32
    %dma_start3A_894 = arith.constant 0 : i32
    %dma_start3A_895 = tpu.memref_slice %arg7[%dma_start3A_892, %dma_start3A_893, %dma_start3A_894] : memref<12x32x128xf32, #tpu.memory_space<vmem>> -> memref<1x8x128xf32, #tpu.memory_space<vmem>>
    %dma_start3A_896 = tpu.memref_squeeze %dma_start3A_895 : memref<1x8x128xf32, #tpu.memory_space<vmem>> -> memref<8x128xf32, #tpu.memory_space<vmem>>
    %dma_start3A_897 = arith.constant 0 : i32
    %dma_start3A_898 = tpu.memref_slice %arg3[%dma_start3A_897, %multiple_of3A_891] : memref<32x1000001xf32, #tpu.memory_space<hbm>> -> memref<8x128xf32, #tpu.memory_space<hbm>>
    %dma_start3A_899 = arith.constant 0 : i32
    %dma_start3A_900 = arith.constant 0 : i32
    %dma_start3A_901 = tpu.memref_slice %arg7[%dma_start3A_892, %dma_start3A_899, %dma_start3A_900] : memref<12x32x128xf32, #tpu.memory_space<vmem>> -> memref<1x8x128xf32, #tpu.memory_space<vmem>>
    %dma_start3A_902 = tpu.memref_squeeze %dma_start3A_901 : memref<1x8x128xf32, #tpu.memory_space<vmem>> -> memref<8x128xf32, #tpu.memory_space<vmem>>
    %dma_start3A_903 = arith.constant 0 : i32
    %dma_start3A_904 = tpu.memref_slice %arg3[%dma_start3A_903, %multiple_of3A_891] : memref<32x1000001xf32, #tpu.memory_space<hbm>> -> memref<8x128xf32, #tpu.memory_space<hbm>>
    tpu.enqueue_dma source(%dma_start3A_904 : memref<8x128xf32, #tpu.memory_space<hbm>>) target(%dma_start3A_902 : memref<8x128xf32, #tpu.memory_space<vmem>>) target_semaphore(%arg9 : memref<!tpu.dma_semaphore, #tpu.memory_space<semaphore_mem>>)
    %dma_start3A_905 = arith.constant 4 : i32
    %dma_start3A_906 = arith.constant 8 : i32
    %dma_start3A_907 = arith.constant 0 : i32
    %dma_start3A_908 = tpu.memref_slice %arg7[%dma_start3A_905, %dma_start3A_906, %dma_start3A_907] : memref<12x32x128xf32, #tpu.memory_space<vmem>> -> memref<1x8x128xf32, #tpu.memory_space<vmem>>
    %dma_start3A_909 = tpu.memref_squeeze %dma_start3A_908 : memref<1x8x128xf32, #tpu.memory_space<vmem>> -> memref<8x128xf32, #tpu.memory_space<vmem>>
    %dma_start3A_910 = arith.constant 8 : i32
    %dma_start3A_911 = tpu.memref_slice %arg3[%dma_start3A_910, %multiple_of3A_891] : memref<32x1000001xf32, #tpu.memory_space<hbm>> -> memref<8x128xf32, #tpu.memory_space<hbm>>
    %dma_start3A_912 = arith.constant 8 : i32
    %dma_start3A_913 = arith.constant 0 : i32
    %dma_start3A_914 = tpu.memref_slice %arg7[%dma_start3A_905, %dma_start3A_912, %dma_start3A_913] : memref<12x32x128xf32, #tpu.memory_space<vmem>> -> memref<1x8x128xf32, #tpu.memory_space<vmem>>
    %dma_start3A_915 = tpu.memref_squeeze %dma_start3A_914 : memref<1x8x128xf32, #tpu.memory_space<vmem>> -> memref<8x128xf32, #tpu.memory_space<vmem>>
    %dma_start3A_916 = arith.constant 8 : i32
    %dma_start3A_917 = tpu.memref_slice %arg3[%dma_start3A_916, %multiple_of3A_891] : memref<32x1000001xf32, #tpu.memory_space<hbm>> -> memref<8x128xf32, #tpu.memory_space<hbm>>
    tpu.enqueue_dma source(%dma_start3A_917 : memref<8x128xf32, #tpu.memory_space<hbm>>) target(%dma_start3A_915 : memref<8x128xf32, #tpu.memory_space<vmem>>) target_semaphore(%arg9 : memref<!tpu.dma_semaphore, #tpu.memory_space<semaphore_mem>>)
    %dma_start3A_918 = arith.constant 4 : i32
    %dma_start3A_919 = arith.constant 16 : i32
    %dma_start3A_920 = arith.constant 0 : i32
    %dma_start3A_921 = tpu.memref_slice %arg7[%dma_start3A_918, %dma_start3A_919, %dma_start3A_920] : memref<12x32x128xf32, #tpu.memory_space<vmem>> -> memref<1x8x128xf32, #tpu.memory_space<vmem>>
    %dma_start3A_922 = tpu.memref_squeeze %dma_start3A_921 : memref<1x8x128xf32, #tpu.memory_space<vmem>> -> memref<8x128xf32, #tpu.memory_space<vmem>>
    %dma_start3A_923 = arith.constant 16 : i32
    %dma_start3A_924 = tpu.memref_slice %arg3[%dma_start3A_923, %multiple_of3A_891] : memref<32x1000001xf32, #tpu.memory_space<hbm>> -> memref<8x128xf32, #tpu.memory_space<hbm>>
    %dma_start3A_925 = arith.constant 16 : i32
    %dma_start3A_926 = arith.constant 0 : i32
    %dma_start3A_927 = tpu.memref_slice %arg7[%dma_start3A_918, %dma_start3A_925, %dma_start3A_926] : memref<12x32x128xf32, #tpu.memory_space<vmem>> -> memref<1x8x128xf32, #tpu.memory_space<vmem>>
    %dma_start3A_928 = tpu.memref_squeeze %dma_start3A_927 : memref<1x8x128xf32, #tpu.memory_space<vmem>> -> memref<8x128xf32, #tpu.memory_space<vmem>>
    %dma_start3A_929 = arith.constant 16 : i32
    %dma_start3A_930 = tpu.memref_slice %arg3[%dma_start3A_929, %multiple_of3A_891] : memref<32x1000001xf32, #tpu.memory_space<hbm>> -> memref<8x128xf32, #tpu.memory_space<hbm>>
    tpu.enqueue_dma source(%dma_start3A_930 : memref<8x128xf32, #tpu.memory_space<hbm>>) target(%dma_start3A_928 : memref<8x128xf32, #tpu.memory_space<vmem>>) target_semaphore(%arg9 : memref<!tpu.dma_semaphore, #tpu.memory_space<semaphore_mem>>)
    %dma_start3A_931 = arith.constant 4 : i32
    %dma_start3A_932 = arith.constant 24 : i32
    %dma_start3A_933 = arith.constant 0 : i32
    %dma_start3A_934 = tpu.memref_slice %arg7[%dma_start3A_931, %dma_start3A_932, %dma_start3A_933] : memref<12x32x128xf32, #tpu.memory_space<vmem>> -> memref<1x8x128xf32, #tpu.memory_space<vmem>>
    %dma_start3A_935 = tpu.memref_squeeze %dma_start3A_934 : memref<1x8x128xf32, #tpu.memory_space<vmem>> -> memref<8x128xf32, #tpu.memory_space<vmem>>
    %dma_start3A_936 = arith.constant 24 : i32
    %dma_start3A_937 = tpu.memref_slice %arg3[%dma_start3A_936, %multiple_of3A_891] : memref<32x1000001xf32, #tpu.memory_space<hbm>> -> memref<8x128xf32, #tpu.memory_space<hbm>>
    %dma_start3A_938 = arith.constant 24 : i32
    %dma_start3A_939 = arith.constant 0 : i32
    %dma_start3A_940 = tpu.memref_slice %arg7[%dma_start3A_931, %dma_start3A_938, %dma_start3A_939] : memref<12x32x128xf32, #tpu.memory_space<vmem>> -> memref<1x8x128xf32, #tpu.memory_space<vmem>>
    %dma_start3A_941 = tpu.memref_squeeze %dma_start3A_940 : memref<1x8x128xf32, #tpu.memory_space<vmem>> -> memref<8x128xf32, #tpu.memory_space<vmem>>
    %dma_start3A_942 = arith.constant 24 : i32
    %dma_start3A_943 = tpu.memref_slice %arg3[%dma_start3A_942, %multiple_of3A_891] : memref<32x1000001xf32, #tpu.memory_space<hbm>> -> memref<8x128xf32, #tpu.memory_space<hbm>>
    tpu.enqueue_dma source(%dma_start3A_943 : memref<8x128xf32, #tpu.memory_space<hbm>>) target(%dma_start3A_941 : memref<8x128xf32, #tpu.memory_space<vmem>>) target_semaphore(%arg9 : memref<!tpu.dma_semaphore, #tpu.memory_space<semaphore_mem>>)
    %multiple_of3A_944 = arith.constant 0 : i32
    %multiple_of3A_945 = tpu.assume_multiple %multiple_of3A_944, 16 : i32
    %get3A_946 = arith.constant 0 : i32
    %get3A_947 = arith.index_cast %get3A_946 : i32 to index
    %get3A_948 = arith.index_cast %multiple_of3A_945 : i32 to index
    %get3A_949 = tpu.vector_load %arg6[%get3A_947, %get3A_948] {strides = array<i32>} : memref<1x512xi32, #tpu.memory_space<vmem>>, vector<16xi32>,
    %eq3A_950 = arith.constant 5 : i32
    %eq3A_951 = vector.broadcast %eq3A_950 : i32 to vector<16xi32>
    %eq3A_952 = arith.cmpi eq, %iota3A, %eq3A_951 : vector<16xi32>
    %jit3A_953 = arith.constant 0 : i32
    %broadcast_in_dim3A_954 = vector.broadcast %jit3A_953 : i32 to vector<16xi32>
    %select_n3A_955 = arith.select %eq3A_952, %get3A_949, %broadcast_in_dim3A_954 : vector<16xi1>, vector<16xi32>
    %reduce_sum3A_956 = arith.constant true
    %reduce_sum3A_957 = vector.broadcast %reduce_sum3A_956 : i1 to vector<16xi1>
    %reduce_sum3A_958 = tpu.scan <sum>, %select_n3A_955 masked %reduce_sum3A_957 : vector<16xi32>, vector<16xi1> -> vector<16xi32>
    %reduce_sum3A_959 = vector.extract %reduce_sum3A_958[15] : i32 from vector<16xi32>
    %jit3A_960 = arith.constant 128 : i32
    %div3A_961 = arith.divsi %reduce_sum3A_959, %jit3A_960 : i32
    %sign3A_962 = arith.constant 0 : i32
    %sign3A_963 = arith.cmpi sgt, %reduce_sum3A_959, %sign3A_962 : i32
    %sign3A_964 = arith.extui %sign3A_963 : i1 to i32
    %sign3A_965 = arith.constant 0 : i32
    %sign3A_966 = arith.cmpi slt, %reduce_sum3A_959, %sign3A_965 : i32
    %sign3A_967 = arith.extui %sign3A_966 : i1 to i32
    %sign3A_968 = arith.subi %sign3A_964, %sign3A_967 : i32
    %sign3A_969 = arith.constant 0 : i32
    %sign3A_970 = arith.cmpi sgt, %jit3A_960, %sign3A_969 : i32
    %sign3A_971 = arith.extui %sign3A_970 : i1 to i32
    %sign3A_972 = arith.constant 0 : i32
    %sign3A_973 = arith.cmpi slt, %jit3A_960, %sign3A_972 : i32
    %sign3A_974 = arith.extui %sign3A_973 : i1 to i32
    %sign3A_975 = arith.subi %sign3A_971, %sign3A_974 : i32
    %ne3A_976 = arith.cmpi ne, %sign3A_968, %sign3A_975 : i32
    %rem3A_977 = arith.remsi %reduce_sum3A_959, %jit3A_960 : i32
    %ne3A_978 = arith.constant 0 : i32
    %ne3A_979 = arith.cmpi ne, %rem3A_977, %ne3A_978 : i32
    %and3A_980 = arith.andi %ne3A_976, %ne3A_979 : i1
    %sub3A_981 = arith.constant 1 : i32
    %sub3A_982 = arith.subi %div3A_961, %sub3A_981 : i32
    %select_n3A_983 = arith.select %and3A_980, %sub3A_982, %div3A_961 : i32
    %mul3A_984 = arith.constant 128 : i32
    %mul3A_985 = arith.muli %select_n3A_983, %mul3A_984 : i32
    %multiple_of3A_986 = tpu.assume_multiple %mul3A_985, 128 : i32
    %dma_start3A_987 = arith.constant 5 : i32
    %dma_start3A_988 = arith.constant 0 : i32
    %dma_start3A_989 = arith.constant 0 : i32
    %dma_start3A_990 = tpu.memref_slice %arg7[%dma_start3A_987, %dma_start3A_988, %dma_start3A_989] : memref<12x32x128xf32, #tpu.memory_space<vmem>> -> memref<1x8x128xf32, #tpu.memory_space<vmem>>
    %dma_start3A_991 = tpu.memref_squeeze %dma_start3A_990 : memref<1x8x128xf32, #tpu.memory_space<vmem>> -> memref<8x128xf32, #tpu.memory_space<vmem>>
    %dma_start3A_992 = arith.constant 0 : i32
    %dma_start3A_993 = tpu.memref_slice %arg3[%dma_start3A_992, %multiple_of3A_986] : memref<32x1000001xf32, #tpu.memory_space<hbm>> -> memref<8x128xf32, #tpu.memory_space<hbm>>
    %dma_start3A_994 = arith.constant 0 : i32
    %dma_start3A_995 = arith.constant 0 : i32
    %dma_start3A_996 = tpu.memref_slice %arg7[%dma_start3A_987, %dma_start3A_994, %dma_start3A_995] : memref<12x32x128xf32, #tpu.memory_space<vmem>> -> memref<1x8x128xf32, #tpu.memory_space<vmem>>
    %dma_start3A_997 = tpu.memref_squeeze %dma_start3A_996 : memref<1x8x128xf32, #tpu.memory_space<vmem>> -> memref<8x128xf32, #tpu.memory_space<vmem>>
    %dma_start3A_998 = arith.constant 0 : i32
    %dma_start3A_999 = tpu.memref_slice %arg3[%dma_start3A_998, %multiple_of3A_986] : memref<32x1000001xf32, #tpu.memory_space<hbm>> -> memref<8x128xf32, #tpu.memory_space<hbm>>
    tpu.enqueue_dma source(%dma_start3A_999 : memref<8x128xf32, #tpu.memory_space<hbm>>) target(%dma_start3A_997 : memref<8x128xf32, #tpu.memory_space<vmem>>) target_semaphore(%arg9 : memref<!tpu.dma_semaphore, #tpu.memory_space<semaphore_mem>>)
    %dma_start3A_1000 = arith.constant 5 : i32
    %dma_start3A_1001 = arith.constant 8 : i32
    %dma_start3A_1002 = arith.constant 0 : i32
    %dma_start3A_1003 = tpu.memref_slice %arg7[%dma_start3A_1000, %dma_start3A_1001, %dma_start3A_1002] : memref<12x32x128xf32, #tpu.memory_space<vmem>> -> memref<1x8x128xf32, #tpu.memory_space<vmem>>
    %dma_start3A_1004 = tpu.memref_squeeze %dma_start3A_1003 : memref<1x8x128xf32, #tpu.memory_space<vmem>> -> memref<8x128xf32, #tpu.memory_space<vmem>>
    %dma_start3A_1005 = arith.constant 8 : i32
    %dma_start3A_1006 = tpu.memref_slice %arg3[%dma_start3A_1005, %multiple_of3A_986] : memref<32x1000001xf32, #tpu.memory_space<hbm>> -> memref<8x128xf32, #tpu.memory_space<hbm>>
    %dma_start3A_1007 = arith.constant 8 : i32
    %dma_start3A_1008 = arith.constant 0 : i32
    %dma_start3A_1009 = tpu.memref_slice %arg7[%dma_start3A_1000, %dma_start3A_1007, %dma_start3A_1008] : memref<12x32x128xf32, #tpu.memory_space<vmem>> -> memref<1x8x128xf32, #tpu.memory_space<vmem>>
    %dma_start3A_1010 = tpu.memref_squeeze %dma_start3A_1009 : memref<1x8x128xf32, #tpu.memory_space<vmem>> -> memref<8x128xf32, #tpu.memory_space<vmem>>
    %dma_start3A_1011 = arith.constant 8 : i32
    %dma_start3A_1012 = tpu.memref_slice %arg3[%dma_start3A_1011, %multiple_of3A_986] : memref<32x1000001xf32, #tpu.memory_space<hbm>> -> memref<8x128xf32, #tpu.memory_space<hbm>>
    tpu.enqueue_dma source(%dma_start3A_1012 : memref<8x128xf32, #tpu.memory_space<hbm>>) target(%dma_start3A_1010 : memref<8x128xf32, #tpu.memory_space<vmem>>) target_semaphore(%arg9 : memref<!tpu.dma_semaphore, #tpu.memory_space<semaphore_mem>>)
    %dma_start3A_1013 = arith.constant 5 : i32
    %dma_start3A_1014 = arith.constant 16 : i32
    %dma_start3A_1015 = arith.constant 0 : i32
    %dma_start3A_1016 = tpu.memref_slice %arg7[%dma_start3A_1013, %dma_start3A_1014, %dma_start3A_1015] : memref<12x32x128xf32, #tpu.memory_space<vmem>> -> memref<1x8x128xf32, #tpu.memory_space<vmem>>
    %dma_start3A_1017 = tpu.memref_squeeze %dma_start3A_1016 : memref<1x8x128xf32, #tpu.memory_space<vmem>> -> memref<8x128xf32, #tpu.memory_space<vmem>>
    %dma_start3A_1018 = arith.constant 16 : i32
    %dma_start3A_1019 = tpu.memref_slice %arg3[%dma_start3A_1018, %multiple_of3A_986] : memref<32x1000001xf32, #tpu.memory_space<hbm>> -> memref<8x128xf32, #tpu.memory_space<hbm>>
    %dma_start3A_1020 = arith.constant 16 : i32
    %dma_start3A_1021 = arith.constant 0 : i32
    %dma_start3A_1022 = tpu.memref_slice %arg7[%dma_start3A_1013, %dma_start3A_1020, %dma_start3A_1021] : memref<12x32x128xf32, #tpu.memory_space<vmem>> -> memref<1x8x128xf32, #tpu.memory_space<vmem>>
    %dma_start3A_1023 = tpu.memref_squeeze %dma_start3A_1022 : memref<1x8x128xf32, #tpu.memory_space<vmem>> -> memref<8x128xf32, #tpu.memory_space<vmem>>
    %dma_start3A_1024 = arith.constant 16 : i32
    %dma_start3A_1025 = tpu.memref_slice %arg3[%dma_start3A_1024, %multiple_of3A_986] : memref<32x1000001xf32, #tpu.memory_space<hbm>> -> memref<8x128xf32, #tpu.memory_space<hbm>>
    tpu.enqueue_dma source(%dma_start3A_1025 : memref<8x128xf32, #tpu.memory_space<hbm>>) target(%dma_start3A_1023 : memref<8x128xf32, #tpu.memory_space<vmem>>) target_semaphore(%arg9 : memref<!tpu.dma_semaphore, #tpu.memory_space<semaphore_mem>>)
    %dma_start3A_1026 = arith.constant 5 : i32
    %dma_start3A_1027 = arith.constant 24 : i32
    %dma_start3A_1028 = arith.constant 0 : i32
    %dma_start3A_1029 = tpu.memref_slice %arg7[%dma_start3A_1026, %dma_start3A_1027, %dma_start3A_1028] : memref<12x32x128xf32, #tpu.memory_space<vmem>> -> memref<1x8x128xf32, #tpu.memory_space<vmem>>
    %dma_start3A_1030 = tpu.memref_squeeze %dma_start3A_1029 : memref<1x8x128xf32, #tpu.memory_space<vmem>> -> memref<8x128xf32, #tpu.memory_space<vmem>>
    %dma_start3A_1031 = arith.constant 24 : i32
    %dma_start3A_1032 = tpu.memref_slice %arg3[%dma_start3A_1031, %multiple_of3A_986] : memref<32x1000001xf32, #tpu.memory_space<hbm>> -> memref<8x128xf32, #tpu.memory_space<hbm>>
    %dma_start3A_1033 = arith.constant 24 : i32
    %dma_start3A_1034 = arith.constant 0 : i32
    %dma_start3A_1035 = tpu.memref_slice %arg7[%dma_start3A_1026, %dma_start3A_1033, %dma_start3A_1034] : memref<12x32x128xf32, #tpu.memory_space<vmem>> -> memref<1x8x128xf32, #tpu.memory_space<vmem>>
    %dma_start3A_1036 = tpu.memref_squeeze %dma_start3A_1035 : memref<1x8x128xf32, #tpu.memory_space<vmem>> -> memref<8x128xf32, #tpu.memory_space<vmem>>
    %dma_start3A_1037 = arith.constant 24 : i32
    %dma_start3A_1038 = tpu.memref_slice %arg3[%dma_start3A_1037, %multiple_of3A_986] : memref<32x1000001xf32, #tpu.memory_space<hbm>> -> memref<8x128xf32, #tpu.memory_space<hbm>>
    tpu.enqueue_dma source(%dma_start3A_1038 : memref<8x128xf32, #tpu.memory_space<hbm>>) target(%dma_start3A_1036 : memref<8x128xf32, #tpu.memory_space<vmem>>) target_semaphore(%arg9 : memref<!tpu.dma_semaphore, #tpu.memory_space<semaphore_mem>>)
    %multiple_of3A_1039 = arith.constant 0 : i32
    %multiple_of3A_1040 = tpu.assume_multiple %multiple_of3A_1039, 16 : i32
    %get3A_1041 = arith.constant 0 : i32
    %get3A_1042 = arith.index_cast %get3A_1041 : i32 to index
    %get3A_1043 = arith.index_cast %multiple_of3A_1040 : i32 to index
    %get3A_1044 = tpu.vector_load %arg6[%get3A_1042, %get3A_1043] {strides = array<i32>} : memref<1x512xi32, #tpu.memory_space<vmem>>, vector<16xi32>,
    %eq3A_1045 = arith.constant 6 : i32
    %eq3A_1046 = vector.broadcast %eq3A_1045 : i32 to vector<16xi32>
    %eq3A_1047 = arith.cmpi eq, %iota3A, %eq3A_1046 : vector<16xi32>
    %jit3A_1048 = arith.constant 0 : i32
    %broadcast_in_dim3A_1049 = vector.broadcast %jit3A_1048 : i32 to vector<16xi32>
    %select_n3A_1050 = arith.select %eq3A_1047, %get3A_1044, %broadcast_in_dim3A_1049 : vector<16xi1>, vector<16xi32>
    %reduce_sum3A_1051 = arith.constant true
    %reduce_sum3A_1052 = vector.broadcast %reduce_sum3A_1051 : i1 to vector<16xi1>
    %reduce_sum3A_1053 = tpu.scan <sum>, %select_n3A_1050 masked %reduce_sum3A_1052 : vector<16xi32>, vector<16xi1> -> vector<16xi32>
    %reduce_sum3A_1054 = vector.extract %reduce_sum3A_1053[15] : i32 from vector<16xi32>
    %jit3A_1055 = arith.constant 128 : i32
    %div3A_1056 = arith.divsi %reduce_sum3A_1054, %jit3A_1055 : i32
    %sign3A_1057 = arith.constant 0 : i32
    %sign3A_1058 = arith.cmpi sgt, %reduce_sum3A_1054, %sign3A_1057 : i32
    %sign3A_1059 = arith.extui %sign3A_1058 : i1 to i32
    %sign3A_1060 = arith.constant 0 : i32
    %sign3A_1061 = arith.cmpi slt, %reduce_sum3A_1054, %sign3A_1060 : i32
    %sign3A_1062 = arith.extui %sign3A_1061 : i1 to i32
    %sign3A_1063 = arith.subi %sign3A_1059, %sign3A_1062 : i32
    %sign3A_1064 = arith.constant 0 : i32
    %sign3A_1065 = arith.cmpi sgt, %jit3A_1055, %sign3A_1064 : i32
    %sign3A_1066 = arith.extui %sign3A_1065 : i1 to i32
    %sign3A_1067 = arith.constant 0 : i32
    %sign3A_1068 = arith.cmpi slt, %jit3A_1055, %sign3A_1067 : i32
    %sign3A_1069 = arith.extui %sign3A_1068 : i1 to i32
    %sign3A_1070 = arith.subi %sign3A_1066, %sign3A_1069 : i32
    %ne3A_1071 = arith.cmpi ne, %sign3A_1063, %sign3A_1070 : i32
    %rem3A_1072 = arith.remsi %reduce_sum3A_1054, %jit3A_1055 : i32
    %ne3A_1073 = arith.constant 0 : i32
    %ne3A_1074 = arith.cmpi ne, %rem3A_1072, %ne3A_1073 : i32
    %and3A_1075 = arith.andi %ne3A_1071, %ne3A_1074 : i1
    %sub3A_1076 = arith.constant 1 : i32
    %sub3A_1077 = arith.subi %div3A_1056, %sub3A_1076 : i32
    %select_n3A_1078 = arith.select %and3A_1075, %sub3A_1077, %div3A_1056 : i32
    %mul3A_1079 = arith.constant 128 : i32
    %mul3A_1080 = arith.muli %select_n3A_1078, %mul3A_1079 : i32
    %multiple_of3A_1081 = tpu.assume_multiple %mul3A_1080, 128 : i32
    %dma_start3A_1082 = arith.constant 6 : i32
    %dma_start3A_1083 = arith.constant 0 : i32
    %dma_start3A_1084 = arith.constant 0 : i32
    %dma_start3A_1085 = tpu.memref_slice %arg7[%dma_start3A_1082, %dma_start3A_1083, %dma_start3A_1084] : memref<12x32x128xf32, #tpu.memory_space<vmem>> -> memref<1x8x128xf32, #tpu.memory_space<vmem>>
    %dma_start3A_1086 = tpu.memref_squeeze %dma_start3A_1085 : memref<1x8x128xf32, #tpu.memory_space<vmem>> -> memref<8x128xf32, #tpu.memory_space<vmem>>
    %dma_start3A_1087 = arith.constant 0 : i32
    %dma_start3A_1088 = tpu.memref_slice %arg3[%dma_start3A_1087, %multiple_of3A_1081] : memref<32x1000001xf32, #tpu.memory_space<hbm>> -> memref<8x128xf32, #tpu.memory_space<hbm>>
    %dma_start3A_1089 = arith.constant 0 : i32
    %dma_start3A_1090 = arith.constant 0 : i32
    %dma_start3A_1091 = tpu.memref_slice %arg7[%dma_start3A_1082, %dma_start3A_1089, %dma_start3A_1090] : memref<12x32x128xf32, #tpu.memory_space<vmem>> -> memref<1x8x128xf32, #tpu.memory_space<vmem>>
    %dma_start3A_1092 = tpu.memref_squeeze %dma_start3A_1091 : memref<1x8x128xf32, #tpu.memory_space<vmem>> -> memref<8x128xf32, #tpu.memory_space<vmem>>
    %dma_start3A_1093 = arith.constant 0 : i32
    %dma_start3A_1094 = tpu.memref_slice %arg3[%dma_start3A_1093, %multiple_of3A_1081] : memref<32x1000001xf32, #tpu.memory_space<hbm>> -> memref<8x128xf32, #tpu.memory_space<hbm>>
    tpu.enqueue_dma source(%dma_start3A_1094 : memref<8x128xf32, #tpu.memory_space<hbm>>) target(%dma_start3A_1092 : memref<8x128xf32, #tpu.memory_space<vmem>>) target_semaphore(%arg9 : memref<!tpu.dma_semaphore, #tpu.memory_space<semaphore_mem>>)
    %dma_start3A_1095 = arith.constant 6 : i32
    %dma_start3A_1096 = arith.constant 8 : i32
    %dma_start3A_1097 = arith.constant 0 : i32
    %dma_start3A_1098 = tpu.memref_slice %arg7[%dma_start3A_1095, %dma_start3A_1096, %dma_start3A_1097] : memref<12x32x128xf32, #tpu.memory_space<vmem>> -> memref<1x8x128xf32, #tpu.memory_space<vmem>>
    %dma_start3A_1099 = tpu.memref_squeeze %dma_start3A_1098 : memref<1x8x128xf32, #tpu.memory_space<vmem>> -> memref<8x128xf32, #tpu.memory_space<vmem>>
    %dma_start3A_1100 = arith.constant 8 : i32
    %dma_start3A_1101 = tpu.memref_slice %arg3[%dma_start3A_1100, %multiple_of3A_1081] : memref<32x1000001xf32, #tpu.memory_space<hbm>> -> memref<8x128xf32, #tpu.memory_space<hbm>>
    %dma_start3A_1102 = arith.constant 8 : i32
    %dma_start3A_1103 = arith.constant 0 : i32
    %dma_start3A_1104 = tpu.memref_slice %arg7[%dma_start3A_1095, %dma_start3A_1102, %dma_start3A_1103] : memref<12x32x128xf32, #tpu.memory_space<vmem>> -> memref<1x8x128xf32, #tpu.memory_space<vmem>>
    %dma_start3A_1105 = tpu.memref_squeeze %dma_start3A_1104 : memref<1x8x128xf32, #tpu.memory_space<vmem>> -> memref<8x128xf32, #tpu.memory_space<vmem>>
    %dma_start3A_1106 = arith.constant 8 : i32
    %dma_start3A_1107 = tpu.memref_slice %arg3[%dma_start3A_1106, %multiple_of3A_1081] : memref<32x1000001xf32, #tpu.memory_space<hbm>> -> memref<8x128xf32, #tpu.memory_space<hbm>>
    tpu.enqueue_dma source(%dma_start3A_1107 : memref<8x128xf32, #tpu.memory_space<hbm>>) target(%dma_start3A_1105 : memref<8x128xf32, #tpu.memory_space<vmem>>) target_semaphore(%arg9 : memref<!tpu.dma_semaphore, #tpu.memory_space<semaphore_mem>>)
    %dma_start3A_1108 = arith.constant 6 : i32
    %dma_start3A_1109 = arith.constant 16 : i32
    %dma_start3A_1110 = arith.constant 0 : i32
    %dma_start3A_1111 = tpu.memref_slice %arg7[%dma_start3A_1108, %dma_start3A_1109, %dma_start3A_1110] : memref<12x32x128xf32, #tpu.memory_space<vmem>> -> memref<1x8x128xf32, #tpu.memory_space<vmem>>
    %dma_start3A_1112 = tpu.memref_squeeze %dma_start3A_1111 : memref<1x8x128xf32, #tpu.memory_space<vmem>> -> memref<8x128xf32, #tpu.memory_space<vmem>>
    %dma_start3A_1113 = arith.constant 16 : i32
    %dma_start3A_1114 = tpu.memref_slice %arg3[%dma_start3A_1113, %multiple_of3A_1081] : memref<32x1000001xf32, #tpu.memory_space<hbm>> -> memref<8x128xf32, #tpu.memory_space<hbm>>
    %dma_start3A_1115 = arith.constant 16 : i32
    %dma_start3A_1116 = arith.constant 0 : i32
    %dma_start3A_1117 = tpu.memref_slice %arg7[%dma_start3A_1108, %dma_start3A_1115, %dma_start3A_1116] : memref<12x32x128xf32, #tpu.memory_space<vmem>> -> memref<1x8x128xf32, #tpu.memory_space<vmem>>
    %dma_start3A_1118 = tpu.memref_squeeze %dma_start3A_1117 : memref<1x8x128xf32, #tpu.memory_space<vmem>> -> memref<8x128xf32, #tpu.memory_space<vmem>>
    %dma_start3A_1119 = arith.constant 16 : i32
    %dma_start3A_1120 = tpu.memref_slice %arg3[%dma_start3A_1119, %multiple_of3A_1081] : memref<32x1000001xf32, #tpu.memory_space<hbm>> -> memref<8x128xf32, #tpu.memory_space<hbm>>
    tpu.enqueue_dma source(%dma_start3A_1120 : memref<8x128xf32, #tpu.memory_space<hbm>>) target(%dma_start3A_1118 : memref<8x128xf32, #tpu.memory_space<vmem>>) target_semaphore(%arg9 : memref<!tpu.dma_semaphore, #tpu.memory_space<semaphore_mem>>)
    %dma_start3A_1121 = arith.constant 6 : i32
    %dma_start3A_1122 = arith.constant 24 : i32
    %dma_start3A_1123 = arith.constant 0 : i32
    %dma_start3A_1124 = tpu.memref_slice %arg7[%dma_start3A_1121, %dma_start3A_1122, %dma_start3A_1123] : memref<12x32x128xf32, #tpu.memory_space<vmem>> -> memref<1x8x128xf32, #tpu.memory_space<vmem>>
    %dma_start3A_1125 = tpu.memref_squeeze %dma_start3A_1124 : memref<1x8x128xf32, #tpu.memory_space<vmem>> -> memref<8x128xf32, #tpu.memory_space<vmem>>
    %dma_start3A_1126 = arith.constant 24 : i32
    %dma_start3A_1127 = tpu.memref_slice %arg3[%dma_start3A_1126, %multiple_of3A_1081] : memref<32x1000001xf32, #tpu.memory_space<hbm>> -> memref<8x128xf32, #tpu.memory_space<hbm>>
    %dma_start3A_1128 = arith.constant 24 : i32
    %dma_start3A_1129 = arith.constant 0 : i32
    %dma_start3A_1130 = tpu.memref_slice %arg7[%dma_start3A_1121, %dma_start3A_1128, %dma_start3A_1129] : memref<12x32x128xf32, #tpu.memory_space<vmem>> -> memref<1x8x128xf32, #tpu.memory_space<vmem>>
    %dma_start3A_1131 = tpu.memref_squeeze %dma_start3A_1130 : memref<1x8x128xf32, #tpu.memory_space<vmem>> -> memref<8x128xf32, #tpu.memory_space<vmem>>
    %dma_start3A_1132 = arith.constant 24 : i32
    %dma_start3A_1133 = tpu.memref_slice %arg3[%dma_start3A_1132, %multiple_of3A_1081] : memref<32x1000001xf32, #tpu.memory_space<hbm>> -> memref<8x128xf32, #tpu.memory_space<hbm>>
    tpu.enqueue_dma source(%dma_start3A_1133 : memref<8x128xf32, #tpu.memory_space<hbm>>) target(%dma_start3A_1131 : memref<8x128xf32, #tpu.memory_space<vmem>>) target_semaphore(%arg9 : memref<!tpu.dma_semaphore, #tpu.memory_space<semaphore_mem>>)
    %multiple_of3A_1134 = arith.constant 0 : i32
    %multiple_of3A_1135 = tpu.assume_multiple %multiple_of3A_1134, 16 : i32
    %get3A_1136 = arith.constant 0 : i32
    %get3A_1137 = arith.index_cast %get3A_1136 : i32 to index
    %get3A_1138 = arith.index_cast %multiple_of3A_1135 : i32 to index
    %get3A_1139 = tpu.vector_load %arg6[%get3A_1137, %get3A_1138] {strides = array<i32>} : memref<1x512xi32, #tpu.memory_space<vmem>>, vector<16xi32>,
    %eq3A_1140 = arith.constant 7 : i32
    %eq3A_1141 = vector.broadcast %eq3A_1140 : i32 to vector<16xi32>
    %eq3A_1142 = arith.cmpi eq, %iota3A, %eq3A_1141 : vector<16xi32>
    %jit3A_1143 = arith.constant 0 : i32
    %broadcast_in_dim3A_1144 = vector.broadcast %jit3A_1143 : i32 to vector<16xi32>
    %select_n3A_1145 = arith.select %eq3A_1142, %get3A_1139, %broadcast_in_dim3A_1144 : vector<16xi1>, vector<16xi32>
    %reduce_sum3A_1146 = arith.constant true
    %reduce_sum3A_1147 = vector.broadcast %reduce_sum3A_1146 : i1 to vector<16xi1>
    %reduce_sum3A_1148 = tpu.scan <sum>, %select_n3A_1145 masked %reduce_sum3A_1147 : vector<16xi32>, vector<16xi1> -> vector<16xi32>
    %reduce_sum3A_1149 = vector.extract %reduce_sum3A_1148[15] : i32 from vector<16xi32>
    %jit3A_1150 = arith.constant 128 : i32
    %div3A_1151 = arith.divsi %reduce_sum3A_1149, %jit3A_1150 : i32
    %sign3A_1152 = arith.constant 0 : i32
    %sign3A_1153 = arith.cmpi sgt, %reduce_sum3A_1149, %sign3A_1152 : i32
    %sign3A_1154 = arith.extui %sign3A_1153 : i1 to i32
    %sign3A_1155 = arith.constant 0 : i32
    %sign3A_1156 = arith.cmpi slt, %reduce_sum3A_1149, %sign3A_1155 : i32
    %sign3A_1157 = arith.extui %sign3A_1156 : i1 to i32
    %sign3A_1158 = arith.subi %sign3A_1154, %sign3A_1157 : i32
    %sign3A_1159 = arith.constant 0 : i32
    %sign3A_1160 = arith.cmpi sgt, %jit3A_1150, %sign3A_1159 : i32
    %sign3A_1161 = arith.extui %sign3A_1160 : i1 to i32
    %sign3A_1162 = arith.constant 0 : i32
    %sign3A_1163 = arith.cmpi slt, %jit3A_1150, %sign3A_1162 : i32
    %sign3A_1164 = arith.extui %sign3A_1163 : i1 to i32
    %sign3A_1165 = arith.subi %sign3A_1161, %sign3A_1164 : i32
    %ne3A_1166 = arith.cmpi ne, %sign3A_1158, %sign3A_1165 : i32
    %rem3A_1167 = arith.remsi %reduce_sum3A_1149, %jit3A_1150 : i32
    %ne3A_1168 = arith.constant 0 : i32
    %ne3A_1169 = arith.cmpi ne, %rem3A_1167, %ne3A_1168 : i32
    %and3A_1170 = arith.andi %ne3A_1166, %ne3A_1169 : i1
    %sub3A_1171 = arith.constant 1 : i32
    %sub3A_1172 = arith.subi %div3A_1151, %sub3A_1171 : i32
    %select_n3A_1173 = arith.select %and3A_1170, %sub3A_1172, %div3A_1151 : i32
    %mul3A_1174 = arith.constant 128 : i32
    %mul3A_1175 = arith.muli %select_n3A_1173, %mul3A_1174 : i32
    %multiple_of3A_1176 = tpu.assume_multiple %mul3A_1175, 128 : i32
    %dma_start3A_1177 = arith.constant 7 : i32
    %dma_start3A_1178 = arith.constant 0 : i32
    %dma_start3A_1179 = arith.constant 0 : i32
    %dma_start3A_1180 = tpu.memref_slice %arg7[%dma_start3A_1177, %dma_start3A_1178, %dma_start3A_1179] : memref<12x32x128xf32, #tpu.memory_space<vmem>> -> memref<1x8x128xf32, #tpu.memory_space<vmem>>
    %dma_start3A_1181 = tpu.memref_squeeze %dma_start3A_1180 : memref<1x8x128xf32, #tpu.memory_space<vmem>> -> memref<8x128xf32, #tpu.memory_space<vmem>>
    %dma_start3A_1182 = arith.constant 0 : i32
    %dma_start3A_1183 = tpu.memref_slice %arg3[%dma_start3A_1182, %multiple_of3A_1176] : memref<32x1000001xf32, #tpu.memory_space<hbm>> -> memref<8x128xf32, #tpu.memory_space<hbm>>
    %dma_start3A_1184 = arith.constant 0 : i32
    %dma_start3A_1185 = arith.constant 0 : i32
    %dma_start3A_1186 = tpu.memref_slice %arg7[%dma_start3A_1177, %dma_start3A_1184, %dma_start3A_1185] : memref<12x32x128xf32, #tpu.memory_space<vmem>> -> memref<1x8x128xf32, #tpu.memory_space<vmem>>
    %dma_start3A_1187 = tpu.memref_squeeze %dma_start3A_1186 : memref<1x8x128xf32, #tpu.memory_space<vmem>> -> memref<8x128xf32, #tpu.memory_space<vmem>>
    %dma_start3A_1188 = arith.constant 0 : i32
    %dma_start3A_1189 = tpu.memref_slice %arg3[%dma_start3A_1188, %multiple_of3A_1176] : memref<32x1000001xf32, #tpu.memory_space<hbm>> -> memref<8x128xf32, #tpu.memory_space<hbm>>
    tpu.enqueue_dma source(%dma_start3A_1189 : memref<8x128xf32, #tpu.memory_space<hbm>>) target(%dma_start3A_1187 : memref<8x128xf32, #tpu.memory_space<vmem>>) target_semaphore(%arg9 : memref<!tpu.dma_semaphore, #tpu.memory_space<semaphore_mem>>)
    %dma_start3A_1190 = arith.constant 7 : i32
    %dma_start3A_1191 = arith.constant 8 : i32
    %dma_start3A_1192 = arith.constant 0 : i32
    %dma_start3A_1193 = tpu.memref_slice %arg7[%dma_start3A_1190, %dma_start3A_1191, %dma_start3A_1192] : memref<12x32x128xf32, #tpu.memory_space<vmem>> -> memref<1x8x128xf32, #tpu.memory_space<vmem>>
    %dma_start3A_1194 = tpu.memref_squeeze %dma_start3A_1193 : memref<1x8x128xf32, #tpu.memory_space<vmem>> -> memref<8x128xf32, #tpu.memory_space<vmem>>
    %dma_start3A_1195 = arith.constant 8 : i32
    %dma_start3A_1196 = tpu.memref_slice %arg3[%dma_start3A_1195, %multiple_of3A_1176] : memref<32x1000001xf32, #tpu.memory_space<hbm>> -> memref<8x128xf32, #tpu.memory_space<hbm>>
    %dma_start3A_1197 = arith.constant 8 : i32
    %dma_start3A_1198 = arith.constant 0 : i32
    %dma_start3A_1199 = tpu.memref_slice %arg7[%dma_start3A_1190, %dma_start3A_1197, %dma_start3A_1198] : memref<12x32x128xf32, #tpu.memory_space<vmem>> -> memref<1x8x128xf32, #tpu.memory_space<vmem>>
    %dma_start3A_1200 = tpu.memref_squeeze %dma_start3A_1199 : memref<1x8x128xf32, #tpu.memory_space<vmem>> -> memref<8x128xf32, #tpu.memory_space<vmem>>
    %dma_start3A_1201 = arith.constant 8 : i32
    %dma_start3A_1202 = tpu.memref_slice %arg3[%dma_start3A_1201, %multiple_of3A_1176] : memref<32x1000001xf32, #tpu.memory_space<hbm>> -> memref<8x128xf32, #tpu.memory_space<hbm>>
    tpu.enqueue_dma source(%dma_start3A_1202 : memref<8x128xf32, #tpu.memory_space<hbm>>) target(%dma_start3A_1200 : memref<8x128xf32, #tpu.memory_space<vmem>>) target_semaphore(%arg9 : memref<!tpu.dma_semaphore, #tpu.memory_space<semaphore_mem>>)
    %dma_start3A_1203 = arith.constant 7 : i32
    %dma_start3A_1204 = arith.constant 16 : i32
    %dma_start3A_1205 = arith.constant 0 : i32
    %dma_start3A_1206 = tpu.memref_slice %arg7[%dma_start3A_1203, %dma_start3A_1204, %dma_start3A_1205] : memref<12x32x128xf32, #tpu.memory_space<vmem>> -> memref<1x8x128xf32, #tpu.memory_space<vmem>>
    %dma_start3A_1207 = tpu.memref_squeeze %dma_start3A_1206 : memref<1x8x128xf32, #tpu.memory_space<vmem>> -> memref<8x128xf32, #tpu.memory_space<vmem>>
    %dma_start3A_1208 = arith.constant 16 : i32
    %dma_start3A_1209 = tpu.memref_slice %arg3[%dma_start3A_1208, %multiple_of3A_1176] : memref<32x1000001xf32, #tpu.memory_space<hbm>> -> memref<8x128xf32, #tpu.memory_space<hbm>>
    %dma_start3A_1210 = arith.constant 16 : i32
    %dma_start3A_1211 = arith.constant 0 : i32
    %dma_start3A_1212 = tpu.memref_slice %arg7[%dma_start3A_1203, %dma_start3A_1210, %dma_start3A_1211] : memref<12x32x128xf32, #tpu.memory_space<vmem>> -> memref<1x8x128xf32, #tpu.memory_space<vmem>>
    %dma_start3A_1213 = tpu.memref_squeeze %dma_start3A_1212 : memref<1x8x128xf32, #tpu.memory_space<vmem>> -> memref<8x128xf32, #tpu.memory_space<vmem>>
    %dma_start3A_1214 = arith.constant 16 : i32
    %dma_start3A_1215 = tpu.memref_slice %arg3[%dma_start3A_1214, %multiple_of3A_1176] : memref<32x1000001xf32, #tpu.memory_space<hbm>> -> memref<8x128xf32, #tpu.memory_space<hbm>>
    tpu.enqueue_dma source(%dma_start3A_1215 : memref<8x128xf32, #tpu.memory_space<hbm>>) target(%dma_start3A_1213 : memref<8x128xf32, #tpu.memory_space<vmem>>) target_semaphore(%arg9 : memref<!tpu.dma_semaphore, #tpu.memory_space<semaphore_mem>>)
    %dma_start3A_1216 = arith.constant 7 : i32
    %dma_start3A_1217 = arith.constant 24 : i32
    %dma_start3A_1218 = arith.constant 0 : i32
    %dma_start3A_1219 = tpu.memref_slice %arg7[%dma_start3A_1216, %dma_start3A_1217, %dma_start3A_1218] : memref<12x32x128xf32, #tpu.memory_space<vmem>> -> memref<1x8x128xf32, #tpu.memory_space<vmem>>
    %dma_start3A_1220 = tpu.memref_squeeze %dma_start3A_1219 : memref<1x8x128xf32, #tpu.memory_space<vmem>> -> memref<8x128xf32, #tpu.memory_space<vmem>>
    %dma_start3A_1221 = arith.constant 24 : i32
    %dma_start3A_1222 = tpu.memref_slice %arg3[%dma_start3A_1221, %multiple_of3A_1176] : memref<32x1000001xf32, #tpu.memory_space<hbm>> -> memref<8x128xf32, #tpu.memory_space<hbm>>
    %dma_start3A_1223 = arith.constant 24 : i32
    %dma_start3A_1224 = arith.constant 0 : i32
    %dma_start3A_1225 = tpu.memref_slice %arg7[%dma_start3A_1216, %dma_start3A_1223, %dma_start3A_1224] : memref<12x32x128xf32, #tpu.memory_space<vmem>> -> memref<1x8x128xf32, #tpu.memory_space<vmem>>
    %dma_start3A_1226 = tpu.memref_squeeze %dma_start3A_1225 : memref<1x8x128xf32, #tpu.memory_space<vmem>> -> memref<8x128xf32, #tpu.memory_space<vmem>>
    %dma_start3A_1227 = arith.constant 24 : i32
    %dma_start3A_1228 = tpu.memref_slice %arg3[%dma_start3A_1227, %multiple_of3A_1176] : memref<32x1000001xf32, #tpu.memory_space<hbm>> -> memref<8x128xf32, #tpu.memory_space<hbm>>
    tpu.enqueue_dma source(%dma_start3A_1228 : memref<8x128xf32, #tpu.memory_space<hbm>>) target(%dma_start3A_1226 : memref<8x128xf32, #tpu.memory_space<vmem>>) target_semaphore(%arg9 : memref<!tpu.dma_semaphore, #tpu.memory_space<semaphore_mem>>)
    %multiple_of3A_1229 = arith.constant 0 : i32
    %multiple_of3A_1230 = tpu.assume_multiple %multiple_of3A_1229, 16 : i32
    %get3A_1231 = arith.constant 0 : i32
    %get3A_1232 = arith.index_cast %get3A_1231 : i32 to index
    %get3A_1233 = arith.index_cast %multiple_of3A_1230 : i32 to index
    %get3A_1234 = tpu.vector_load %arg6[%get3A_1232, %get3A_1233] {strides = array<i32>} : memref<1x512xi32, #tpu.memory_space<vmem>>, vector<16xi32>,
    %eq3A_1235 = arith.constant 8 : i32
    %eq3A_1236 = vector.broadcast %eq3A_1235 : i32 to vector<16xi32>
    %eq3A_1237 = arith.cmpi eq, %iota3A, %eq3A_1236 : vector<16xi32>
    %jit3A_1238 = arith.constant 0 : i32
    %broadcast_in_dim3A_1239 = vector.broadcast %jit3A_1238 : i32 to vector<16xi32>
    %select_n3A_1240 = arith.select %eq3A_1237, %get3A_1234, %broadcast_in_dim3A_1239 : vector<16xi1>, vector<16xi32>
    %reduce_sum3A_1241 = arith.constant true
    %reduce_sum3A_1242 = vector.broadcast %reduce_sum3A_1241 : i1 to vector<16xi1>
    %reduce_sum3A_1243 = tpu.scan <sum>, %select_n3A_1240 masked %reduce_sum3A_1242 : vector<16xi32>, vector<16xi1> -> vector<16xi32>
    %reduce_sum3A_1244 = vector.extract %reduce_sum3A_1243[15] : i32 from vector<16xi32>
    %jit3A_1245 = arith.constant 128 : i32
    %div3A_1246 = arith.divsi %reduce_sum3A_1244, %jit3A_1245 : i32
    %sign3A_1247 = arith.constant 0 : i32
    %sign3A_1248 = arith.cmpi sgt, %reduce_sum3A_1244, %sign3A_1247 : i32
    %sign3A_1249 = arith.extui %sign3A_1248 : i1 to i32
    %sign3A_1250 = arith.constant 0 : i32
    %sign3A_1251 = arith.cmpi slt, %reduce_sum3A_1244, %sign3A_1250 : i32
    %sign3A_1252 = arith.extui %sign3A_1251 : i1 to i32
    %sign3A_1253 = arith.subi %sign3A_1249, %sign3A_1252 : i32
    %sign3A_1254 = arith.constant 0 : i32
    %sign3A_1255 = arith.cmpi sgt, %jit3A_1245, %sign3A_1254 : i32
    %sign3A_1256 = arith.extui %sign3A_1255 : i1 to i32
    %sign3A_1257 = arith.constant 0 : i32
    %sign3A_1258 = arith.cmpi slt, %jit3A_1245, %sign3A_1257 : i32
    %sign3A_1259 = arith.extui %sign3A_1258 : i1 to i32
    %sign3A_1260 = arith.subi %sign3A_1256, %sign3A_1259 : i32
    %ne3A_1261 = arith.cmpi ne, %sign3A_1253, %sign3A_1260 : i32
    %rem3A_1262 = arith.remsi %reduce_sum3A_1244, %jit3A_1245 : i32
    %ne3A_1263 = arith.constant 0 : i32
    %ne3A_1264 = arith.cmpi ne, %rem3A_1262, %ne3A_1263 : i32
    %and3A_1265 = arith.andi %ne3A_1261, %ne3A_1264 : i1
    %sub3A_1266 = arith.constant 1 : i32
    %sub3A_1267 = arith.subi %div3A_1246, %sub3A_1266 : i32
    %select_n3A_1268 = arith.select %and3A_1265, %sub3A_1267, %div3A_1246 : i32
    %mul3A_1269 = arith.constant 128 : i32
    %mul3A_1270 = arith.muli %select_n3A_1268, %mul3A_1269 : i32
    %multiple_of3A_1271 = tpu.assume_multiple %mul3A_1270, 128 : i32
    %dma_start3A_1272 = arith.constant 8 : i32
    %dma_start3A_1273 = arith.constant 0 : i32
    %dma_start3A_1274 = arith.constant 0 : i32
    %dma_start3A_1275 = tpu.memref_slice %arg7[%dma_start3A_1272, %dma_start3A_1273, %dma_start3A_1274] : memref<12x32x128xf32, #tpu.memory_space<vmem>> -> memref<1x8x128xf32, #tpu.memory_space<vmem>>
    %dma_start3A_1276 = tpu.memref_squeeze %dma_start3A_1275 : memref<1x8x128xf32, #tpu.memory_space<vmem>> -> memref<8x128xf32, #tpu.memory_space<vmem>>
    %dma_start3A_1277 = arith.constant 0 : i32
    %dma_start3A_1278 = tpu.memref_slice %arg3[%dma_start3A_1277, %multiple_of3A_1271] : memref<32x1000001xf32, #tpu.memory_space<hbm>> -> memref<8x128xf32, #tpu.memory_space<hbm>>
    %dma_start3A_1279 = arith.constant 0 : i32
    %dma_start3A_1280 = arith.constant 0 : i32
    %dma_start3A_1281 = tpu.memref_slice %arg7[%dma_start3A_1272, %dma_start3A_1279, %dma_start3A_1280] : memref<12x32x128xf32, #tpu.memory_space<vmem>> -> memref<1x8x128xf32, #tpu.memory_space<vmem>>
    %dma_start3A_1282 = tpu.memref_squeeze %dma_start3A_1281 : memref<1x8x128xf32, #tpu.memory_space<vmem>> -> memref<8x128xf32, #tpu.memory_space<vmem>>
    %dma_start3A_1283 = arith.constant 0 : i32
    %dma_start3A_1284 = tpu.memref_slice %arg3[%dma_start3A_1283, %multiple_of3A_1271] : memref<32x1000001xf32, #tpu.memory_space<hbm>> -> memref<8x128xf32, #tpu.memory_space<hbm>>
    tpu.enqueue_dma source(%dma_start3A_1284 : memref<8x128xf32, #tpu.memory_space<hbm>>) target(%dma_start3A_1282 : memref<8x128xf32, #tpu.memory_space<vmem>>) target_semaphore(%arg9 : memref<!tpu.dma_semaphore, #tpu.memory_space<semaphore_mem>>)
    %dma_start3A_1285 = arith.constant 8 : i32
    %dma_start3A_1286 = arith.constant 8 : i32
    %dma_start3A_1287 = arith.constant 0 : i32
    %dma_start3A_1288 = tpu.memref_slice %arg7[%dma_start3A_1285, %dma_start3A_1286, %dma_start3A_1287] : memref<12x32x128xf32, #tpu.memory_space<vmem>> -> memref<1x8x128xf32, #tpu.memory_space<vmem>>
    %dma_start3A_1289 = tpu.memref_squeeze %dma_start3A_1288 : memref<1x8x128xf32, #tpu.memory_space<vmem>> -> memref<8x128xf32, #tpu.memory_space<vmem>>
    %dma_start3A_1290 = arith.constant 8 : i32
    %dma_start3A_1291 = tpu.memref_slice %arg3[%dma_start3A_1290, %multiple_of3A_1271] : memref<32x1000001xf32, #tpu.memory_space<hbm>> -> memref<8x128xf32, #tpu.memory_space<hbm>>
    %dma_start3A_1292 = arith.constant 8 : i32
    %dma_start3A_1293 = arith.constant 0 : i32
    %dma_start3A_1294 = tpu.memref_slice %arg7[%dma_start3A_1285, %dma_start3A_1292, %dma_start3A_1293] : memref<12x32x128xf32, #tpu.memory_space<vmem>> -> memref<1x8x128xf32, #tpu.memory_space<vmem>>
    %dma_start3A_1295 = tpu.memref_squeeze %dma_start3A_1294 : memref<1x8x128xf32, #tpu.memory_space<vmem>> -> memref<8x128xf32, #tpu.memory_space<vmem>>
    %dma_start3A_1296 = arith.constant 8 : i32
    %dma_start3A_1297 = tpu.memref_slice %arg3[%dma_start3A_1296, %multiple_of3A_1271] : memref<32x1000001xf32, #tpu.memory_space<hbm>> -> memref<8x128xf32, #tpu.memory_space<hbm>>
    tpu.enqueue_dma source(%dma_start3A_1297 : memref<8x128xf32, #tpu.memory_space<hbm>>) target(%dma_start3A_1295 : memref<8x128xf32, #tpu.memory_space<vmem>>) target_semaphore(%arg9 : memref<!tpu.dma_semaphore, #tpu.memory_space<semaphore_mem>>)
    %dma_start3A_1298 = arith.constant 8 : i32
    %dma_start3A_1299 = arith.constant 16 : i32
    %dma_start3A_1300 = arith.constant 0 : i32
    %dma_start3A_1301 = tpu.memref_slice %arg7[%dma_start3A_1298, %dma_start3A_1299, %dma_start3A_1300] : memref<12x32x128xf32, #tpu.memory_space<vmem>> -> memref<1x8x128xf32, #tpu.memory_space<vmem>>
    %dma_start3A_1302 = tpu.memref_squeeze %dma_start3A_1301 : memref<1x8x128xf32, #tpu.memory_space<vmem>> -> memref<8x128xf32, #tpu.memory_space<vmem>>
    %dma_start3A_1303 = arith.constant 16 : i32
    %dma_start3A_1304 = tpu.memref_slice %arg3[%dma_start3A_1303, %multiple_of3A_1271] : memref<32x1000001xf32, #tpu.memory_space<hbm>> -> memref<8x128xf32, #tpu.memory_space<hbm>>
    %dma_start3A_1305 = arith.constant 16 : i32
    %dma_start3A_1306 = arith.constant 0 : i32
    %dma_start3A_1307 = tpu.memref_slice %arg7[%dma_start3A_1298, %dma_start3A_1305, %dma_start3A_1306] : memref<12x32x128xf32, #tpu.memory_space<vmem>> -> memref<1x8x128xf32, #tpu.memory_space<vmem>>
    %dma_start3A_1308 = tpu.memref_squeeze %dma_start3A_1307 : memref<1x8x128xf32, #tpu.memory_space<vmem>> -> memref<8x128xf32, #tpu.memory_space<vmem>>
    %dma_start3A_1309 = arith.constant 16 : i32
    %dma_start3A_1310 = tpu.memref_slice %arg3[%dma_start3A_1309, %multiple_of3A_1271] : memref<32x1000001xf32, #tpu.memory_space<hbm>> -> memref<8x128xf32, #tpu.memory_space<hbm>>
    tpu.enqueue_dma source(%dma_start3A_1310 : memref<8x128xf32, #tpu.memory_space<hbm>>) target(%dma_start3A_1308 : memref<8x128xf32, #tpu.memory_space<vmem>>) target_semaphore(%arg9 : memref<!tpu.dma_semaphore, #tpu.memory_space<semaphore_mem>>)
    %dma_start3A_1311 = arith.constant 8 : i32
    %dma_start3A_1312 = arith.constant 24 : i32
    %dma_start3A_1313 = arith.constant 0 : i32
    %dma_start3A_1314 = tpu.memref_slice %arg7[%dma_start3A_1311, %dma_start3A_1312, %dma_start3A_1313] : memref<12x32x128xf32, #tpu.memory_space<vmem>> -> memref<1x8x128xf32, #tpu.memory_space<vmem>>
    %dma_start3A_1315 = tpu.memref_squeeze %dma_start3A_1314 : memref<1x8x128xf32, #tpu.memory_space<vmem>> -> memref<8x128xf32, #tpu.memory_space<vmem>>
    %dma_start3A_1316 = arith.constant 24 : i32
    %dma_start3A_1317 = tpu.memref_slice %arg3[%dma_start3A_1316, %multiple_of3A_1271] : memref<32x1000001xf32, #tpu.memory_space<hbm>> -> memref<8x128xf32, #tpu.memory_space<hbm>>
    %dma_start3A_1318 = arith.constant 24 : i32
    %dma_start3A_1319 = arith.constant 0 : i32
    %dma_start3A_1320 = tpu.memref_slice %arg7[%dma_start3A_1311, %dma_start3A_1318, %dma_start3A_1319] : memref<12x32x128xf32, #tpu.memory_space<vmem>> -> memref<1x8x128xf32, #tpu.memory_space<vmem>>
    %dma_start3A_1321 = tpu.memref_squeeze %dma_start3A_1320 : memref<1x8x128xf32, #tpu.memory_space<vmem>> -> memref<8x128xf32, #tpu.memory_space<vmem>>
    %dma_start3A_1322 = arith.constant 24 : i32
    %dma_start3A_1323 = tpu.memref_slice %arg3[%dma_start3A_1322, %multiple_of3A_1271] : memref<32x1000001xf32, #tpu.memory_space<hbm>> -> memref<8x128xf32, #tpu.memory_space<hbm>>
    tpu.enqueue_dma source(%dma_start3A_1323 : memref<8x128xf32, #tpu.memory_space<hbm>>) target(%dma_start3A_1321 : memref<8x128xf32, #tpu.memory_space<vmem>>) target_semaphore(%arg9 : memref<!tpu.dma_semaphore, #tpu.memory_space<semaphore_mem>>)
    %multiple_of3A_1324 = arith.constant 0 : i32
    %multiple_of3A_1325 = tpu.assume_multiple %multiple_of3A_1324, 16 : i32
    %get3A_1326 = arith.constant 0 : i32
    %get3A_1327 = arith.index_cast %get3A_1326 : i32 to index
    %get3A_1328 = arith.index_cast %multiple_of3A_1325 : i32 to index
    %get3A_1329 = tpu.vector_load %arg6[%get3A_1327, %get3A_1328] {strides = array<i32>} : memref<1x512xi32, #tpu.memory_space<vmem>>, vector<16xi32>,
    %eq3A_1330 = arith.constant 9 : i32
    %eq3A_1331 = vector.broadcast %eq3A_1330 : i32 to vector<16xi32>
    %eq3A_1332 = arith.cmpi eq, %iota3A, %eq3A_1331 : vector<16xi32>
    %jit3A_1333 = arith.constant 0 : i32
    %broadcast_in_dim3A_1334 = vector.broadcast %jit3A_1333 : i32 to vector<16xi32>
    %select_n3A_1335 = arith.select %eq3A_1332, %get3A_1329, %broadcast_in_dim3A_1334 : vector<16xi1>, vector<16xi32>
    %reduce_sum3A_1336 = arith.constant true
    %reduce_sum3A_1337 = vector.broadcast %reduce_sum3A_1336 : i1 to vector<16xi1>
    %reduce_sum3A_1338 = tpu.scan <sum>, %select_n3A_1335 masked %reduce_sum3A_1337 : vector<16xi32>, vector<16xi1> -> vector<16xi32>
    %reduce_sum3A_1339 = vector.extract %reduce_sum3A_1338[15] : i32 from vector<16xi32>
    %jit3A_1340 = arith.constant 128 : i32
    %div3A_1341 = arith.divsi %reduce_sum3A_1339, %jit3A_1340 : i32
    %sign3A_1342 = arith.constant 0 : i32
    %sign3A_1343 = arith.cmpi sgt, %reduce_sum3A_1339, %sign3A_1342 : i32
    %sign3A_1344 = arith.extui %sign3A_1343 : i1 to i32
    %sign3A_1345 = arith.constant 0 : i32
    %sign3A_1346 = arith.cmpi slt, %reduce_sum3A_1339, %sign3A_1345 : i32
    %sign3A_1347 = arith.extui %sign3A_1346 : i1 to i32
    %sign3A_1348 = arith.subi %sign3A_1344, %sign3A_1347 : i32
    %sign3A_1349 = arith.constant 0 : i32
    %sign3A_1350 = arith.cmpi sgt, %jit3A_1340, %sign3A_1349 : i32
    %sign3A_1351 = arith.extui %sign3A_1350 : i1 to i32
    %sign3A_1352 = arith.constant 0 : i32
    %sign3A_1353 = arith.cmpi slt, %jit3A_1340, %sign3A_1352 : i32
    %sign3A_1354 = arith.extui %sign3A_1353 : i1 to i32
    %sign3A_1355 = arith.subi %sign3A_1351, %sign3A_1354 : i32
    %ne3A_1356 = arith.cmpi ne, %sign3A_1348, %sign3A_1355 : i32
    %rem3A_1357 = arith.remsi %reduce_sum3A_1339, %jit3A_1340 : i32
    %ne3A_1358 = arith.constant 0 : i32
    %ne3A_1359 = arith.cmpi ne, %rem3A_1357, %ne3A_1358 : i32
    %and3A_1360 = arith.andi %ne3A_1356, %ne3A_1359 : i1
    %sub3A_1361 = arith.constant 1 : i32
    %sub3A_1362 = arith.subi %div3A_1341, %sub3A_1361 : i32
    %select_n3A_1363 = arith.select %and3A_1360, %sub3A_1362, %div3A_1341 : i32
    %mul3A_1364 = arith.constant 128 : i32
    %mul3A_1365 = arith.muli %select_n3A_1363, %mul3A_1364 : i32
    %multiple_of3A_1366 = tpu.assume_multiple %mul3A_1365, 128 : i32
    %dma_start3A_1367 = arith.constant 9 : i32
    %dma_start3A_1368 = arith.constant 0 : i32
    %dma_start3A_1369 = arith.constant 0 : i32
    %dma_start3A_1370 = tpu.memref_slice %arg7[%dma_start3A_1367, %dma_start3A_1368, %dma_start3A_1369] : memref<12x32x128xf32, #tpu.memory_space<vmem>> -> memref<1x8x128xf32, #tpu.memory_space<vmem>>
    %dma_start3A_1371 = tpu.memref_squeeze %dma_start3A_1370 : memref<1x8x128xf32, #tpu.memory_space<vmem>> -> memref<8x128xf32, #tpu.memory_space<vmem>>
    %dma_start3A_1372 = arith.constant 0 : i32
    %dma_start3A_1373 = tpu.memref_slice %arg3[%dma_start3A_1372, %multiple_of3A_1366] : memref<32x1000001xf32, #tpu.memory_space<hbm>> -> memref<8x128xf32, #tpu.memory_space<hbm>>
    %dma_start3A_1374 = arith.constant 0 : i32
    %dma_start3A_1375 = arith.constant 0 : i32
    %dma_start3A_1376 = tpu.memref_slice %arg7[%dma_start3A_1367, %dma_start3A_1374, %dma_start3A_1375] : memref<12x32x128xf32, #tpu.memory_space<vmem>> -> memref<1x8x128xf32, #tpu.memory_space<vmem>>
    %dma_start3A_1377 = tpu.memref_squeeze %dma_start3A_1376 : memref<1x8x128xf32, #tpu.memory_space<vmem>> -> memref<8x128xf32, #tpu.memory_space<vmem>>
    %dma_start3A_1378 = arith.constant 0 : i32
    %dma_start3A_1379 = tpu.memref_slice %arg3[%dma_start3A_1378, %multiple_of3A_1366] : memref<32x1000001xf32, #tpu.memory_space<hbm>> -> memref<8x128xf32, #tpu.memory_space<hbm>>
    tpu.enqueue_dma source(%dma_start3A_1379 : memref<8x128xf32, #tpu.memory_space<hbm>>) target(%dma_start3A_1377 : memref<8x128xf32, #tpu.memory_space<vmem>>) target_semaphore(%arg9 : memref<!tpu.dma_semaphore, #tpu.memory_space<semaphore_mem>>)
    %dma_start3A_1380 = arith.constant 9 : i32
    %dma_start3A_1381 = arith.constant 8 : i32
    %dma_start3A_1382 = arith.constant 0 : i32
    %dma_start3A_1383 = tpu.memref_slice %arg7[%dma_start3A_1380, %dma_start3A_1381, %dma_start3A_1382] : memref<12x32x128xf32, #tpu.memory_space<vmem>> -> memref<1x8x128xf32, #tpu.memory_space<vmem>>
    %dma_start3A_1384 = tpu.memref_squeeze %dma_start3A_1383 : memref<1x8x128xf32, #tpu.memory_space<vmem>> -> memref<8x128xf32, #tpu.memory_space<vmem>>
    %dma_start3A_1385 = arith.constant 8 : i32
    %dma_start3A_1386 = tpu.memref_slice %arg3[%dma_start3A_1385, %multiple_of3A_1366] : memref<32x1000001xf32, #tpu.memory_space<hbm>> -> memref<8x128xf32, #tpu.memory_space<hbm>>
    %dma_start3A_1387 = arith.constant 8 : i32
    %dma_start3A_1388 = arith.constant 0 : i32
    %dma_start3A_1389 = tpu.memref_slice %arg7[%dma_start3A_1380, %dma_start3A_1387, %dma_start3A_1388] : memref<12x32x128xf32, #tpu.memory_space<vmem>> -> memref<1x8x128xf32, #tpu.memory_space<vmem>>
    %dma_start3A_1390 = tpu.memref_squeeze %dma_start3A_1389 : memref<1x8x128xf32, #tpu.memory_space<vmem>> -> memref<8x128xf32, #tpu.memory_space<vmem>>
    %dma_start3A_1391 = arith.constant 8 : i32
    %dma_start3A_1392 = tpu.memref_slice %arg3[%dma_start3A_1391, %multiple_of3A_1366] : memref<32x1000001xf32, #tpu.memory_space<hbm>> -> memref<8x128xf32, #tpu.memory_space<hbm>>
    tpu.enqueue_dma source(%dma_start3A_1392 : memref<8x128xf32, #tpu.memory_space<hbm>>) target(%dma_start3A_1390 : memref<8x128xf32, #tpu.memory_space<vmem>>) target_semaphore(%arg9 : memref<!tpu.dma_semaphore, #tpu.memory_space<semaphore_mem>>)
    %dma_start3A_1393 = arith.constant 9 : i32
    %dma_start3A_1394 = arith.constant 16 : i32
    %dma_start3A_1395 = arith.constant 0 : i32
    %dma_start3A_1396 = tpu.memref_slice %arg7[%dma_start3A_1393, %dma_start3A_1394, %dma_start3A_1395] : memref<12x32x128xf32, #tpu.memory_space<vmem>> -> memref<1x8x128xf32, #tpu.memory_space<vmem>>
    %dma_start3A_1397 = tpu.memref_squeeze %dma_start3A_1396 : memref<1x8x128xf32, #tpu.memory_space<vmem>> -> memref<8x128xf32, #tpu.memory_space<vmem>>
    %dma_start3A_1398 = arith.constant 16 : i32
    %dma_start3A_1399 = tpu.memref_slice %arg3[%dma_start3A_1398, %multiple_of3A_1366] : memref<32x1000001xf32, #tpu.memory_space<hbm>> -> memref<8x128xf32, #tpu.memory_space<hbm>>
    %dma_start3A_1400 = arith.constant 16 : i32
    %dma_start3A_1401 = arith.constant 0 : i32
    %dma_start3A_1402 = tpu.memref_slice %arg7[%dma_start3A_1393, %dma_start3A_1400, %dma_start3A_1401] : memref<12x32x128xf32, #tpu.memory_space<vmem>> -> memref<1x8x128xf32, #tpu.memory_space<vmem>>
    %dma_start3A_1403 = tpu.memref_squeeze %dma_start3A_1402 : memref<1x8x128xf32, #tpu.memory_space<vmem>> -> memref<8x128xf32, #tpu.memory_space<vmem>>
    %dma_start3A_1404 = arith.constant 16 : i32
    %dma_start3A_1405 = tpu.memref_slice %arg3[%dma_start3A_1404, %multiple_of3A_1366] : memref<32x1000001xf32, #tpu.memory_space<hbm>> -> memref<8x128xf32, #tpu.memory_space<hbm>>
    tpu.enqueue_dma source(%dma_start3A_1405 : memref<8x128xf32, #tpu.memory_space<hbm>>) target(%dma_start3A_1403 : memref<8x128xf32, #tpu.memory_space<vmem>>) target_semaphore(%arg9 : memref<!tpu.dma_semaphore, #tpu.memory_space<semaphore_mem>>)
    %dma_start3A_1406 = arith.constant 9 : i32
    %dma_start3A_1407 = arith.constant 24 : i32
    %dma_start3A_1408 = arith.constant 0 : i32
    %dma_start3A_1409 = tpu.memref_slice %arg7[%dma_start3A_1406, %dma_start3A_1407, %dma_start3A_1408] : memref<12x32x128xf32, #tpu.memory_space<vmem>> -> memref<1x8x128xf32, #tpu.memory_space<vmem>>
    %dma_start3A_1410 = tpu.memref_squeeze %dma_start3A_1409 : memref<1x8x128xf32, #tpu.memory_space<vmem>> -> memref<8x128xf32, #tpu.memory_space<vmem>>
    %dma_start3A_1411 = arith.constant 24 : i32
    %dma_start3A_1412 = tpu.memref_slice %arg3[%dma_start3A_1411, %multiple_of3A_1366] : memref<32x1000001xf32, #tpu.memory_space<hbm>> -> memref<8x128xf32, #tpu.memory_space<hbm>>
    %dma_start3A_1413 = arith.constant 24 : i32
    %dma_start3A_1414 = arith.constant 0 : i32
    %dma_start3A_1415 = tpu.memref_slice %arg7[%dma_start3A_1406, %dma_start3A_1413, %dma_start3A_1414] : memref<12x32x128xf32, #tpu.memory_space<vmem>> -> memref<1x8x128xf32, #tpu.memory_space<vmem>>
    %dma_start3A_1416 = tpu.memref_squeeze %dma_start3A_1415 : memref<1x8x128xf32, #tpu.memory_space<vmem>> -> memref<8x128xf32, #tpu.memory_space<vmem>>
    %dma_start3A_1417 = arith.constant 24 : i32
    %dma_start3A_1418 = tpu.memref_slice %arg3[%dma_start3A_1417, %multiple_of3A_1366] : memref<32x1000001xf32, #tpu.memory_space<hbm>> -> memref<8x128xf32, #tpu.memory_space<hbm>>
    tpu.enqueue_dma source(%dma_start3A_1418 : memref<8x128xf32, #tpu.memory_space<hbm>>) target(%dma_start3A_1416 : memref<8x128xf32, #tpu.memory_space<vmem>>) target_semaphore(%arg9 : memref<!tpu.dma_semaphore, #tpu.memory_space<semaphore_mem>>)
    %multiple_of3A_1419 = arith.constant 0 : i32
    %multiple_of3A_1420 = tpu.assume_multiple %multiple_of3A_1419, 16 : i32
    %get3A_1421 = arith.constant 0 : i32
    %get3A_1422 = arith.index_cast %get3A_1421 : i32 to index
    %get3A_1423 = arith.index_cast %multiple_of3A_1420 : i32 to index
    %get3A_1424 = tpu.vector_load %arg6[%get3A_1422, %get3A_1423] {strides = array<i32>} : memref<1x512xi32, #tpu.memory_space<vmem>>, vector<16xi32>,
    %eq3A_1425 = arith.constant 10 : i32
    %eq3A_1426 = vector.broadcast %eq3A_1425 : i32 to vector<16xi32>
    %eq3A_1427 = arith.cmpi eq, %iota3A, %eq3A_1426 : vector<16xi32>
    %jit3A_1428 = arith.constant 0 : i32
    %broadcast_in_dim3A_1429 = vector.broadcast %jit3A_1428 : i32 to vector<16xi32>
    %select_n3A_1430 = arith.select %eq3A_1427, %get3A_1424, %broadcast_in_dim3A_1429 : vector<16xi1>, vector<16xi32>
    %reduce_sum3A_1431 = arith.constant true
    %reduce_sum3A_1432 = vector.broadcast %reduce_sum3A_1431 : i1 to vector<16xi1>
    %reduce_sum3A_1433 = tpu.scan <sum>, %select_n3A_1430 masked %reduce_sum3A_1432 : vector<16xi32>, vector<16xi1> -> vector<16xi32>
    %reduce_sum3A_1434 = vector.extract %reduce_sum3A_1433[15] : i32 from vector<16xi32>
    %jit3A_1435 = arith.constant 128 : i32
    %div3A_1436 = arith.divsi %reduce_sum3A_1434, %jit3A_1435 : i32
    %sign3A_1437 = arith.constant 0 : i32
    %sign3A_1438 = arith.cmpi sgt, %reduce_sum3A_1434, %sign3A_1437 : i32
    %sign3A_1439 = arith.extui %sign3A_1438 : i1 to i32
    %sign3A_1440 = arith.constant 0 : i32
    %sign3A_1441 = arith.cmpi slt, %reduce_sum3A_1434, %sign3A_1440 : i32
    %sign3A_1442 = arith.extui %sign3A_1441 : i1 to i32
    %sign3A_1443 = arith.subi %sign3A_1439, %sign3A_1442 : i32
    %sign3A_1444 = arith.constant 0 : i32
    %sign3A_1445 = arith.cmpi sgt, %jit3A_1435, %sign3A_1444 : i32
    %sign3A_1446 = arith.extui %sign3A_1445 : i1 to i32
    %sign3A_1447 = arith.constant 0 : i32
    %sign3A_1448 = arith.cmpi slt, %jit3A_1435, %sign3A_1447 : i32
    %sign3A_1449 = arith.extui %sign3A_1448 : i1 to i32
    %sign3A_1450 = arith.subi %sign3A_1446, %sign3A_1449 : i32
    %ne3A_1451 = arith.cmpi ne, %sign3A_1443, %sign3A_1450 : i32
    %rem3A_1452 = arith.remsi %reduce_sum3A_1434, %jit3A_1435 : i32
    %ne3A_1453 = arith.constant 0 : i32
    %ne3A_1454 = arith.cmpi ne, %rem3A_1452, %ne3A_1453 : i32
    %and3A_1455 = arith.andi %ne3A_1451, %ne3A_1454 : i1
    %sub3A_1456 = arith.constant 1 : i32
    %sub3A_1457 = arith.subi %div3A_1436, %sub3A_1456 : i32
    %select_n3A_1458 = arith.select %and3A_1455, %sub3A_1457, %div3A_1436 : i32
    %mul3A_1459 = arith.constant 128 : i32
    %mul3A_1460 = arith.muli %select_n3A_1458, %mul3A_1459 : i32
    %multiple_of3A_1461 = tpu.assume_multiple %mul3A_1460, 128 : i32
    %dma_start3A_1462 = arith.constant 10 : i32
    %dma_start3A_1463 = arith.constant 0 : i32
    %dma_start3A_1464 = arith.constant 0 : i32
    %dma_start3A_1465 = tpu.memref_slice %arg7[%dma_start3A_1462, %dma_start3A_1463, %dma_start3A_1464] : memref<12x32x128xf32, #tpu.memory_space<vmem>> -> memref<1x8x128xf32, #tpu.memory_space<vmem>>
    %dma_start3A_1466 = tpu.memref_squeeze %dma_start3A_1465 : memref<1x8x128xf32, #tpu.memory_space<vmem>> -> memref<8x128xf32, #tpu.memory_space<vmem>>
    %dma_start3A_1467 = arith.constant 0 : i32
    %dma_start3A_1468 = tpu.memref_slice %arg3[%dma_start3A_1467, %multiple_of3A_1461] : memref<32x1000001xf32, #tpu.memory_space<hbm>> -> memref<8x128xf32, #tpu.memory_space<hbm>>
    %dma_start3A_1469 = arith.constant 0 : i32
    %dma_start3A_1470 = arith.constant 0 : i32
    %dma_start3A_1471 = tpu.memref_slice %arg7[%dma_start3A_1462, %dma_start3A_1469, %dma_start3A_1470] : memref<12x32x128xf32, #tpu.memory_space<vmem>> -> memref<1x8x128xf32, #tpu.memory_space<vmem>>
    %dma_start3A_1472 = tpu.memref_squeeze %dma_start3A_1471 : memref<1x8x128xf32, #tpu.memory_space<vmem>> -> memref<8x128xf32, #tpu.memory_space<vmem>>
    %dma_start3A_1473 = arith.constant 0 : i32
    %dma_start3A_1474 = tpu.memref_slice %arg3[%dma_start3A_1473, %multiple_of3A_1461] : memref<32x1000001xf32, #tpu.memory_space<hbm>> -> memref<8x128xf32, #tpu.memory_space<hbm>>
    tpu.enqueue_dma source(%dma_start3A_1474 : memref<8x128xf32, #tpu.memory_space<hbm>>) target(%dma_start3A_1472 : memref<8x128xf32, #tpu.memory_space<vmem>>) target_semaphore(%arg9 : memref<!tpu.dma_semaphore, #tpu.memory_space<semaphore_mem>>)
    %dma_start3A_1475 = arith.constant 10 : i32
    %dma_start3A_1476 = arith.constant 8 : i32
    %dma_start3A_1477 = arith.constant 0 : i32
    %dma_start3A_1478 = tpu.memref_slice %arg7[%dma_start3A_1475, %dma_start3A_1476, %dma_start3A_1477] : memref<12x32x128xf32, #tpu.memory_space<vmem>> -> memref<1x8x128xf32, #tpu.memory_space<vmem>>
    %dma_start3A_1479 = tpu.memref_squeeze %dma_start3A_1478 : memref<1x8x128xf32, #tpu.memory_space<vmem>> -> memref<8x128xf32, #tpu.memory_space<vmem>>
    %dma_start3A_1480 = arith.constant 8 : i32
    %dma_start3A_1481 = tpu.memref_slice %arg3[%dma_start3A_1480, %multiple_of3A_1461] : memref<32x1000001xf32, #tpu.memory_space<hbm>> -> memref<8x128xf32, #tpu.memory_space<hbm>>
    %dma_start3A_1482 = arith.constant 8 : i32
    %dma_start3A_1483 = arith.constant 0 : i32
    %dma_start3A_1484 = tpu.memref_slice %arg7[%dma_start3A_1475, %dma_start3A_1482, %dma_start3A_1483] : memref<12x32x128xf32, #tpu.memory_space<vmem>> -> memref<1x8x128xf32, #tpu.memory_space<vmem>>
    %dma_start3A_1485 = tpu.memref_squeeze %dma_start3A_1484 : memref<1x8x128xf32, #tpu.memory_space<vmem>> -> memref<8x128xf32, #tpu.memory_space<vmem>>
    %dma_start3A_1486 = arith.constant 8 : i32
    %dma_start3A_1487 = tpu.memref_slice %arg3[%dma_start3A_1486, %multiple_of3A_1461] : memref<32x1000001xf32, #tpu.memory_space<hbm>> -> memref<8x128xf32, #tpu.memory_space<hbm>>
    tpu.enqueue_dma source(%dma_start3A_1487 : memref<8x128xf32, #tpu.memory_space<hbm>>) target(%dma_start3A_1485 : memref<8x128xf32, #tpu.memory_space<vmem>>) target_semaphore(%arg9 : memref<!tpu.dma_semaphore, #tpu.memory_space<semaphore_mem>>)
    %dma_start3A_1488 = arith.constant 10 : i32
    %dma_start3A_1489 = arith.constant 16 : i32
    %dma_start3A_1490 = arith.constant 0 : i32
    %dma_start3A_1491 = tpu.memref_slice %arg7[%dma_start3A_1488, %dma_start3A_1489, %dma_start3A_1490] : memref<12x32x128xf32, #tpu.memory_space<vmem>> -> memref<1x8x128xf32, #tpu.memory_space<vmem>>
    %dma_start3A_1492 = tpu.memref_squeeze %dma_start3A_1491 : memref<1x8x128xf32, #tpu.memory_space<vmem>> -> memref<8x128xf32, #tpu.memory_space<vmem>>
    %dma_start3A_1493 = arith.constant 16 : i32
    %dma_start3A_1494 = tpu.memref_slice %arg3[%dma_start3A_1493, %multiple_of3A_1461] : memref<32x1000001xf32, #tpu.memory_space<hbm>> -> memref<8x128xf32, #tpu.memory_space<hbm>>
    %dma_start3A_1495 = arith.constant 16 : i32
    %dma_start3A_1496 = arith.constant 0 : i32
    %dma_start3A_1497 = tpu.memref_slice %arg7[%dma_start3A_1488, %dma_start3A_1495, %dma_start3A_1496] : memref<12x32x128xf32, #tpu.memory_space<vmem>> -> memref<1x8x128xf32, #tpu.memory_space<vmem>>
    %dma_start3A_1498 = tpu.memref_squeeze %dma_start3A_1497 : memref<1x8x128xf32, #tpu.memory_space<vmem>> -> memref<8x128xf32, #tpu.memory_space<vmem>>
    %dma_start3A_1499 = arith.constant 16 : i32
    %dma_start3A_1500 = tpu.memref_slice %arg3[%dma_start3A_1499, %multiple_of3A_1461] : memref<32x1000001xf32, #tpu.memory_space<hbm>> -> memref<8x128xf32, #tpu.memory_space<hbm>>
    tpu.enqueue_dma source(%dma_start3A_1500 : memref<8x128xf32, #tpu.memory_space<hbm>>) target(%dma_start3A_1498 : memref<8x128xf32, #tpu.memory_space<vmem>>) target_semaphore(%arg9 : memref<!tpu.dma_semaphore, #tpu.memory_space<semaphore_mem>>)
    %dma_start3A_1501 = arith.constant 10 : i32
    %dma_start3A_1502 = arith.constant 24 : i32
    %dma_start3A_1503 = arith.constant 0 : i32
    %dma_start3A_1504 = tpu.memref_slice %arg7[%dma_start3A_1501, %dma_start3A_1502, %dma_start3A_1503] : memref<12x32x128xf32, #tpu.memory_space<vmem>> -> memref<1x8x128xf32, #tpu.memory_space<vmem>>
    %dma_start3A_1505 = tpu.memref_squeeze %dma_start3A_1504 : memref<1x8x128xf32, #tpu.memory_space<vmem>> -> memref<8x128xf32, #tpu.memory_space<vmem>>
    %dma_start3A_1506 = arith.constant 24 : i32
    %dma_start3A_1507 = tpu.memref_slice %arg3[%dma_start3A_1506, %multiple_of3A_1461] : memref<32x1000001xf32, #tpu.memory_space<hbm>> -> memref<8x128xf32, #tpu.memory_space<hbm>>
    %dma_start3A_1508 = arith.constant 24 : i32
    %dma_start3A_1509 = arith.constant 0 : i32
    %dma_start3A_1510 = tpu.memref_slice %arg7[%dma_start3A_1501, %dma_start3A_1508, %dma_start3A_1509] : memref<12x32x128xf32, #tpu.memory_space<vmem>> -> memref<1x8x128xf32, #tpu.memory_space<vmem>>
    %dma_start3A_1511 = tpu.memref_squeeze %dma_start3A_1510 : memref<1x8x128xf32, #tpu.memory_space<vmem>> -> memref<8x128xf32, #tpu.memory_space<vmem>>
    %dma_start3A_1512 = arith.constant 24 : i32
    %dma_start3A_1513 = tpu.memref_slice %arg3[%dma_start3A_1512, %multiple_of3A_1461] : memref<32x1000001xf32, #tpu.memory_space<hbm>> -> memref<8x128xf32, #tpu.memory_space<hbm>>
    tpu.enqueue_dma source(%dma_start3A_1513 : memref<8x128xf32, #tpu.memory_space<hbm>>) target(%dma_start3A_1511 : memref<8x128xf32, #tpu.memory_space<vmem>>) target_semaphore(%arg9 : memref<!tpu.dma_semaphore, #tpu.memory_space<semaphore_mem>>)
    %multiple_of3A_1514 = arith.constant 0 : i32
    %multiple_of3A_1515 = tpu.assume_multiple %multiple_of3A_1514, 16 : i32
    %get3A_1516 = arith.constant 0 : i32
    %get3A_1517 = arith.index_cast %get3A_1516 : i32 to index
    %get3A_1518 = arith.index_cast %multiple_of3A_1515 : i32 to index
    %get3A_1519 = tpu.vector_load %arg6[%get3A_1517, %get3A_1518] {strides = array<i32>} : memref<1x512xi32, #tpu.memory_space<vmem>>, vector<16xi32>,
    %eq3A_1520 = arith.constant 11 : i32
    %eq3A_1521 = vector.broadcast %eq3A_1520 : i32 to vector<16xi32>
    %eq3A_1522 = arith.cmpi eq, %iota3A, %eq3A_1521 : vector<16xi32>
    %jit3A_1523 = arith.constant 0 : i32
    %broadcast_in_dim3A_1524 = vector.broadcast %jit3A_1523 : i32 to vector<16xi32>
    %select_n3A_1525 = arith.select %eq3A_1522, %get3A_1519, %broadcast_in_dim3A_1524 : vector<16xi1>, vector<16xi32>
    %reduce_sum3A_1526 = arith.constant true
    %reduce_sum3A_1527 = vector.broadcast %reduce_sum3A_1526 : i1 to vector<16xi1>
    %reduce_sum3A_1528 = tpu.scan <sum>, %select_n3A_1525 masked %reduce_sum3A_1527 : vector<16xi32>, vector<16xi1> -> vector<16xi32>
    %reduce_sum3A_1529 = vector.extract %reduce_sum3A_1528[15] : i32 from vector<16xi32>
    %jit3A_1530 = arith.constant 128 : i32
    %div3A_1531 = arith.divsi %reduce_sum3A_1529, %jit3A_1530 : i32
    %sign3A_1532 = arith.constant 0 : i32
    %sign3A_1533 = arith.cmpi sgt, %reduce_sum3A_1529, %sign3A_1532 : i32
    %sign3A_1534 = arith.extui %sign3A_1533 : i1 to i32
    %sign3A_1535 = arith.constant 0 : i32
    %sign3A_1536 = arith.cmpi slt, %reduce_sum3A_1529, %sign3A_1535 : i32
    %sign3A_1537 = arith.extui %sign3A_1536 : i1 to i32
    %sign3A_1538 = arith.subi %sign3A_1534, %sign3A_1537 : i32
    %sign3A_1539 = arith.constant 0 : i32
    %sign3A_1540 = arith.cmpi sgt, %jit3A_1530, %sign3A_1539 : i32
    %sign3A_1541 = arith.extui %sign3A_1540 : i1 to i32
    %sign3A_1542 = arith.constant 0 : i32
    %sign3A_1543 = arith.cmpi slt, %jit3A_1530, %sign3A_1542 : i32
    %sign3A_1544 = arith.extui %sign3A_1543 : i1 to i32
    %sign3A_1545 = arith.subi %sign3A_1541, %sign3A_1544 : i32
    %ne3A_1546 = arith.cmpi ne, %sign3A_1538, %sign3A_1545 : i32
    %rem3A_1547 = arith.remsi %reduce_sum3A_1529, %jit3A_1530 : i32
    %ne3A_1548 = arith.constant 0 : i32
    %ne3A_1549 = arith.cmpi ne, %rem3A_1547, %ne3A_1548 : i32
    %and3A_1550 = arith.andi %ne3A_1546, %ne3A_1549 : i1
    %sub3A_1551 = arith.constant 1 : i32
    %sub3A_1552 = arith.subi %div3A_1531, %sub3A_1551 : i32
    %select_n3A_1553 = arith.select %and3A_1550, %sub3A_1552, %div3A_1531 : i32
    %mul3A_1554 = arith.constant 128 : i32
    %mul3A_1555 = arith.muli %select_n3A_1553, %mul3A_1554 : i32
    %multiple_of3A_1556 = tpu.assume_multiple %mul3A_1555, 128 : i32
    %dma_start3A_1557 = arith.constant 11 : i32
    %dma_start3A_1558 = arith.constant 0 : i32
    %dma_start3A_1559 = arith.constant 0 : i32
    %dma_start3A_1560 = tpu.memref_slice %arg7[%dma_start3A_1557, %dma_start3A_1558, %dma_start3A_1559] : memref<12x32x128xf32, #tpu.memory_space<vmem>> -> memref<1x8x128xf32, #tpu.memory_space<vmem>>
    %dma_start3A_1561 = tpu.memref_squeeze %dma_start3A_1560 : memref<1x8x128xf32, #tpu.memory_space<vmem>> -> memref<8x128xf32, #tpu.memory_space<vmem>>
    %dma_start3A_1562 = arith.constant 0 : i32
    %dma_start3A_1563 = tpu.memref_slice %arg3[%dma_start3A_1562, %multiple_of3A_1556] : memref<32x1000001xf32, #tpu.memory_space<hbm>> -> memref<8x128xf32, #tpu.memory_space<hbm>>
    %dma_start3A_1564 = arith.constant 0 : i32
    %dma_start3A_1565 = arith.constant 0 : i32
    %dma_start3A_1566 = tpu.memref_slice %arg7[%dma_start3A_1557, %dma_start3A_1564, %dma_start3A_1565] : memref<12x32x128xf32, #tpu.memory_space<vmem>> -> memref<1x8x128xf32, #tpu.memory_space<vmem>>
    %dma_start3A_1567 = tpu.memref_squeeze %dma_start3A_1566 : memref<1x8x128xf32, #tpu.memory_space<vmem>> -> memref<8x128xf32, #tpu.memory_space<vmem>>
    %dma_start3A_1568 = arith.constant 0 : i32
    %dma_start3A_1569 = tpu.memref_slice %arg3[%dma_start3A_1568, %multiple_of3A_1556] : memref<32x1000001xf32, #tpu.memory_space<hbm>> -> memref<8x128xf32, #tpu.memory_space<hbm>>
    tpu.enqueue_dma source(%dma_start3A_1569 : memref<8x128xf32, #tpu.memory_space<hbm>>) target(%dma_start3A_1567 : memref<8x128xf32, #tpu.memory_space<vmem>>) target_semaphore(%arg9 : memref<!tpu.dma_semaphore, #tpu.memory_space<semaphore_mem>>)
    %dma_start3A_1570 = arith.constant 11 : i32
    %dma_start3A_1571 = arith.constant 8 : i32
    %dma_start3A_1572 = arith.constant 0 : i32
    %dma_start3A_1573 = tpu.memref_slice %arg7[%dma_start3A_1570, %dma_start3A_1571, %dma_start3A_1572] : memref<12x32x128xf32, #tpu.memory_space<vmem>> -> memref<1x8x128xf32, #tpu.memory_space<vmem>>
    %dma_start3A_1574 = tpu.memref_squeeze %dma_start3A_1573 : memref<1x8x128xf32, #tpu.memory_space<vmem>> -> memref<8x128xf32, #tpu.memory_space<vmem>>
    %dma_start3A_1575 = arith.constant 8 : i32
    %dma_start3A_1576 = tpu.memref_slice %arg3[%dma_start3A_1575, %multiple_of3A_1556] : memref<32x1000001xf32, #tpu.memory_space<hbm>> -> memref<8x128xf32, #tpu.memory_space<hbm>>
    %dma_start3A_1577 = arith.constant 8 : i32
    %dma_start3A_1578 = arith.constant 0 : i32
    %dma_start3A_1579 = tpu.memref_slice %arg7[%dma_start3A_1570, %dma_start3A_1577, %dma_start3A_1578] : memref<12x32x128xf32, #tpu.memory_space<vmem>> -> memref<1x8x128xf32, #tpu.memory_space<vmem>>
    %dma_start3A_1580 = tpu.memref_squeeze %dma_start3A_1579 : memref<1x8x128xf32, #tpu.memory_space<vmem>> -> memref<8x128xf32, #tpu.memory_space<vmem>>
    %dma_start3A_1581 = arith.constant 8 : i32
    %dma_start3A_1582 = tpu.memref_slice %arg3[%dma_start3A_1581, %multiple_of3A_1556] : memref<32x1000001xf32, #tpu.memory_space<hbm>> -> memref<8x128xf32, #tpu.memory_space<hbm>>
    tpu.enqueue_dma source(%dma_start3A_1582 : memref<8x128xf32, #tpu.memory_space<hbm>>) target(%dma_start3A_1580 : memref<8x128xf32, #tpu.memory_space<vmem>>) target_semaphore(%arg9 : memref<!tpu.dma_semaphore, #tpu.memory_space<semaphore_mem>>)
    %dma_start3A_1583 = arith.constant 11 : i32
    %dma_start3A_1584 = arith.constant 16 : i32
    %dma_start3A_1585 = arith.constant 0 : i32
    %dma_start3A_1586 = tpu.memref_slice %arg7[%dma_start3A_1583, %dma_start3A_1584, %dma_start3A_1585] : memref<12x32x128xf32, #tpu.memory_space<vmem>> -> memref<1x8x128xf32, #tpu.memory_space<vmem>>
    %dma_start3A_1587 = tpu.memref_squeeze %dma_start3A_1586 : memref<1x8x128xf32, #tpu.memory_space<vmem>> -> memref<8x128xf32, #tpu.memory_space<vmem>>
    %dma_start3A_1588 = arith.constant 16 : i32
    %dma_start3A_1589 = tpu.memref_slice %arg3[%dma_start3A_1588, %multiple_of3A_1556] : memref<32x1000001xf32, #tpu.memory_space<hbm>> -> memref<8x128xf32, #tpu.memory_space<hbm>>
    %dma_start3A_1590 = arith.constant 16 : i32
    %dma_start3A_1591 = arith.constant 0 : i32
    %dma_start3A_1592 = tpu.memref_slice %arg7[%dma_start3A_1583, %dma_start3A_1590, %dma_start3A_1591] : memref<12x32x128xf32, #tpu.memory_space<vmem>> -> memref<1x8x128xf32, #tpu.memory_space<vmem>>
    %dma_start3A_1593 = tpu.memref_squeeze %dma_start3A_1592 : memref<1x8x128xf32, #tpu.memory_space<vmem>> -> memref<8x128xf32, #tpu.memory_space<vmem>>
    %dma_start3A_1594 = arith.constant 16 : i32
    %dma_start3A_1595 = tpu.memref_slice %arg3[%dma_start3A_1594, %multiple_of3A_1556] : memref<32x1000001xf32, #tpu.memory_space<hbm>> -> memref<8x128xf32, #tpu.memory_space<hbm>>
    tpu.enqueue_dma source(%dma_start3A_1595 : memref<8x128xf32, #tpu.memory_space<hbm>>) target(%dma_start3A_1593 : memref<8x128xf32, #tpu.memory_space<vmem>>) target_semaphore(%arg9 : memref<!tpu.dma_semaphore, #tpu.memory_space<semaphore_mem>>)
    %dma_start3A_1596 = arith.constant 11 : i32
    %dma_start3A_1597 = arith.constant 24 : i32
    %dma_start3A_1598 = arith.constant 0 : i32
    %dma_start3A_1599 = tpu.memref_slice %arg7[%dma_start3A_1596, %dma_start3A_1597, %dma_start3A_1598] : memref<12x32x128xf32, #tpu.memory_space<vmem>> -> memref<1x8x128xf32, #tpu.memory_space<vmem>>
    %dma_start3A_1600 = tpu.memref_squeeze %dma_start3A_1599 : memref<1x8x128xf32, #tpu.memory_space<vmem>> -> memref<8x128xf32, #tpu.memory_space<vmem>>
    %dma_start3A_1601 = arith.constant 24 : i32
    %dma_start3A_1602 = tpu.memref_slice %arg3[%dma_start3A_1601, %multiple_of3A_1556] : memref<32x1000001xf32, #tpu.memory_space<hbm>> -> memref<8x128xf32, #tpu.memory_space<hbm>>
    %dma_start3A_1603 = arith.constant 24 : i32
    %dma_start3A_1604 = arith.constant 0 : i32
    %dma_start3A_1605 = tpu.memref_slice %arg7[%dma_start3A_1596, %dma_start3A_1603, %dma_start3A_1604] : memref<12x32x128xf32, #tpu.memory_space<vmem>> -> memref<1x8x128xf32, #tpu.memory_space<vmem>>
    %dma_start3A_1606 = tpu.memref_squeeze %dma_start3A_1605 : memref<1x8x128xf32, #tpu.memory_space<vmem>> -> memref<8x128xf32, #tpu.memory_space<vmem>>
    %dma_start3A_1607 = arith.constant 24 : i32
    %dma_start3A_1608 = tpu.memref_slice %arg3[%dma_start3A_1607, %multiple_of3A_1556] : memref<32x1000001xf32, #tpu.memory_space<hbm>> -> memref<8x128xf32, #tpu.memory_space<hbm>>
    tpu.enqueue_dma source(%dma_start3A_1608 : memref<8x128xf32, #tpu.memory_space<hbm>>) target(%dma_start3A_1606 : memref<8x128xf32, #tpu.memory_space<vmem>>) target_semaphore(%arg9 : memref<!tpu.dma_semaphore, #tpu.memory_space<semaphore_mem>>)
    %scan3A = arith.constant 0 : i32
    %scan3A_1609 = arith.constant 0 : i32
    %scan3A_1610 = arith.constant 512 : i32
    %scan3A_1611 = arith.addi %scan3A_1609, %scan3A_1610 : i32
    %scan3A_1612 = arith.constant 1 : i32
    scf.for %scan3A_1614 = %scan3A_1609 to %scan3A_1611 step %scan3A_1612  : i32 {
      %rem3A_1615 = arith.constant 12 : i32
      %rem3A_1616 = arith.remsi %scan3A_1614, %rem3A_1615 : i32
      %dma_wait3A = arith.constant 0 : i32
      %dma_wait3A_1617 = arith.constant 0 : i32
      %dma_wait3A_1618 = tpu.memref_slice %arg7[%rem3A_1616, %dma_wait3A, %dma_wait3A_1617] : memref<12x32x128xf32, #tpu.memory_space<vmem>> -> memref<1x32x128xf32, #tpu.memory_space<vmem>>
      %dma_wait3A_1619 = tpu.memref_squeeze %dma_wait3A_1618 : memref<1x32x128xf32, #tpu.memory_space<vmem>> -> memref<32x128xf32, #tpu.memory_space<vmem>>
      %dma_wait3A_1620 = arith.constant 0 : i32
      %dma_wait3A_1621 = arith.constant 0 : i32
      %dma_wait3A_1622 = tpu.memref_slice %arg3[%dma_wait3A_1620, %dma_wait3A_1621] : memref<32x1000001xf32, #tpu.memory_space<hbm>> -> memref<32x128xf32, #tpu.memory_space<hbm>>
      %dma_wait3A_1623 = arith.constant 0 : i32
      %dma_wait3A_1624 = arith.constant 0 : i32
      %dma_wait3A_1625 = tpu.memref_slice %arg7[%rem3A_1616, %dma_wait3A_1623, %dma_wait3A_1624] : memref<12x32x128xf32, #tpu.memory_space<vmem>> -> memref<1x32x128xf32, #tpu.memory_space<vmem>>
      %dma_wait3A_1626 = tpu.memref_squeeze %dma_wait3A_1625 : memref<1x32x128xf32, #tpu.memory_space<vmem>> -> memref<32x128xf32, #tpu.memory_space<vmem>>
      %dma_wait3A_1627 = arith.constant 0 : i32
      %dma_wait3A_1628 = arith.constant 0 : i32
      %dma_wait3A_1629 = tpu.memref_slice %arg3[%dma_wait3A_1627, %dma_wait3A_1628] : memref<32x1000001xf32, #tpu.memory_space<hbm>> -> memref<32x128xf32, #tpu.memory_space<hbm>>
      tpu.wait_dma2 semaphore(%arg9 : memref<!tpu.dma_semaphore, #tpu.memory_space<semaphore_mem>>) src(%dma_wait3A_1629 : memref<32x128xf32, #tpu.memory_space<hbm>>) dst(%dma_wait3A_1626 : memref<32x128xf32, #tpu.memory_space<vmem>>)
      %jit3A_1630 = arith.constant 16 : i32
      %div3A_1631 = arith.divsi %scan3A_1614, %jit3A_1630 : i32
      %sign3A_1632 = arith.constant 0 : i32
      %sign3A_1633 = arith.cmpi sgt, %scan3A_1614, %sign3A_1632 : i32
      %sign3A_1634 = arith.extui %sign3A_1633 : i1 to i32
      %sign3A_1635 = arith.constant 0 : i32
      %sign3A_1636 = arith.cmpi slt, %scan3A_1614, %sign3A_1635 : i32
      %sign3A_1637 = arith.extui %sign3A_1636 : i1 to i32
      %sign3A_1638 = arith.subi %sign3A_1634, %sign3A_1637 : i32
      %sign3A_1639 = arith.constant 0 : i32
      %sign3A_1640 = arith.cmpi sgt, %jit3A_1630, %sign3A_1639 : i32
      %sign3A_1641 = arith.extui %sign3A_1640 : i1 to i32
      %sign3A_1642 = arith.constant 0 : i32
      %sign3A_1643 = arith.cmpi slt, %jit3A_1630, %sign3A_1642 : i32
      %sign3A_1644 = arith.extui %sign3A_1643 : i1 to i32
      %sign3A_1645 = arith.subi %sign3A_1641, %sign3A_1644 : i32
      %ne3A_1646 = arith.cmpi ne, %sign3A_1638, %sign3A_1645 : i32
      %rem3A_1647 = arith.remsi %scan3A_1614, %jit3A_1630 : i32
      %ne3A_1648 = arith.constant 0 : i32
      %ne3A_1649 = arith.cmpi ne, %rem3A_1647, %ne3A_1648 : i32
      %and3A_1650 = arith.andi %ne3A_1646, %ne3A_1649 : i1
      %sub3A_1651 = arith.constant 1 : i32
      %sub3A_1652 = arith.subi %div3A_1631, %sub3A_1651 : i32
      %select_n3A_1653 = arith.select %and3A_1650, %sub3A_1652, %div3A_1631 : i32
      %mul3A_1654 = arith.constant 16 : i32
      %mul3A_1655 = arith.muli %select_n3A_1653, %mul3A_1654 : i32
      %multiple_of3A_1656 = tpu.assume_multiple %mul3A_1655, 16 : i32
      %get3A_1657 = arith.constant 0 : i32
      %get3A_1658 = arith.index_cast %get3A_1657 : i32 to index
      %get3A_1659 = arith.index_cast %multiple_of3A_1656 : i32 to index
      %get3A_1660 = tpu.vector_load %arg6[%get3A_1658, %get3A_1659] {strides = array<i32>} : memref<1x512xi32, #tpu.memory_space<vmem>>, vector<16xi32>,
      %jit3A_1661 = arith.constant 16 : i32
      %eq3A_1662 = arith.constant 0 : i32
      %eq3A_1663 = arith.cmpi eq, %jit3A_1661, %eq3A_1662 : i32
      %jit3A_1664 = arith.constant 1 : i32
      %select_n3A_1665 = arith.select %eq3A_1663, %jit3A_1664, %jit3A_1661 : i32
      %rem3A_1666 = arith.remsi %scan3A_1614, %select_n3A_1665 : i32
      %ne3A_1667 = arith.constant 0 : i32
      %ne3A_1668 = arith.cmpi ne, %rem3A_1666, %ne3A_1667 : i32
      %lt3A = arith.constant 0 : i32
      %lt3A_1669 = arith.cmpi slt, %rem3A_1666, %lt3A : i32
      %lt3A_1670 = arith.constant 0 : i32
      %lt3A_1671 = arith.cmpi slt, %select_n3A_1665, %lt3A_1670 : i32
      %ne3A_1672 = arith.xori %lt3A_1669, %lt3A_1671 : i1
      %and3A_1673 = arith.andi %ne3A_1672, %ne3A_1668 : i1
      %add3A_1674 = arith.addi %rem3A_1666, %select_n3A_1665 : i32
      %select_n3A_1675 = arith.select %and3A_1673, %add3A_1674, %rem3A_1666 : i32
      %eq3A_1676 = vector.broadcast %select_n3A_1675 : i32 to vector<16xi32>
      %eq3A_1677 = arith.cmpi eq, %iota3A, %eq3A_1676 : vector<16xi32>
      %jit3A_1678 = arith.constant 0 : i32
      %broadcast_in_dim3A_1679 = vector.broadcast %jit3A_1678 : i32 to vector<16xi32>
      %select_n3A_1680 = arith.select %eq3A_1677, %get3A_1660, %broadcast_in_dim3A_1679 : vector<16xi1>, vector<16xi32>
      %reduce_sum3A_1681 = arith.constant true
      %reduce_sum3A_1682 = vector.broadcast %reduce_sum3A_1681 : i1 to vector<16xi1>
      %reduce_sum3A_1683 = tpu.scan <sum>, %select_n3A_1680 masked %reduce_sum3A_1682 : vector<16xi32>, vector<16xi1> -> vector<16xi32>
      %reduce_sum3A_1684 = vector.extract %reduce_sum3A_1683[15] : i32 from vector<16xi32>
      %rem3A_1685 = arith.constant 128 : i32
      %rem3A_1686 = arith.remsi %reduce_sum3A_1684, %rem3A_1685 : i32
      %broadcast_in_dim3A_1687 = vector.broadcast %rem3A_1686 : i32 to vector<16xi32>
      %gather3A = arith.constant 0 : i32
      %gather3A_1688 = arith.constant 0 : i32
      %gather3A_1689 = tpu.memref_slice %arg7[%rem3A_1616, %gather3A, %gather3A_1688] : memref<12x32x128xf32, #tpu.memory_space<vmem>> -> memref<1x32x128xf32, #tpu.memory_space<vmem>>
      %gather3A_1690 = tpu.memref_squeeze %gather3A_1689 : memref<1x32x128xf32, #tpu.memory_space<vmem>> -> memref<32x128xf32, #tpu.memory_space<vmem>>
      %gather3A_1691 = tpu.vector_load_idx %gather3A_1690[%iota3A, %broadcast_in_dim3A_1687] : memref<32x128xf32, #tpu.memory_space<vmem>>[vector<16xi32>, vector<16xi32>], vector<16xf32>,
      %gather3A_1692 = arith.constant 0 : i32
      %gather3A_1693 = arith.constant 0 : i32
      %gather3A_1694 = tpu.memref_slice %arg7[%rem3A_1616, %gather3A_1692, %gather3A_1693] : memref<12x32x128xf32, #tpu.memory_space<vmem>> -> memref<1x32x128xf32, #tpu.memory_space<vmem>>
      %gather3A_1695 = tpu.memref_squeeze %gather3A_1694 : memref<1x32x128xf32, #tpu.memory_space<vmem>> -> memref<32x128xf32, #tpu.memory_space<vmem>>
      %gather3A_1696 = tpu.vector_load_idx %gather3A_1695[%add3A_479, %broadcast_in_dim3A_1687] : memref<32x128xf32, #tpu.memory_space<vmem>>[vector<16xi32>, vector<16xi32>], vector<16xf32>,
      %swap3A_1697 = arith.index_cast %scan3A_1614 : i32 to index
      %swap3A_1698 = arith.constant 0 : index
      %swap3A_1699 = tpu.vector_load %arg8[%swap3A_1697, %swap3A_1698] {strides = array<i32>} : memref<512x32xf32, #tpu.memory_space<vmem>>, vector<16xf32>,
      tpu.vector_store %arg8[%swap3A_1697, %swap3A_1698], %gather3A_1691 {strides = array<i32>} : memref<512x32xf32, #tpu.memory_space<vmem>>, vector<16xf32>,
      %swap3A_1700 = arith.index_cast %scan3A_1614 : i32 to index
      %swap3A_1701 = arith.constant 16 : index
      %swap3A_1702 = tpu.vector_load %arg8[%swap3A_1700, %swap3A_1701] {strides = array<i32>} : memref<512x32xf32, #tpu.memory_space<vmem>>, vector<16xf32>,
      tpu.vector_store %arg8[%swap3A_1700, %swap3A_1701], %gather3A_1696 {strides = array<i32>} : memref<512x32xf32, #tpu.memory_space<vmem>>, vector<16xf32>,
      %lt3A_1703 = arith.constant 500 : i32
      %lt3A_1704 = arith.cmpi slt, %scan3A_1614, %lt3A_1703 : i32
      %convert_element_type3A_1705 = arith.extui %lt3A_1704 : i1 to i32
      %cond3A = arith.constant 0 : i32
      %cond3A_1706 = arith.cmpi ne, %convert_element_type3A_1705, %cond3A : i32
      scf.if %cond3A_1706 {
        %add3A_1707 = arith.constant 12 : i32
        %add3A_1708 = arith.addi %scan3A_1614, %add3A_1707 : i32
        %jit3A_1709 = arith.constant 16 : i32
        %div3A_1710 = arith.divsi %add3A_1708, %jit3A_1709 : i32
        %sign3A_1711 = arith.constant 0 : i32
        %sign3A_1712 = arith.cmpi sgt, %add3A_1708, %sign3A_1711 : i32
        %sign3A_1713 = arith.extui %sign3A_1712 : i1 to i32
        %sign3A_1714 = arith.constant 0 : i32
        %sign3A_1715 = arith.cmpi slt, %add3A_1708, %sign3A_1714 : i32
        %sign3A_1716 = arith.extui %sign3A_1715 : i1 to i32
        %sign3A_1717 = arith.subi %sign3A_1713, %sign3A_1716 : i32
        %sign3A_1718 = arith.constant 0 : i32
        %sign3A_1719 = arith.cmpi sgt, %jit3A_1709, %sign3A_1718 : i32
        %sign3A_1720 = arith.extui %sign3A_1719 : i1 to i32
        %sign3A_1721 = arith.constant 0 : i32
        %sign3A_1722 = arith.cmpi slt, %jit3A_1709, %sign3A_1721 : i32
        %sign3A_1723 = arith.extui %sign3A_1722 : i1 to i32
        %sign3A_1724 = arith.subi %sign3A_1720, %sign3A_1723 : i32
        %ne3A_1725 = arith.cmpi ne, %sign3A_1717, %sign3A_1724 : i32
        %rem3A_1726 = arith.remsi %add3A_1708, %jit3A_1709 : i32
        %ne3A_1727 = arith.constant 0 : i32
        %ne3A_1728 = arith.cmpi ne, %rem3A_1726, %ne3A_1727 : i32
        %and3A_1729 = arith.andi %ne3A_1725, %ne3A_1728 : i1
        %sub3A_1730 = arith.constant 1 : i32
        %sub3A_1731 = arith.subi %div3A_1710, %sub3A_1730 : i32
        %select_n3A_1732 = arith.select %and3A_1729, %sub3A_1731, %div3A_1710 : i32
        %mul3A_1733 = arith.constant 16 : i32
        %mul3A_1734 = arith.muli %select_n3A_1732, %mul3A_1733 : i32
        %multiple_of3A_1735 = tpu.assume_multiple %mul3A_1734, 16 : i32
        %get3A_1736 = arith.constant 0 : i32
        %get3A_1737 = arith.index_cast %get3A_1736 : i32 to index
        %get3A_1738 = arith.index_cast %multiple_of3A_1735 : i32 to index
        %get3A_1739 = tpu.vector_load %arg6[%get3A_1737, %get3A_1738] {strides = array<i32>} : memref<1x512xi32, #tpu.memory_space<vmem>>, vector<16xi32>,
        %jit3A_1740 = arith.constant 16 : i32
        %eq3A_1741 = arith.constant 0 : i32
        %eq3A_1742 = arith.cmpi eq, %jit3A_1740, %eq3A_1741 : i32
        %jit3A_1743 = arith.constant 1 : i32
        %select_n3A_1744 = arith.select %eq3A_1742, %jit3A_1743, %jit3A_1740 : i32
        %rem3A_1745 = arith.remsi %add3A_1708, %select_n3A_1744 : i32
        %ne3A_1746 = arith.constant 0 : i32
        %ne3A_1747 = arith.cmpi ne, %rem3A_1745, %ne3A_1746 : i32
        %lt3A_1748 = arith.constant 0 : i32
        %lt3A_1749 = arith.cmpi slt, %rem3A_1745, %lt3A_1748 : i32
        %lt3A_1750 = arith.constant 0 : i32
        %lt3A_1751 = arith.cmpi slt, %select_n3A_1744, %lt3A_1750 : i32
        %ne3A_1752 = arith.xori %lt3A_1749, %lt3A_1751 : i1
        %and3A_1753 = arith.andi %ne3A_1752, %ne3A_1747 : i1
        %add3A_1754 = arith.addi %rem3A_1745, %select_n3A_1744 : i32
        %select_n3A_1755 = arith.select %and3A_1753, %add3A_1754, %rem3A_1745 : i32
        %eq3A_1756 = vector.broadcast %select_n3A_1755 : i32 to vector<16xi32>
        %eq3A_1757 = arith.cmpi eq, %iota3A, %eq3A_1756 : vector<16xi32>
        %jit3A_1758 = arith.constant 0 : i32
        %broadcast_in_dim3A_1759 = vector.broadcast %jit3A_1758 : i32 to vector<16xi32>
        %select_n3A_1760 = arith.select %eq3A_1757, %get3A_1739, %broadcast_in_dim3A_1759 : vector<16xi1>, vector<16xi32>
        %reduce_sum3A_1761 = arith.constant true
        %reduce_sum3A_1762 = vector.broadcast %reduce_sum3A_1761 : i1 to vector<16xi1>
        %reduce_sum3A_1763 = tpu.scan <sum>, %select_n3A_1760 masked %reduce_sum3A_1762 : vector<16xi32>, vector<16xi1> -> vector<16xi32>
        %reduce_sum3A_1764 = vector.extract %reduce_sum3A_1763[15] : i32 from vector<16xi32>
        %jit3A_1765 = arith.constant 128 : i32
        %div3A_1766 = arith.divsi %reduce_sum3A_1764, %jit3A_1765 : i32
        %sign3A_1767 = arith.constant 0 : i32
        %sign3A_1768 = arith.cmpi sgt, %reduce_sum3A_1764, %sign3A_1767 : i32
        %sign3A_1769 = arith.extui %sign3A_1768 : i1 to i32
        %sign3A_1770 = arith.constant 0 : i32
        %sign3A_1771 = arith.cmpi slt, %reduce_sum3A_1764, %sign3A_1770 : i32
        %sign3A_1772 = arith.extui %sign3A_1771 : i1 to i32
        %sign3A_1773 = arith.subi %sign3A_1769, %sign3A_1772 : i32
        %sign3A_1774 = arith.constant 0 : i32
        %sign3A_1775 = arith.cmpi sgt, %jit3A_1765, %sign3A_1774 : i32
        %sign3A_1776 = arith.extui %sign3A_1775 : i1 to i32
        %sign3A_1777 = arith.constant 0 : i32
        %sign3A_1778 = arith.cmpi slt, %jit3A_1765, %sign3A_1777 : i32
        %sign3A_1779 = arith.extui %sign3A_1778 : i1 to i32
        %sign3A_1780 = arith.subi %sign3A_1776, %sign3A_1779 : i32
        %ne3A_1781 = arith.cmpi ne, %sign3A_1773, %sign3A_1780 : i32
        %rem3A_1782 = arith.remsi %reduce_sum3A_1764, %jit3A_1765 : i32
        %ne3A_1783 = arith.constant 0 : i32
        %ne3A_1784 = arith.cmpi ne, %rem3A_1782, %ne3A_1783 : i32
        %and3A_1785 = arith.andi %ne3A_1781, %ne3A_1784 : i1
        %sub3A_1786 = arith.constant 1 : i32
        %sub3A_1787 = arith.subi %div3A_1766, %sub3A_1786 : i32
        %select_n3A_1788 = arith.select %and3A_1785, %sub3A_1787, %div3A_1766 : i32
        %mul3A_1789 = arith.constant 128 : i32
        %mul3A_1790 = arith.muli %select_n3A_1788, %mul3A_1789 : i32
        %multiple_of3A_1791 = tpu.assume_multiple %mul3A_1790, 128 : i32
        %dma_start3A_1792 = arith.constant 0 : i32
        %dma_start3A_1793 = arith.constant 0 : i32
        %dma_start3A_1794 = tpu.memref_slice %arg7[%rem3A_1616, %dma_start3A_1792, %dma_start3A_1793] : memref<12x32x128xf32, #tpu.memory_space<vmem>> -> memref<1x8x128xf32, #tpu.memory_space<vmem>>
        %dma_start3A_1795 = tpu.memref_squeeze %dma_start3A_1794 : memref<1x8x128xf32, #tpu.memory_space<vmem>> -> memref<8x128xf32, #tpu.memory_space<vmem>>
        %dma_start3A_1796 = arith.constant 0 : i32
        %dma_start3A_1797 = tpu.memref_slice %arg3[%dma_start3A_1796, %multiple_of3A_1791] : memref<32x1000001xf32, #tpu.memory_space<hbm>> -> memref<8x128xf32, #tpu.memory_space<hbm>>
        %dma_start3A_1798 = arith.constant 0 : i32
        %dma_start3A_1799 = arith.constant 0 : i32
        %dma_start3A_1800 = tpu.memref_slice %arg7[%rem3A_1616, %dma_start3A_1798, %dma_start3A_1799] : memref<12x32x128xf32, #tpu.memory_space<vmem>> -> memref<1x8x128xf32, #tpu.memory_space<vmem>>
        %dma_start3A_1801 = tpu.memref_squeeze %dma_start3A_1800 : memref<1x8x128xf32, #tpu.memory_space<vmem>> -> memref<8x128xf32, #tpu.memory_space<vmem>>
        %dma_start3A_1802 = arith.constant 0 : i32
        %dma_start3A_1803 = tpu.memref_slice %arg3[%dma_start3A_1802, %multiple_of3A_1791] : memref<32x1000001xf32, #tpu.memory_space<hbm>> -> memref<8x128xf32, #tpu.memory_space<hbm>>
        tpu.enqueue_dma source(%dma_start3A_1803 : memref<8x128xf32, #tpu.memory_space<hbm>>) target(%dma_start3A_1801 : memref<8x128xf32, #tpu.memory_space<vmem>>) target_semaphore(%arg9 : memref<!tpu.dma_semaphore, #tpu.memory_space<semaphore_mem>>)
        %dma_start3A_1804 = arith.constant 8 : i32
        %dma_start3A_1805 = arith.constant 0 : i32
        %dma_start3A_1806 = tpu.memref_slice %arg7[%rem3A_1616, %dma_start3A_1804, %dma_start3A_1805] : memref<12x32x128xf32, #tpu.memory_space<vmem>> -> memref<1x8x128xf32, #tpu.memory_space<vmem>>
        %dma_start3A_1807 = tpu.memref_squeeze %dma_start3A_1806 : memref<1x8x128xf32, #tpu.memory_space<vmem>> -> memref<8x128xf32, #tpu.memory_space<vmem>>
        %dma_start3A_1808 = arith.constant 8 : i32
        %dma_start3A_1809 = tpu.memref_slice %arg3[%dma_start3A_1808, %multiple_of3A_1791] : memref<32x1000001xf32, #tpu.memory_space<hbm>> -> memref<8x128xf32, #tpu.memory_space<hbm>>
        %dma_start3A_1810 = arith.constant 8 : i32
        %dma_start3A_1811 = arith.constant 0 : i32
        %dma_start3A_1812 = tpu.memref_slice %arg7[%rem3A_1616, %dma_start3A_1810, %dma_start3A_1811] : memref<12x32x128xf32, #tpu.memory_space<vmem>> -> memref<1x8x128xf32, #tpu.memory_space<vmem>>
        %dma_start3A_1813 = tpu.memref_squeeze %dma_start3A_1812 : memref<1x8x128xf32, #tpu.memory_space<vmem>> -> memref<8x128xf32, #tpu.memory_space<vmem>>
        %dma_start3A_1814 = arith.constant 8 : i32
        %dma_start3A_1815 = tpu.memref_slice %arg3[%dma_start3A_1814, %multiple_of3A_1791] : memref<32x1000001xf32, #tpu.memory_space<hbm>> -> memref<8x128xf32, #tpu.memory_space<hbm>>
        tpu.enqueue_dma source(%dma_start3A_1815 : memref<8x128xf32, #tpu.memory_space<hbm>>) target(%dma_start3A_1813 : memref<8x128xf32, #tpu.memory_space<vmem>>) target_semaphore(%arg9 : memref<!tpu.dma_semaphore, #tpu.memory_space<semaphore_mem>>)
        %dma_start3A_1816 = arith.constant 16 : i32
        %dma_start3A_1817 = arith.constant 0 : i32
        %dma_start3A_1818 = tpu.memref_slice %arg7[%rem3A_1616, %dma_start3A_1816, %dma_start3A_1817] : memref<12x32x128xf32, #tpu.memory_space<vmem>> -> memref<1x8x128xf32, #tpu.memory_space<vmem>>
        %dma_start3A_1819 = tpu.memref_squeeze %dma_start3A_1818 : memref<1x8x128xf32, #tpu.memory_space<vmem>> -> memref<8x128xf32, #tpu.memory_space<vmem>>
        %dma_start3A_1820 = arith.constant 16 : i32
        %dma_start3A_1821 = tpu.memref_slice %arg3[%dma_start3A_1820, %multiple_of3A_1791] : memref<32x1000001xf32, #tpu.memory_space<hbm>> -> memref<8x128xf32, #tpu.memory_space<hbm>>
        %dma_start3A_1822 = arith.constant 16 : i32
        %dma_start3A_1823 = arith.constant 0 : i32
        %dma_start3A_1824 = tpu.memref_slice %arg7[%rem3A_1616, %dma_start3A_1822, %dma_start3A_1823] : memref<12x32x128xf32, #tpu.memory_space<vmem>> -> memref<1x8x128xf32, #tpu.memory_space<vmem>>
        %dma_start3A_1825 = tpu.memref_squeeze %dma_start3A_1824 : memref<1x8x128xf32, #tpu.memory_space<vmem>> -> memref<8x128xf32, #tpu.memory_space<vmem>>
        %dma_start3A_1826 = arith.constant 16 : i32
        %dma_start3A_1827 = tpu.memref_slice %arg3[%dma_start3A_1826, %multiple_of3A_1791] : memref<32x1000001xf32, #tpu.memory_space<hbm>> -> memref<8x128xf32, #tpu.memory_space<hbm>>
        tpu.enqueue_dma source(%dma_start3A_1827 : memref<8x128xf32, #tpu.memory_space<hbm>>) target(%dma_start3A_1825 : memref<8x128xf32, #tpu.memory_space<vmem>>) target_semaphore(%arg9 : memref<!tpu.dma_semaphore, #tpu.memory_space<semaphore_mem>>)
        %dma_start3A_1828 = arith.constant 24 : i32
        %dma_start3A_1829 = arith.constant 0 : i32
        %dma_start3A_1830 = tpu.memref_slice %arg7[%rem3A_1616, %dma_start3A_1828, %dma_start3A_1829] : memref<12x32x128xf32, #tpu.memory_space<vmem>> -> memref<1x8x128xf32, #tpu.memory_space<vmem>>
        %dma_start3A_1831 = tpu.memref_squeeze %dma_start3A_1830 : memref<1x8x128xf32, #tpu.memory_space<vmem>> -> memref<8x128xf32, #tpu.memory_space<vmem>>
        %dma_start3A_1832 = arith.constant 24 : i32
        %dma_start3A_1833 = tpu.memref_slice %arg3[%dma_start3A_1832, %multiple_of3A_1791] : memref<32x1000001xf32, #tpu.memory_space<hbm>> -> memref<8x128xf32, #tpu.memory_space<hbm>>
        %dma_start3A_1834 = arith.constant 24 : i32
        %dma_start3A_1835 = arith.constant 0 : i32
        %dma_start3A_1836 = tpu.memref_slice %arg7[%rem3A_1616, %dma_start3A_1834, %dma_start3A_1835] : memref<12x32x128xf32, #tpu.memory_space<vmem>> -> memref<1x8x128xf32, #tpu.memory_space<vmem>>
        %dma_start3A_1837 = tpu.memref_squeeze %dma_start3A_1836 : memref<1x8x128xf32, #tpu.memory_space<vmem>> -> memref<8x128xf32, #tpu.memory_space<vmem>>
        %dma_start3A_1838 = arith.constant 24 : i32
        %dma_start3A_1839 = tpu.memref_slice %arg3[%dma_start3A_1838, %multiple_of3A_1791] : memref<32x1000001xf32, #tpu.memory_space<hbm>> -> memref<8x128xf32, #tpu.memory_space<hbm>>
        tpu.enqueue_dma source(%dma_start3A_1839 : memref<8x128xf32, #tpu.memory_space<hbm>>) target(%dma_start3A_1837 : memref<8x128xf32, #tpu.memory_space<vmem>>) target_semaphore(%arg9 : memref<!tpu.dma_semaphore, #tpu.memory_space<semaphore_mem>>)
      } else {
      }
    }
    %scan3A_1613 = arith.constant 512 : i32
    "tpu.region"() ({
      %run_scoped3A = tpu.sem_alloc : memref<!tpu.dma_semaphore, #tpu.memory_space<semaphore_mem>>
      %dma_start3A_1614 = arith.constant 0 : i32
      %dma_start3A_1615 = tpu.memref_slice %arg4[%multiple_of3A, %dma_start3A_1614] : memref<16384x32xf32, #tpu.memory_space<hbm>> -> memref<512x32xf32, #tpu.memory_space<hbm>>
      %dma_start3A_1616 = arith.constant 0 : i32
      %dma_start3A_1617 = tpu.memref_slice %arg4[%multiple_of3A, %dma_start3A_1616] : memref<16384x32xf32, #tpu.memory_space<hbm>> -> memref<512x32xf32, #tpu.memory_space<hbm>>
      tpu.enqueue_dma source(%arg8 : memref<512x32xf32, #tpu.memory_space<vmem>>) target(%dma_start3A_1617 : memref<512x32xf32, #tpu.memory_space<hbm>>) target_semaphore(%run_scoped3A : memref<!tpu.dma_semaphore, #tpu.memory_space<semaphore_mem>>)
      %dma_wait3A = arith.constant 0 : i32
      %dma_wait3A_1618 = tpu.memref_slice %arg4[%multiple_of3A, %dma_wait3A] : memref<16384x32xf32, #tpu.memory_space<hbm>> -> memref<512x32xf32, #tpu.memory_space<hbm>>
      %dma_wait3A_1619 = arith.constant 0 : i32
      %dma_wait3A_1620 = tpu.memref_slice %arg4[%multiple_of3A, %dma_wait3A_1619] : memref<16384x32xf32, #tpu.memory_space<hbm>> -> memref<512x32xf32, #tpu.memory_space<hbm>>
      tpu.wait_dma2 semaphore(%run_scoped3A : memref<!tpu.dma_semaphore, #tpu.memory_space<semaphore_mem>>) src(%arg8 : memref<512x32xf32, #tpu.memory_space<vmem>>) dst(%dma_wait3A_1620 : memref<512x32xf32, #tpu.memory_space<hbm>>)
      tpu.yield
    }) : () -> ()
    return
  }
}

module attributes {stable_mosaic.version = 14 : i64} {
  func.func @_bn_body(%arg0: memref<4x16384xf32, #tpu.memory_space<vmem>>, %arg1: memref<4x1xf32, #tpu.memory_space<vmem>>, %arg2: memref<4x1xf32, #tpu.memory_space<vmem>>, %arg3: memref<4x16384xf32, #tpu.memory_space<vmem>>) attributes {dimension_semantics = [], scalar_prefetch = 0 : i64, scratch_operands = 0 : i64, tpu.core_type = #tpu.core_type<tc>} {
    %get3A = arith.constant 0 : index
    %get3A_0 = arith.constant 0 : index
    %get3A_1 = vector.load %arg0[%get3A, %get3A_0] : memref<4x16384xf32, #tpu.memory_space<vmem>>, vector<4x16384xf32>
    %reduce_sum3A = arith.constant dense<0.000000e+00> : vector<4xf32>
    %reduce_sum3A_2 = vector.multi_reduction <add>, %get3A_1, %reduce_sum3A [1] : vector<4x16384xf32> to vector<4xf32>
    %broadcast_in_dim3A = vector.shape_cast %reduce_sum3A_2 : vector<4xf32> to vector<4x1xf32>
    %div3A = arith.constant 1.638400e+04 : f32
    %div3A_3 = vector.broadcast %div3A : f32 to vector<4x1xf32>
    %div3A_4 = arith.divf %broadcast_in_dim3A, %div3A_3 : vector<4x1xf32>
    %sub3A = vector.broadcast %div3A_4 : vector<4x1xf32> to vector<4x16384xf32>
    %sub3A_5 = arith.subf %get3A_1, %sub3A : vector<4x16384xf32>
    %mul3A = arith.mulf %sub3A_5, %sub3A_5 : vector<4x16384xf32>
    %reduce_sum3A_6 = arith.constant dense<0.000000e+00> : vector<4xf32>
    %reduce_sum3A_7 = vector.multi_reduction <add>, %mul3A, %reduce_sum3A_6 [1] : vector<4x16384xf32> to vector<4xf32>
    %broadcast_in_dim3A_8 = vector.shape_cast %reduce_sum3A_7 : vector<4xf32> to vector<4x1xf32>
    %div3A_9 = arith.constant 1.638400e+04 : f32
    %div3A_10 = vector.broadcast %div3A_9 : f32 to vector<4x1xf32>
    %div3A_11 = arith.divf %broadcast_in_dim3A_8, %div3A_10 : vector<4x1xf32>
    %add3A = arith.constant 9.99999974E-6 : f32
    %add3A_12 = vector.broadcast %add3A : f32 to vector<4x1xf32>
    %add3A_13 = arith.addf %div3A_11, %add3A_12 : vector<4x1xf32>
    %rsqrt3A = math.rsqrt %add3A_13 : vector<4x1xf32>
    %mul3A_14 = vector.broadcast %rsqrt3A : vector<4x1xf32> to vector<4x16384xf32>
    %mul3A_15 = arith.mulf %sub3A_5, %mul3A_14 : vector<4x16384xf32>
    %get3A_16 = arith.constant 0 : index
    %get3A_17 = arith.constant 0 : index
    %get3A_18 = vector.load %arg1[%get3A_16, %get3A_17] : memref<4x1xf32, #tpu.memory_space<vmem>>, vector<4x1xf32>
    %mul3A_19 = vector.broadcast %get3A_18 : vector<4x1xf32> to vector<4x16384xf32>
    %mul3A_20 = arith.mulf %mul3A_15, %mul3A_19 : vector<4x16384xf32>
    %get3A_21 = arith.constant 0 : index
    %get3A_22 = arith.constant 0 : index
    %get3A_23 = vector.load %arg2[%get3A_21, %get3A_22] : memref<4x1xf32, #tpu.memory_space<vmem>>, vector<4x1xf32>
    %add3A_24 = vector.broadcast %get3A_23 : vector<4x1xf32> to vector<4x16384xf32>
    %add3A_25 = arith.addf %mul3A_20, %add3A_24 : vector<4x16384xf32>
    %swap3A = arith.constant 0 : index
    %swap3A_26 = arith.constant 0 : index
    %swap3A_27 = vector.load %arg3[%swap3A, %swap3A_26] : memref<4x16384xf32, #tpu.memory_space<vmem>>, vector<4x16384xf32>
    tpu.vector_store %arg3[%swap3A, %swap3A_26], %add3A_25 {strides = array<i32>} : memref<4x16384xf32, #tpu.memory_space<vmem>>, vector<4x16384xf32>,
    return
  }
}

</mosaic_0001>

<sc_bundles>
// kernel: kernel.4.cloned.1.call-start
scs
__scs_entry_jumppad:
0x0: {  	(pc) =	sbr.rel $0x88, $3  }
0x1: {  	(tag) =	ssettag $0x0;
	lr =	simm.s32 $0x1  }
0x2: {  	[smem:$0x3F9D] =	sst lr;
	_ =	strace $0xD0000000  }
0x3: {  	_ = 	snop  }
0x4: {  	_ = 	snop  }
0x5: {  	_ = 	snop  }
0x6: {  	_ = 	snop  }
0x7: {  	_ = 	snop  }
__scs_overlays_trampoline_lowered:
0x8: {  	[smem:$0x3FAC] =	sst s0  }
0x9: {  	[smem:$0x3FAD] =	sst s1  }
0xa: {  	[smem:$0x3FAE] =	sst s2  }
0xb: {  	[smem:$0x3FAF] =	sst s3  }
0xc: {  	[smem:$0x3FB0] =	sst s4  }
0xd: {  	[smem:$0x3FB1] =	sst s5  }
0xe: {  	[smem:$0x3FB2] =	sst s6  }
0xf: {  	[smem:$0x3FB3] =	sst s7  }
0x10: {  	[smem:$0x3FB4] =	sst s8  }
0x11: {  	[smem:$0x3FB5] =	sst s9;
	s0 =	simm.s32 @!p0 $0x0  }
0x12: {  	s1 =	sld [smem:$0x3F9B];
	s0 =	simm.s32 @p0 $0x1  }
0x13: {  	[smem:$0x3FB6] =	sst s0;
	s0 =	simm.s32 @!p1 $0x0  }
0x14: {  	s2 =	sld [smem:$0x3F9A];
	s0 =	simm.s32 @p1 $0x1  }
0x15: {  	[smem:$0x3FB7] =	sst s0;
	s0 =	simm.s32 @!p2 $0x0  }
0x16: {  	s3 =	sld [smem:$0x3FDB];
	s0 =	simm.s32 @p2 $0x1  }
0x17: {  	s4 =	simm.s32 $0x1BF5;
	[smem:$0x3FB9] =	sst s0  }
0x18: {  	s0 =	sld [smem:$0x3F9C];
	_ =	swait.ge [sflag:s4], $0x0  }
0x19: {  	s7 =	sld [smem:$0x3F9D]  }
0x1a: {  	s8 =	sadd.s32 $0xFFFFE003, lr  }
0x1b: {  	s9 =	sadd.s32 $0xFFFFFEF7, lr;
	s5 =	simm.s32 $0xFFFFFFFF;
	p2 =	slt.u32 s8, $0xFFFFF086  }
0x1c: {  	p1 =	slt.u32 s9, $0xF7A;
	s5 =	simm.s32 @!p2 $0x0  }
0x1d: {  	s5 =	simm.s32 @p1 $0x1;
	p0 =	seq.s32 s7, s2  }
0x1e: {  	s7 =	smul.u32 @!p0 $0xF7A, s2;
	p2 =	seq.s32 @!p0 s5, $0x0  }
0x1f: {  	s9 =	smul.u32 $0xF7A, s1;
	s8 =	simm.s32 @!p0 $0x1BF5;
	p2 =	por !p2, p0  }
0x20: {  	[sflag:s8] =	ssyncset.s32 @!p0 $0xFFFFF086;
	s6 =	sadd.s32 @!p0 s3, s7;
	s7 =	simm.s32 @!p0 $0x108  }
0x21: {  	s3 =	sadd.s32 s3, s9;
	s6 =	sadd.s32 @!p0 $0x88, s6;
	s7 =	simm.s32 @p2 $0x1082  }
0x22: {  	[simem:s7], [sflag:s8] =	dma.local @!p0 [hbm:s6], $0xF7A  }
0x23: {  	s9 =	sor.u32 $0xD0000000, s2;
	s6 =	simm.s32 $0x108;
	_ =	swait.ge @!p0 [sflag:s8], $0x0  }
0x24: {  	s3 =	sadd.s32 $0x88, s3;
	s6 =	simm.s32 @!p1 $0x1082;
	[sflag:s4] =	ssyncset.s32 $0xFFFFF086  }
0x25: {  	[simem:s6], [sflag:s4] =	dma.local [hbm:s3], $0xF7A  }
0x26: {  	[smem:$0x3F9D] =	sst s1;
	(tag) =	ssettag s2;
	_ =	strace s9  }
0x27: {  	s1 =	sld [smem:$0x3FAD]  }
0x28: {  	s2 =	sld [smem:$0x3FAE]  }
0x29: {  	s4 =	sld [smem:$0x3FB0]  }
0x2a: {  	p0 =	seq.s32 s5, $0x0;
	s5 =	sld [smem:$0x3FB1]  }
0x2b: {  	s6 =	sld [smem:$0x3FB2]  }
0x2c: {  	s7 =	sld [smem:$0x3FB3]  }
0x2d: {  	s3 =	simm.s32 $0x108;
	s8 =	sld [smem:$0x3FB4]  }
0x2e: {  	s3 =	simm.s32 @!p0 $0x1082;
	s9 =	sld [smem:$0x3FB5]  }
0x2f: {  	lr =	sadd.s32 s0, s3;
	s0 =	sld [smem:$0x3FAC]  }
0x30: {  	s3 =	sld [smem:$0x3FAF]  }
0x31: {  	[smem:$0x3FB8] =	sst s10  }
0x32: {  	s10 =	sld [smem:$0x3FB6];
	_ =	sdelay $0x3  }
0x33: {  	p0 =	seq.s32 s10, $0x1;
	s10 =	sld [smem:$0x3FB8];
	_ =	sdelay $0x3  }
0x34: {  	[smem:$0x3FB8] =	sst s10  }
0x35: {  	s10 =	sld [smem:$0x3FB7];
	_ =	sdelay $0x3  }
0x36: {  	p1 =	seq.s32 s10, $0x1;
	s10 =	sld [smem:$0x3FB8];
	_ =	sdelay $0x3  }
0x37: {  	[smem:$0x3FB8] =	sst s10  }
0x38: {  	s10 =	sld [smem:$0x3FB9]  }
0x39: {  	_ = 	snop;
	(pc) =	sbr.ind lr, $3  }
0x3a: {  	_ = 	snop  }
0x3b: {  	_ = 	snop  }
0x3c: {  	p2 =	seq.s32 s10, $0x1;
	s10 =	sld [smem:$0x3FB8]  }
0x3d: {  	_ =	shalt  }
0x3e: {  	_ =	shalt  }
0x3f: {  	_ =	shalt  }
0x40: {  	_ =	shalt  }
0x41: {  	_ =	shalt  }
0x42: {  	_ =	shalt  }
0x43: {  	_ =	shalt  }
0x44: {  	_ =	shalt  }
0x45: {  	_ =	shalt  }
0x46: {  	_ =	shalt  }
0x47: {  	_ =	shalt  }
0x48: {  	_ =	shalt  }
0x49: {  	_ =	shalt  }
0x4a: {  	_ =	shalt  }
0x4b: {  	_ =	shalt  }
0x4c: {  	_ =	shalt  }
0x4d: {  	_ =	shalt  }
0x4e: {  	_ =	shalt  }
0x4f: {  	_ =	shalt  }
0x50: {  	_ =	shalt  }
0x51: {  	_ =	shalt  }
0x52: {  	_ =	shalt  }
0x53: {  	_ =	shalt  }
0x54: {  	_ =	shalt  }
0x55: {  	_ =	shalt  }
0x56: {  	_ =	shalt  }
0x57: {  	_ =	shalt  }
0x58: {  	_ =	shalt  }
0x59: {  	_ =	shalt  }
0x5a: {  	_ =	shalt  }
0x5b: {  	_ =	shalt  }
0x5c: {  	_ =	shalt  }
0x5d: {  	_ =	shalt  }
0x5e: {  	_ =	shalt  }
0x5f: {  	_ =	shalt  }
0x60: {  	_ =	shalt  }
0x61: {  	_ =	shalt  }
0x62: {  	_ =	shalt  }
0x63: {  	_ =	shalt  }
0x64: {  	_ =	shalt  }
0x65: {  	_ =	shalt  }
0x66: {  	_ =	shalt  }
0x67: {  	_ =	shalt  }
0x68: {  	_ =	shalt  }
0x69: {  	_ =	shalt  }
0x6a: {  	_ =	shalt  }
0x6b: {  	_ =	shalt  }
0x6c: {  	_ =	shalt  }
0x6d: {  	_ =	shalt  }
0x6e: {  	_ =	shalt  }
0x6f: {  	_ =	shalt  }
0x70: {  	_ =	shalt  }
0x71: {  	_ =	shalt  }
0x72: {  	_ =	shalt  }
0x73: {  	_ =	shalt  }
0x74: {  	_ =	shalt  }
0x75: {  	_ =	shalt  }
0x76: {  	_ =	shalt  }
0x77: {  	_ =	shalt  }
0x78: {  	_ =	shalt  }
0x79: {  	_ =	shalt  }
0x7a: {  	_ =	shalt  }
0x7b: {  	_ =	shalt  }
0x7c: {  	_ =	shalt  }
0x7d: {  	_ =	shalt  }
0x7e: {  	_ =	shalt  }
0x7f: {  	_ =	shalt  }
0x80: {  	_ =	shalt  }
0x81: {  	_ =	shalt  }
0x82: {  	_ =	shalt  }
0x83: {  	_ =	shalt  }
0x84: {  	_ =	shalt  }
0x85: {  	_ =	shalt  }
0x86: {  	_ =	shalt  }
0x87: {  	_ =	shalt  }
.Lfunc_end0:
.L_simem_size_0:
called_computation_lowered:
.L_overlay_start_0:
0x88: {  	s2 =	sld [smem:$0x3FD9]  }
0x89: {  	s3 =	sld [smem:$0x3FFE];
	_ =	sdelay $0x1  }
0x8a: {  	s1 =	srdreg.scid  }
0x8b: {  	s0 =	sand.u32 $0x1, s1  }
0x8c: {  	s17 =	sshll.u32 s0, $0xA;
	s2 =	sadd.s32 s3, s2  }
0x8d: {  	s2 =	sadd.s32 s2, s17  }
0x8e: {  	[smem:$0x3FC4] =	sst s2  }
0x8f: {  	_ = 	snop  }
0x90: {  	s2 =	sld [smem:$0x3FC9]  }
0x91: {  	s18 =	sld [smem:$0x3FC8];
	(tm) =	ssettm $0x1  }
0x92: {  	s4 =	sld [smem:$0x3FFB];
	_ =	sdelay $0x3  }
0x93: {  	_ =	strace s4  }
0x94: {  	s4 =	sld [smem:$0x3FFC];
	_ =	sdelay $0x3  }
0x95: {  	_ =	strace s4  }
0x96: {  	s4 =	sld [smem:$0x3FFD];
	_ =	sdelay $0x3  }
0x97: {  	_ =	strace s4  }
0x98: {  	_ =	strace $0x8FFFFFFF  }
0x99: {  	s19 =	sld [smem:$0x3FDB];
	_ =	sdelay $0x1  }
0x9a: {  	s5 =	simm.s32 $_scs_section_size  }
0x9b: {  	s6 =	simm.s32 $_size__tile_overlayer_lowered;
	s7 =	simm.s32 $_tile_overlayer_lowered  }
0x9c: {  	s22 =	simm.s32 $0x1BFF;
	s21 =	sshll.u32 s7, $0x1;
	s4 =	sadd.s32 s5, s19  }
0x9d: {  	s8 =	simm.s32 $0x0;
	s20 =	sshll.u32 s6, $0x1;
	s6 =	sadd.s32 s21, s4  }
0x9e: {  	[timem:s8], [sflag:s22] =	dma.local [hbm:s6], s20  }
0x9f: {  	_ =	swait.ge [sflag:s22], s20  }
0xa0: {  	s5 =	ssub.s32 $0x0, s20;
	[sflag:s22] =	ssyncset.done $0x0  }
0xa1: {  	[sflag:s22] =	ssyncadd.s32 s5;
	_ =	sdelay $0x1  }
0xa2: {  	s23 =	simm.s32 $0x1B8B  }
0xa3: {  	_ =	swait.ge [sflag:s23], $0x1  }
0xa4: {  	[sflag:s23] =	ssyncset.done $0x0  }
0xa5: {  	s25 =	simm.s32 $0x1B8E;
	s24 =	sld [smem:$0x3FFE];
	[sflag:s23] =	ssyncadd.s32 $0xFFFFFFFF  }
0xa6: {  	s26 =	simm.s32 $execute0_lowered;
	[smem:$0x3FD2] =	sst s25  }
0xa7: {  	s6 =	sshll.u32 s26, $0x1;
	_ =	strace $0x80000046;
	[dreg:$0x1] =	wrdreg $0xFFFFFFFF  }
0xa8: {  	s28 =	simm.s32 $_size_execute0_lowered;
	s4 =	sadd.s32 s4, s6;
	[dreg:$0x0] =	wrdreg $0x0  }
0xa9: {  	s6 =	sshll.u32 s28, $0x1;
	[dreg:$0x2] =	wrdreg s4  }
0xaa: {  	[dreg:$0x3] =	wrdreg s6  }
0xab: {  	[dreg:$0x4] =	wrdreg $0xC0  }
0xac: {  	_ =	task [dreg:s8], $0x5FFFF  }
0xad: {  	[dreg:$0x1] =	wrdreg $0xFFFFFFFF  }
0xae: {  	[dreg:$0x0] =	wrdreg $0x60  }
0xaf: {  	[dreg:$0x2] =	wrdreg s2  }
0xb0: {  	[dreg:$0x3] =	wrdreg s18  }
0xb1: {  	[dreg:$0x4] =	wrdreg s24  }
0xb2: {  	[dreg:$0x5] =	wrdreg $0x9  }
0xb3: {  	_ =	task.clear_ibuf [dreg:s8], $0x6FFFF;
	_ =	strace $0x90000046  }
0xb4: {  	s29 =	simm.s32 $0x9;
	_ =	strace $0x80000048  }
0xb5: {  	_ =	swait.ge [sflag:s29], $0x1  }
0xb6: {  	[sflag:s29] =	ssyncadd.s32 $0xFFFFFFFF  }
0xb7: {  	_ =	strace $0x90000048  }
0xb8: {  	_ =	sfence  }
0xb9: {  	s30 =	sld [smem:$0x0];
	_ =	sdelay $0x2  }
0xba: {  	s31 =	sshll.u32 s1, $0xD;
	s1 =	sshrl.u32 s1, $0x2  }
0xbb: {  	s3 =	sand.u32 $0x4000, s31;
	s1 =	sadd.s32 s1, s30  }
0xbc: {  	s0 =	sor.u32 s3, s0;
	s1 =	sshll.u32 s1, $0x11  }
0xbd: {  	s0 =	sor.u32 s1, s0  }
0xbe: {  	s0 =	sadd.s32 $0x8F2B, s0  }
0xbf: {  	[sflag:s0] =	ssyncadd.remote.s32 $0x1  }
0xc0: {  	_ =	sfence.sel $0xFFFF  }
0xc1: {  	[dreg:$0x0] =	wrdreg $0xFFFFFFFF;
	(pc) =	sbr.abs _section_cstart, $3  }
0xc2: {  	[dreg:$0x1] =	wrdreg $0xFFFFFFFF  }
0xc3: {  	_ =	task.clear_ibuf [dreg:s8], $0x2FFFF;
	_ =	strace $0x9FFFFFFF  }
0xc4: {  	(tm) =	ssettm $0x7FFFFFFF  }
0xc5: {  	_ =	shalt  }
tec
execute0_lowered:
.L_overlay_start_1:
0x0: {  	(tag) =	ssettag $0x1  }
0x1: {  	s0 =	rddreg [dreg:$0x0]  }
0x2: {  	s2 =	rddreg [dreg:$0x1]  }
0x3: {  	s1 =	rddreg [dreg:$0x2]  }
0x4: {  	s3 =	srdreg.scid;
	s6 =	stileid.u32  }
0x5: {  	s9 =	simm.s32 $0x2;
	s10 =	simm.s32 $0x1;
	s28 =	simm.s32 $0xA400  }
0x6: {  	s29 =	simm.s32 $0xA800;
	s30 =	simm.s32 $0xAC00;
	s31 =	simm.s32 $0xB000  }
0x7: {  	s8 =	simm.s32 $0xC000;
	s11 =	simm.s32 $0xC400;
	s12 =	simm.s32 $0x0  }
0x8: {  	s4 =	sand.u32 $0x1, s3;
	s3 =	simm.s32 $0x0;
	s6 =	sshll.u32 s6, $0x9  }
0x9: {  	s5 =	sshll.u32 s4, $0xD;
	[smem:$0x7FF] =	sst s3;
	s4 =	ssub.s32 $0x2, s4  }
0xa: {  	vm0 =	vmmov $0x1;
	vm1 =	vcmask $0x308;
	vm2 =	vcmask $0x70C;
	s5 =	sor.u32 s6, s5;
	_ =	strace $0x80000047;
	s7 =	sshrl.u32 s4, $0x1  }
0xb: {  	vm3 =	vcmask $0xB10;
	vm4 =	vcmask $0xF14;
	v0 =	vlaneseq.u32;
	s6 =	sshll.u32 s5, $0x4;
	s25 =	ssub.s32 s4, s7;
	s26 =	sshrl.u32 s5, $0x1  }
0xc: {  	vm5 =	vcmask $0x1318;
	vm6 =	vcmask $0x171C;
	v1 =	vmul.u32 $0x80, v0;
	s7 =	simm.s32 $0xBC00;
	s1 =	sadd.s32 s6, s1;
	s4 =	sadd.s32 s0, s26  }
0xd: {  	vm7 =	vcmask $0x1B20;
	vm8 =	vcmask $0x1F24;
	vm9 =	vcmask $0x2328;
	s6 =	smax.u32 s25, $0x1;
	s25 =	simm.s32 $0x9C00;
	s26 =	simm.s32 $0xA000  }
0xe: {  	vm10 =	vcmask $0x272C;
	vm11 =	vcmask $0x2B30;
	v2 =	vor.u32 $0x800, v1;
	s0 =	simm.s32 $0xB400;
	s5 =	sadd.s32 $0xA00, s1;
	s1 =	simm.s32 $0xB800  }
.LBB2_1:
0xf: {  	s13 =	simm.s32 $0x80;
	s14 =	simm.s32 $0x200  }
0x10: {  	[tilespmem:s3], [sflag:$0x2] =	stream.strided.gather [hbm4b:s4+s13], $0x200, s14, s13, $0x38;
	[tilespmem:$0x1C400] =	vst v63  }
0x11: {  	_ =	swait.ge [sflag:s9], $0x200  }
0x12: {  	[sflag:s9] =	ssyncset.done $0x0  }
0x13: {  	[sflag:s9] =	ssyncadd.s32 $0xFFFFFE00  }
0x14: {  	v3 =	vld [tilespmem:$0x0]  }
0x15: {  	v4 =	vld [tilespmem:$0x10]  }
0x16: {  	v5 =	vld [tilespmem:$0x20]  }
0x17: {  	v6 =	vld [tilespmem:$0x30]  }
0x18: {  	v7 =	vld [tilespmem:$0x40]  }
0x19: {  	v8 =	vld [tilespmem:$0x50]  }
0x1a: {  	v9 =	vld [tilespmem:$0x60]  }
0x1b: {  	v10 =	vld [tilespmem:$0x70]  }
0x1c: {  	v11 =	vld [tilespmem:$0x80]  }
0x1d: {  	v12 =	vld [tilespmem:$0x90]  }
0x1e: {  	v13 =	vld [tilespmem:$0xA0]  }
0x1f: {  	v14 =	vld [tilespmem:$0xB0]  }
0x20: {  	v15 =	vld [tilespmem:$0xC0]  }
0x21: {  	v16 =	vld [tilespmem:$0xD0]  }
0x22: {  	v17 =	vld [tilespmem:$0xE0]  }
0x23: {  	v18 =	vld [tilespmem:$0xF0]  }
0x24: {  	v19 =	vld [tilespmem:$0x100]  }
0x25: {  	v20 =	vld [tilespmem:$0x110]  }
0x26: {  	v51 =	vld [tilespmem:$0x130];
	v3 =	vtrunc.f32 v3  }
0x27: {  	v54 =	vld [tilespmem:$0x140];
	v4 =	vtrunc.f32 v4;
	v5 =	vtrunc.f32 v5  }
0x28: {  	v57 =	vld [tilespmem:$0x150];
	v6 =	vtrunc.f32 v6;
	v7 =	vtrunc.f32 v7  }
0x29: {  	v22 =	vld [tilespmem:$0x160];
	v8 =	vtrunc.f32 v8;
	v9 =	vtrunc.f32 v9  }
0x2a: {  	v25 =	vld [tilespmem:$0x170];
	v10 =	vtrunc.f32 v10;
	v11 =	vtrunc.f32 v11  }
0x2b: {  	v27 =	vld [tilespmem:$0x180];
	v12 =	vtrunc.f32 v12;
	v13 =	vtrunc.f32 v13  }
0x2c: {  	v28 =	vld [tilespmem:$0x190];
	v14 =	vtrunc.f32 v14;
	v15 =	vtrunc.f32 v15  }
0x2d: {  	v29 =	vld [tilespmem:$0x1A0];
	v16 =	vtrunc.f32 v16;
	v17 =	vtrunc.f32 v17  }
0x2e: {  	v33 =	vld [tilespmem:$0x1B0];
	v18 =	vtrunc.f32 v18;
	v19 =	vtrunc.f32 v19  }
0x2f: {  	v47 =	vld [tilespmem:$0x1C0];
	v53 =	vtrunc.f32 v20;
	v61 =	vtrunc.f32 v51  }
0x30: {  	v21 =	vtrunc.f32 v54;
	v24 =	vtrunc.f32 v57  }
0x31: {  	v32 =	vtrunc.f32 v22;
	v36 =	vtrunc.f32 v25  }
0x32: {  	v39 =	vtrunc.f32 v27;
	v41 =	vtrunc.f32 v28  }
0x33: {  	v44 =	vtrunc.f32 v29;
	v46 =	vtrunc.f32 v33  }
0x34: {  	v54 =	vtrunc.f32 v47;
	v3 =	vcvt.f32.s32 v3  }
0x35: {  	v4 =	vcvt.f32.s32 v4;
	v5 =	vcvt.f32.s32 v5  }
0x36: {  	v6 =	vcvt.f32.s32 v6;
	v7 =	vcvt.f32.s32 v7  }
0x37: {  	v8 =	vcvt.f32.s32 v8;
	v9 =	vcvt.f32.s32 v9  }
0x38: {  	v10 =	vcvt.f32.s32 v10;
	v11 =	vcvt.f32.s32 v11  }
0x39: {  	v12 =	vcvt.f32.s32 v12;
	v13 =	vcvt.f32.s32 v13  }
0x3a: {  	v14 =	vcvt.f32.s32 v14;
	v15 =	vcvt.f32.s32 v15  }
0x3b: {  	v16 =	vcvt.f32.s32 v16;
	v17 =	vcvt.f32.s32 v17  }
0x3c: {  	v18 =	vcvt.f32.s32 v18;
	v19 =	vcvt.f32.s32 v19  }
0x3d: {  	v63 =	vcvt.f32.s32 v61;
	v23 =	vcvt.f32.s32 v21  }
0x3e: {  	v26 =	vcvt.f32.s32 v24;
	v35 =	vcvt.f32.s32 v32  }
0x3f: {  	v38 =	vcvt.f32.s32 v36;
	v40 =	vcvt.f32.s32 v39  }
0x40: {  	v43 =	vcvt.f32.s32 v41;
	v45 =	vcvt.f32.s32 v44;
	vm12 =	vgt.s32 v3, $0x0  }
0x41: {  	v48 =	vcvt.f32.s32 v46;
	vm13 =	vgt.s32 v11, $0x0;
	v3 =	vnsel vm12, $0x0, v3  }
0x42: {  	vm12 =	vgt.s32 v4, $0x0;
	v11 =	vnsel vm13, $0x0, v11;
	vm13 =	vgt.s32 v14, $0x0  }
0x43: {  	v3 =	vmin.u32 v3, $0xF4240;
	v4 =	vnsel vm12, $0x0, v4;
	vm12 =	vgt.s32 v5, $0x0  }
0x44: {  	v11 =	vmin.u32 v11, $0xF4240;
	v14 =	vnsel vm13, $0x0, v14;
	vm13 =	vgt.s32 v17, $0x0  }
0x45: {  	v4 =	vmin.u32 v4, $0xF4240;
	v5 =	vnsel vm12, $0x0, v5;
	vm12 =	vgt.s32 v6, $0x0  }
0x46: {  	v14 =	vmin.u32 v14, $0xF4240;
	[tilespmem:$0x200] =	vst v3;
	v3 =	vnsel vm0, $0x0, v3;
	v50 =	vnsel vm13, $0x0, v17  }
0x47: {  	vm13 =	vgt.s32 v23, $0x0;
	v5 =	vmin.u32 v5, $0xF4240;
	v6 =	vnsel vm12, $0x0, v6;
	(xrf0) =	vadd.scan.msk.s32 $0xffff, v3  }
0x48: {  	[tilespmem:$0x280] =	vst v11;
	vm12 =	vgt.s32 v7, $0x0;
	v58 =	vmin.u32 v50, $0xF4240;
	v11 =	vnsel vm13, $0x0, v23  }
0x49: {  	[tilespmem:$0x210] =	vst v4;
	vm13 =	vgt.s32 v45, $0x0;
	v7 =	vnsel vm12, $0x0, v7;
	vm12 =	vgt.s32 v8, $0x0  }
0x4a: {  	v3 =	vld [tilespmem:$0x120];
	[tilespmem:$0x2B0] =	vst v14;
	v6 =	vmin.u32 v6, $0xF4240;
	v8 =	vnsel vm12, $0x0, v8;
	vm12 =	vgt.s32 v9, $0x0  }
0x4b: {  	v50 =	vld [tilespmem:$0x1E0];
	[tilespmem:$0x220] =	vst v5;
	v34 =	vmin.u32 v11, $0xF4240;
	v9 =	vnsel vm12, $0x0, v9;
	vm12 =	vgt.s32 v10, $0x0  }
0x4c: {  	[tilespmem:$0x2E0] =	vst v58;
	v7 =	vmin.u32 v7, $0xF4240;
	v10 =	vnsel vm12, $0x0, v10;
	vm12 =	vgt.s32 v12, $0x0  }
0x4d: {  	[tilespmem:$0x230] =	vst v6;
	v8 =	vmin.u32 v8, $0xF4240;
	v9 =	vmin.u32 v9, $0xF4240;
	v12 =	vnsel vm12, $0x0, v12;
	v62, _, _ =	vpop (xrf0)  }
0x4e: {  	[tilespmem:$0x340] =	vst v34;
	v10 =	vmin.u32 v10, $0xF4240;
	vm12 =	vgt.s32 v13, $0x0;
	(v2sf) =	vpush v62, $0xF  }
0x4f: {  	[tilespmem:$0x240] =	vst v7;
	v3 =	vtrunc.f32 v3;
	v13 =	vnsel vm12, $0x0, v13;
	vm12 =	vgt.s32 v15, $0x0  }
0x50: {  	[tilespmem:$0x250] =	vst v8;
	v6 =	vtrunc.f32 v50;
	v15 =	vnsel vm12, $0x0, v15;
	vm12 =	vgt.s32 v16, $0x0  }
0x51: {  	[tilespmem:$0x260] =	vst v9;
	v12 =	vmin.u32 v12, $0xF4240;
	v49 =	vnsel vm12, $0x0, v16;
	vm12 =	vgt.s32 v18, $0x0  }
0x52: {  	v3 =	vcvt.f32.s32 v3;
	[tilespmem:$0x270] =	vst v10;
	v52 =	vnsel vm12, $0x0, v18;
	v18 =	vcvt.f32.s32 v53  }
0x53: {  	v13 =	vmin.u32 v13, $0xF4240;
	[tilespmem:$0x290] =	vst v12;
	v55 =	vmin.u32 v15, $0xF4240;
	vm12 =	vgt.s32 v19, $0x0  }
0x54: {  	[tilespmem:$0x2A0] =	vst v13;
	v4 =	vmin.u32 v49, $0xF4240;
	v49 =	vld [tilespmem:$0x1D0];
	v56 =	vnsel vm12, $0x0, v19;
	vm12 =	vgt.s32 v18, $0x0  }
0x55: {  	[tilespmem:$0x2C0] =	vst v55;
	v5 =	vmin.u32 v52, $0xF4240;
	v52 =	vld [tilespmem:$0x1F0];
	v60 =	vnsel vm12, $0x0, v18;
	vm12 =	vgt.s32 v3, $0x0  }
0x56: {  	v58 =	vcvt.f32.s32 v6;
	[tilespmem:$0x2D0] =	vst v4;
	v59 =	vmin.u32 v56, $0xF4240;
	v3 =	vnsel vm12, $0x0, v3  }
0x57: {  	[tilespmem:$0x2F0] =	vst v5;
	v9 =	vmin.u32 v60, $0xF4240;
	vm12 =	vgt.s32 v63, $0x0;
	v3 =	vmin.u32 v3, $0xF4240  }
0x58: {  	v10 =	vnsel vm12, $0x0, v63;
	vm12 =	vgt.s32 v26, $0x0;
	[tilespmem:$0x310] =	vst v9;
	v9 =	vnsel vm13, $0x0, v45  }
0x59: {  	[tilespmem:$0x300] =	vst v59;
	v55 =	vtrunc.f32 v49;
	v30 =	vmin.u32 v10, $0xF4240;
	v31 =	vnsel vm12, $0x0, v26  }
0x5a: {  	vm12 =	vgt.s32 v35, $0x0;
	[tilespmem:$0x320] =	vst v3;
	v57 =	vcvt.f32.s32 v55;
	v59 =	vtrunc.f32 v52  }
0x5b: {  	v37 =	vmin.u32 v31, $0xF4240;
	v42 =	vnsel vm12, $0x0, v35;
	vm12 =	vgt.s32 v38, $0x0;
	[tilespmem:$0x330] =	vst v30  }
0x5c: {  	v3 =	vnsel vm12, $0x0, v38;
	vm12 =	vgt.s32 v40, $0x0;
	[tilespmem:$0x350] =	vst v37;
	v8 =	vmin.u32 v42, $0xF4240  }
0x5d: {  	v6 =	vcvt.f32.s32 v59;
	v5 =	vnsel vm12, $0x0, v40;
	v3 =	vmin.u32 v3, $0xF4240;
	[tilespmem:$0x360] =	vst v8;
	s18 =	spop (v2sf)  }
0x5e: {  	vm12 =	vgt.s32 v43, $0x0;
	v8 =	vcvt.f32.s32 v54;
	v5 =	vmin.u32 v5, $0xF4240;
	[tilespmem:$0x370] =	vst v3;
	s19 =	sand.u32 $0x7F, s18  }
0x5f: {  	v51 =	vnsel vm12, $0x0, v43;
	vm12 =	vgt.s32 v48, $0x0;
	v3 =	vmin.u32 v9, $0xF4240;
	[tilespmem:$0x380] =	vst v5;
	s15 =	sshra.s32 s18, $0x1F;
	p0 =	slt.s32 s18, $0x1;
	p1 =	sne.s32 s19, $0x0  }
0x60: {  	v53 =	vnsel vm12, $0x0, v48;
	v4 =	vmin.u32 v51, $0xF4240;
	vm12 =	vgt.s32 v8, $0x0;
	[tilespmem:$0x3A0] =	vst v3;
	s20 =	sshrl.u32 s15, $0x19;
	p0 =	por !p0, !p1  }
0x61: {  	s14 =	simm.s32 $0x1;
	v56 =	vmin.u32 v53, $0xF4240;
	[tilespmem:$0x390] =	vst v4;
	v3 =	vnsel vm12, $0x0, v8;
	vm12 =	vgt.s32 v57, $0x0;
	s13 =	sadd.s32 s20, s18;
	p0 =	por !p0, !p0  }
0x62: {  	[tilespmem:$0x3B0] =	vst v56;
	v3 =	vmin.u32 v3, $0xF4240;
	v60 =	vnsel vm12, $0x0, v57;
	vm12 =	vgt.s32 v58, $0x0;
	s13 =	sshrl.u32 s13, $0x7;
	s14 =	simm.s32 @!p0 $0x0  }
0x63: {  	[tilespmem:$0x3C0] =	vst v3;
	v3 =	vmin.u32 v60, $0xF4240;
	v4 =	vnsel vm12, $0x0, v58;
	vm12 =	vgt.s32 v6, $0x0;
	s13 =	ssub.s32 s13, s14  }
0x64: {  	[tilespmem:$0x3D0] =	vst v3;
	v3 =	vmin.u32 v4, $0xF4240;
	v61 =	vnsel vm12, $0x0, v6;
	s13 =	sshll.u32 s13, $0xA  }
0x65: {  	[tilespmem:$0x3E0] =	vst v3;
	v3 =	vmin.u32 v61, $0xF4240;
	s21 =	sshrl.u32 s13, $0x3  }
0x66: {  	s22 =	simm.s32 $0x400;
	[tilespmem:$0x3F0] =	vst v3;
	s23 =	sadd.s32 $0x7A1400, s13;
	s14 =	sadd.s32 s2, s21  }
0x67: {  	[tilespmem:s22], [sflag:$0x1] =	stream.linear.gather [hbm4b:s14+s3], $0x400, $0x38;
	[tilespmem:$0x1C400] =	vst v63  }
0x68: {  	s14 =	sshrl.u32 s23, $0x3  }
0x69: {  	s24 =	simm.s32 $0x800;
	s16 =	sadd.s32 $0xF42800, s13;
	s14 =	sadd.s32 s2, s14  }
0x6a: {  	[tilespmem:s24], [sflag:$0x1] =	stream.linear.gather [hbm4b:s14+s3], $0x400, $0x38;
	[tilespmem:$0x1C400] =	vst v63  }
0x6b: {  	s13 =	sadd.s32 $0x16E3C00, s13;
	s14 =	sshrl.u32 s16, $0x3  }
0x6c: {  	s17 =	simm.s32 $0xC00;
	s13 =	sshrl.u32 s13, $0x3;
	s14 =	sadd.s32 s2, s14  }
0x6d: {  	[tilespmem:s17], [sflag:$0x1] =	stream.linear.gather [hbm4b:s14+s3], $0x400, $0x38;
	[tilespmem:$0x1C400] =	vst v63  }
0x6e: {  	s18 =	simm.s32 $0x1000;
	s13 =	sadd.s32 s2, s13  }
0x6f: {  	[tilespmem:s18], [sflag:$0x1] =	stream.linear.gather [hbm4b:s13+s3], $0x400, $0x38;
	[tilespmem:$0x1C400] =	vst v63  }
0x70: {  	v3 =	vld [tilespmem:$0x200];
	_ =	sdelay $0x4  }
0x71: {  	v3 =	vsel vm1, $0x0, v3  }
0x72: {  	(xrf0) =	vadd.scan.msk.s32 $0xffff, v3;
	_ =	sdelay $0x5  }
0x73: {  	v3, _, _ =	vpop (xrf0)  }
0x74: {  	(v2sf) =	vpush v3, $0xF;
	_ =	sdelay $0xe  }
0x75: {  	s19 =	spop (v2sf)  }
0x76: {  	s20 =	sand.u32 $0x7F, s19  }
0x77: {  	s21 =	sshra.s32 s19, $0x1F;
	p3 =	slt.s32 s19, $0x1;
	p4 =	sne.s32 s20, $0x0  }
0x78: {  	s22 =	sshrl.u32 s21, $0x19;
	p0 =	por !p3, !p4  }
0x79: {  	s14 =	simm.s32 $0x1;
	s13 =	sadd.s32 s22, s19;
	p0 =	por !p0, !p0  }
0x7a: {  	s13 =	sshrl.u32 s13, $0x7;
	s14 =	simm.s32 @!p0 $0x0  }
0x7b: {  	s13 =	ssub.s32 s13, s14  }
0x7c: {  	s13 =	sshll.u32 s13, $0xA  }
0x7d: {  	s23 =	sshrl.u32 s13, $0x3  }
0x7e: {  	s24 =	simm.s32 $0x1400;
	s16 =	sadd.s32 $0x7A1400, s13;
	s14 =	sadd.s32 s2, s23  }
0x7f: {  	[tilespmem:s24], [sflag:$0x1] =	stream.linear.gather [hbm4b:s14+s3], $0x400, $0x38;
	[tilespmem:$0x1C400] =	vst v63  }
0x80: {  	s14 =	sshrl.u32 s16, $0x3  }
0x81: {  	s17 =	simm.s32 $0x1800;
	s18 =	sadd.s32 $0xF42800, s13;
	s14 =	sadd.s32 s2, s14  }
0x82: {  	[tilespmem:s17], [sflag:$0x1] =	stream.linear.gather [hbm4b:s14+s3], $0x400, $0x38;
	[tilespmem:$0x1C400] =	vst v63  }
0x83: {  	s13 =	sadd.s32 $0x16E3C00, s13;
	s14 =	sshrl.u32 s18, $0x3  }
0x84: {  	s19 =	simm.s32 $0x1C00;
	s13 =	sshrl.u32 s13, $0x3;
	s14 =	sadd.s32 s2, s14  }
0x85: {  	[tilespmem:s19], [sflag:$0x1] =	stream.linear.gather [hbm4b:s14+s3], $0x400, $0x38;
	[tilespmem:$0x1C400] =	vst v63  }
0x86: {  	s20 =	simm.s32 $0x2000;
	s13 =	sadd.s32 s2, s13  }
0x87: {  	[tilespmem:s20], [sflag:$0x1] =	stream.linear.gather [hbm4b:s13+s3], $0x400, $0x38;
	[tilespmem:$0x1C400] =	vst v63  }
0x88: {  	v3 =	vld [tilespmem:$0x200];
	_ =	sdelay $0x4  }
0x89: {  	v3 =	vsel vm2, $0x0, v3  }
0x8a: {  	(xrf0) =	vadd.scan.msk.s32 $0xffff, v3;
	_ =	sdelay $0x5  }
0x8b: {  	v3, _, _ =	vpop (xrf0)  }
0x8c: {  	(v2sf) =	vpush v3, $0xF;
	_ =	sdelay $0xe  }
0x8d: {  	s21 =	spop (v2sf)  }
0x8e: {  	s22 =	sand.u32 $0x7F, s21  }
0x8f: {  	s23 =	sshra.s32 s21, $0x1F;
	p5 =	slt.s32 s21, $0x1;
	p6 =	sne.s32 s22, $0x0  }
0x90: {  	s24 =	sshrl.u32 s23, $0x19;
	p0 =	por !p5, !p6  }
0x91: {  	s14 =	simm.s32 $0x1;
	s13 =	sadd.s32 s24, s21;
	p0 =	por !p0, !p0  }
0x92: {  	s13 =	sshrl.u32 s13, $0x7;
	s14 =	simm.s32 @!p0 $0x0  }
0x93: {  	s13 =	ssub.s32 s13, s14  }
0x94: {  	s13 =	sshll.u32 s13, $0xA  }
0x95: {  	s15 =	sshrl.u32 s13, $0x3  }
0x96: {  	s16 =	simm.s32 $0x2400;
	s17 =	sadd.s32 $0x7A1400, s13;
	s14 =	sadd.s32 s2, s15  }
0x97: {  	[tilespmem:s16], [sflag:$0x1] =	stream.linear.gather [hbm4b:s14+s3], $0x400, $0x38;
	[tilespmem:$0x1C400] =	vst v63  }
0x98: {  	s14 =	sshrl.u32 s17, $0x3  }
0x99: {  	s18 =	simm.s32 $0x2800;
	s19 =	sadd.s32 $0xF42800, s13;
	s14 =	sadd.s32 s2, s14  }
0x9a: {  	[tilespmem:s18], [sflag:$0x1] =	stream.linear.gather [hbm4b:s14+s3], $0x400, $0x38;
	[tilespmem:$0x1C400] =	vst v63  }
0x9b: {  	s13 =	sadd.s32 $0x16E3C00, s13;
	s14 =	sshrl.u32 s19, $0x3  }
0x9c: {  	s20 =	simm.s32 $0x2C00;
	s13 =	sshrl.u32 s13, $0x3;
	s14 =	sadd.s32 s2, s14  }
0x9d: {  	[tilespmem:s20], [sflag:$0x1] =	stream.linear.gather [hbm4b:s14+s3], $0x400, $0x38;
	[tilespmem:$0x1C400] =	vst v63  }
0x9e: {  	s21 =	simm.s32 $0x3000;
	s13 =	sadd.s32 s2, s13  }
0x9f: {  	[tilespmem:s21], [sflag:$0x1] =	stream.linear.gather [hbm4b:s13+s3], $0x400, $0x38;
	[tilespmem:$0x1C400] =	vst v63  }
0xa0: {  	v3 =	vld [tilespmem:$0x200];
	_ =	sdelay $0x4  }
0xa1: {  	v3 =	vsel vm3, $0x0, v3  }
0xa2: {  	(xrf0) =	vadd.scan.msk.s32 $0xffff, v3;
	_ =	sdelay $0x5  }
0xa3: {  	v3, _, _ =	vpop (xrf0)  }
0xa4: {  	(v2sf) =	vpush v3, $0xF;
	_ =	sdelay $0xe  }
0xa5: {  	s22 =	spop (v2sf)  }
0xa6: {  	s23 =	sand.u32 $0x7F, s22  }
0xa7: {  	s24 =	sshra.s32 s22, $0x1F;
	p1 =	slt.s32 s22, $0x1;
	p2 =	sne.s32 s23, $0x0  }
0xa8: {  	s16 =	sshrl.u32 s24, $0x19;
	p0 =	por !p1, !p2  }
0xa9: {  	s14 =	simm.s32 $0x1;
	s13 =	sadd.s32 s16, s22;
	p0 =	por !p0, !p0  }
0xaa: {  	s13 =	sshrl.u32 s13, $0x7;
	s14 =	simm.s32 @!p0 $0x0  }
0xab: {  	s13 =	ssub.s32 s13, s14  }
0xac: {  	s13 =	sshll.u32 s13, $0xA  }
0xad: {  	s17 =	sshrl.u32 s13, $0x3  }
0xae: {  	s18 =	simm.s32 $0x3400;
	s19 =	sadd.s32 $0x7A1400, s13;
	s14 =	sadd.s32 s2, s17  }
0xaf: {  	[tilespmem:s18], [sflag:$0x1] =	stream.linear.gather [hbm4b:s14+s3], $0x400, $0x38;
	[tilespmem:$0x1C400] =	vst v63  }
0xb0: {  	s14 =	sshrl.u32 s19, $0x3  }
0xb1: {  	s20 =	simm.s32 $0x3800;
	s21 =	sadd.s32 $0xF42800, s13;
	s14 =	sadd.s32 s2, s14  }
0xb2: {  	[tilespmem:s20], [sflag:$0x1] =	stream.linear.gather [hbm4b:s14+s3], $0x400, $0x38;
	[tilespmem:$0x1C400] =	vst v63  }
0xb3: {  	s13 =	sadd.s32 $0x16E3C00, s13;
	s14 =	sshrl.u32 s21, $0x3  }
0xb4: {  	s22 =	simm.s32 $0x3C00;
	s13 =	sshrl.u32 s13, $0x3;
	s14 =	sadd.s32 s2, s14  }
0xb5: {  	[tilespmem:s22], [sflag:$0x1] =	stream.linear.gather [hbm4b:s14+s3], $0x400, $0x38;
	[tilespmem:$0x1C400] =	vst v63  }
0xb6: {  	s23 =	simm.s32 $0x4000;
	s13 =	sadd.s32 s2, s13  }
0xb7: {  	[tilespmem:s23], [sflag:$0x1] =	stream.linear.gather [hbm4b:s13+s3], $0x400, $0x38;
	[tilespmem:$0x1C400] =	vst v63  }
0xb8: {  	v3 =	vld [tilespmem:$0x200];
	_ =	sdelay $0x4  }
0xb9: {  	v3 =	vsel vm4, $0x0, v3  }
0xba: {  	(xrf0) =	vadd.scan.msk.s32 $0xffff, v3;
	_ =	sdelay $0x5  }
0xbb: {  	v3, _, _ =	vpop (xrf0)  }
0xbc: {  	(v2sf) =	vpush v3, $0xF;
	_ =	sdelay $0xe  }
0xbd: {  	s24 =	spop (v2sf)  }
0xbe: {  	s16 =	sand.u32 $0x7F, s24  }
0xbf: {  	s17 =	sshra.s32 s24, $0x1F;
	p3 =	slt.s32 s24, $0x1;
	p4 =	sne.s32 s16, $0x0  }
0xc0: {  	s18 =	sshrl.u32 s17, $0x19;
	p0 =	por !p3, !p4  }
0xc1: {  	s14 =	simm.s32 $0x1;
	s13 =	sadd.s32 s18, s24;
	p0 =	por !p0, !p0  }
0xc2: {  	s13 =	sshrl.u32 s13, $0x7;
	s14 =	simm.s32 @!p0 $0x0  }
0xc3: {  	s13 =	ssub.s32 s13, s14  }
0xc4: {  	s13 =	sshll.u32 s13, $0xA  }
0xc5: {  	s19 =	sshrl.u32 s13, $0x3  }
0xc6: {  	s20 =	simm.s32 $0x4400;
	s21 =	sadd.s32 $0x7A1400, s13;
	s14 =	sadd.s32 s2, s19  }
0xc7: {  	[tilespmem:s20], [sflag:$0x1] =	stream.linear.gather [hbm4b:s14+s3], $0x400, $0x38;
	[tilespmem:$0x1C400] =	vst v63  }
0xc8: {  	s14 =	sshrl.u32 s21, $0x3  }
0xc9: {  	s22 =	simm.s32 $0x4800;
	s23 =	sadd.s32 $0xF42800, s13;
	s14 =	sadd.s32 s2, s14  }
0xca: {  	[tilespmem:s22], [sflag:$0x1] =	stream.linear.gather [hbm4b:s14+s3], $0x400, $0x38;
	[tilespmem:$0x1C400] =	vst v63  }
0xcb: {  	s13 =	sadd.s32 $0x16E3C00, s13;
	s14 =	sshrl.u32 s23, $0x3  }
0xcc: {  	s24 =	simm.s32 $0x4C00;
	s13 =	sshrl.u32 s13, $0x3;
	s14 =	sadd.s32 s2, s14  }
0xcd: {  	[tilespmem:s24], [sflag:$0x1] =	stream.linear.gather [hbm4b:s14+s3], $0x400, $0x38;
	[tilespmem:$0x1C400] =	vst v63  }
0xce: {  	s16 =	simm.s32 $0x5000;
	s13 =	sadd.s32 s2, s13  }
0xcf: {  	[tilespmem:s16], [sflag:$0x1] =	stream.linear.gather [hbm4b:s13+s3], $0x400, $0x38;
	[tilespmem:$0x1C400] =	vst v63  }
0xd0: {  	v3 =	vld [tilespmem:$0x200];
	_ =	sdelay $0x4  }
0xd1: {  	v3 =	vsel vm5, $0x0, v3  }
0xd2: {  	(xrf0) =	vadd.scan.msk.s32 $0xffff, v3;
	_ =	sdelay $0x5  }
0xd3: {  	v3, _, _ =	vpop (xrf0)  }
0xd4: {  	(v2sf) =	vpush v3, $0xF;
	_ =	sdelay $0xe  }
0xd5: {  	s17 =	spop (v2sf)  }
0xd6: {  	s18 =	sand.u32 $0x7F, s17  }
0xd7: {  	s19 =	sshra.s32 s17, $0x1F;
	p5 =	slt.s32 s17, $0x1;
	p6 =	sne.s32 s18, $0x0  }
0xd8: {  	s20 =	sshrl.u32 s19, $0x19;
	p0 =	por !p5, !p6  }
0xd9: {  	s14 =	simm.s32 $0x1;
	s13 =	sadd.s32 s20, s17;
	p0 =	por !p0, !p0  }
0xda: {  	s13 =	sshrl.u32 s13, $0x7;
	s14 =	simm.s32 @!p0 $0x0  }
0xdb: {  	s13 =	ssub.s32 s13, s14  }
0xdc: {  	s13 =	sshll.u32 s13, $0xA  }
0xdd: {  	s21 =	sshrl.u32 s13, $0x3  }
0xde: {  	s22 =	simm.s32 $0x5400;
	s23 =	sadd.s32 $0x7A1400, s13;
	s14 =	sadd.s32 s2, s21  }
0xdf: {  	[tilespmem:s22], [sflag:$0x1] =	stream.linear.gather [hbm4b:s14+s3], $0x400, $0x38;
	[tilespmem:$0x1C400] =	vst v63  }
0xe0: {  	s14 =	sshrl.u32 s23, $0x3  }
0xe1: {  	s24 =	simm.s32 $0x5800;
	s16 =	sadd.s32 $0xF42800, s13;
	s14 =	sadd.s32 s2, s14  }
0xe2: {  	[tilespmem:s24], [sflag:$0x1] =	stream.linear.gather [hbm4b:s14+s3], $0x400, $0x38;
	[tilespmem:$0x1C400] =	vst v63  }
0xe3: {  	s13 =	sadd.s32 $0x16E3C00, s13;
	s14 =	sshrl.u32 s16, $0x3  }
0xe4: {  	s17 =	simm.s32 $0x5C00;
	s13 =	sshrl.u32 s13, $0x3;
	s14 =	sadd.s32 s2, s14  }
0xe5: {  	[tilespmem:s17], [sflag:$0x1] =	stream.linear.gather [hbm4b:s14+s3], $0x400, $0x38;
	[tilespmem:$0x1C400] =	vst v63  }
0xe6: {  	s18 =	simm.s32 $0x6000;
	s13 =	sadd.s32 s2, s13  }
0xe7: {  	[tilespmem:s18], [sflag:$0x1] =	stream.linear.gather [hbm4b:s13+s3], $0x400, $0x38;
	[tilespmem:$0x1C400] =	vst v63  }
0xe8: {  	v3 =	vld [tilespmem:$0x200];
	_ =	sdelay $0x4  }
0xe9: {  	v3 =	vsel vm6, $0x0, v3  }
0xea: {  	(xrf0) =	vadd.scan.msk.s32 $0xffff, v3;
	_ =	sdelay $0x5  }
0xeb: {  	v3, _, _ =	vpop (xrf0)  }
0xec: {  	(v2sf) =	vpush v3, $0xF;
	_ =	sdelay $0xe  }
0xed: {  	s19 =	spop (v2sf)  }
0xee: {  	s20 =	sand.u32 $0x7F, s19  }
0xef: {  	s21 =	sshra.s32 s19, $0x1F;
	p1 =	slt.s32 s19, $0x1;
	p2 =	sne.s32 s20, $0x0  }
0xf0: {  	s22 =	sshrl.u32 s21, $0x19;
	p0 =	por !p1, !p2  }
0xf1: {  	s14 =	simm.s32 $0x1;
	s13 =	sadd.s32 s22, s19;
	p0 =	por !p0, !p0  }
0xf2: {  	s13 =	sshrl.u32 s13, $0x7;
	s14 =	simm.s32 @!p0 $0x0  }
0xf3: {  	s13 =	ssub.s32 s13, s14  }
0xf4: {  	s13 =	sshll.u32 s13, $0xA  }
0xf5: {  	s23 =	sshrl.u32 s13, $0x3  }
0xf6: {  	s24 =	simm.s32 $0x6400;
	s16 =	sadd.s32 $0x7A1400, s13;
	s14 =	sadd.s32 s2, s23  }
0xf7: {  	[tilespmem:s24], [sflag:$0x1] =	stream.linear.gather [hbm4b:s14+s3], $0x400, $0x38;
	[tilespmem:$0x1C400] =	vst v63  }
0xf8: {  	s14 =	sshrl.u32 s16, $0x3  }
0xf9: {  	s17 =	simm.s32 $0x6800;
	s18 =	sadd.s32 $0xF42800, s13;
	s14 =	sadd.s32 s2, s14  }
0xfa: {  	[tilespmem:s17], [sflag:$0x1] =	stream.linear.gather [hbm4b:s14+s3], $0x400, $0x38;
	[tilespmem:$0x1C400] =	vst v63  }
0xfb: {  	s13 =	sadd.s32 $0x16E3C00, s13;
	s14 =	sshrl.u32 s18, $0x3  }
0xfc: {  	s19 =	simm.s32 $0x6C00;
	s13 =	sshrl.u32 s13, $0x3;
	s14 =	sadd.s32 s2, s14  }
0xfd: {  	[tilespmem:s19], [sflag:$0x1] =	stream.linear.gather [hbm4b:s14+s3], $0x400, $0x38;
	[tilespmem:$0x1C400] =	vst v63  }
0xfe: {  	s20 =	simm.s32 $0x7000;
	s13 =	sadd.s32 s2, s13  }
0xff: {  	[tilespmem:s20], [sflag:$0x1] =	stream.linear.gather [hbm4b:s13+s3], $0x400, $0x38;
	[tilespmem:$0x1C400] =	vst v63  }
0x100: {  	v3 =	vld [tilespmem:$0x200];
	_ =	sdelay $0x4  }
0x101: {  	v3 =	vsel vm7, $0x0, v3  }
0x102: {  	(xrf0) =	vadd.scan.msk.s32 $0xffff, v3;
	_ =	sdelay $0x5  }
0x103: {  	v3, _, _ =	vpop (xrf0)  }
0x104: {  	(v2sf) =	vpush v3, $0xF;
	_ =	sdelay $0xe  }
0x105: {  	s21 =	spop (v2sf)  }
0x106: {  	s22 =	sand.u32 $0x7F, s21  }
0x107: {  	s23 =	sshra.s32 s21, $0x1F;
	p3 =	slt.s32 s21, $0x1;
	p4 =	sne.s32 s22, $0x0  }
0x108: {  	s24 =	sshrl.u32 s23, $0x19;
	p0 =	por !p3, !p4  }
0x109: {  	s14 =	simm.s32 $0x1;
	s13 =	sadd.s32 s24, s21;
	p0 =	por !p0, !p0  }
0x10a: {  	s13 =	sshrl.u32 s13, $0x7;
	s14 =	simm.s32 @!p0 $0x0  }
0x10b: {  	s13 =	ssub.s32 s13, s14  }
0x10c: {  	s13 =	sshll.u32 s13, $0xA  }
0x10d: {  	s15 =	sshrl.u32 s13, $0x3  }
0x10e: {  	s16 =	simm.s32 $0x7400;
	s17 =	sadd.s32 $0x7A1400, s13;
	s14 =	sadd.s32 s2, s15  }
0x10f: {  	[tilespmem:s16], [sflag:$0x1] =	stream.linear.gather [hbm4b:s14+s3], $0x400, $0x38;
	[tilespmem:$0x1C400] =	vst v63  }
0x110: {  	s14 =	sshrl.u32 s17, $0x3  }
0x111: {  	s18 =	simm.s32 $0x7800;
	s19 =	sadd.s32 $0xF42800, s13;
	s14 =	sadd.s32 s2, s14  }
0x112: {  	[tilespmem:s18], [sflag:$0x1] =	stream.linear.gather [hbm4b:s14+s3], $0x400, $0x38;
	[tilespmem:$0x1C400] =	vst v63  }
0x113: {  	s13 =	sadd.s32 $0x16E3C00, s13;
	s14 =	sshrl.u32 s19, $0x3  }
0x114: {  	s20 =	simm.s32 $0x7C00;
	s13 =	sshrl.u32 s13, $0x3;
	s14 =	sadd.s32 s2, s14  }
0x115: {  	[tilespmem:s20], [sflag:$0x1] =	stream.linear.gather [hbm4b:s14+s3], $0x400, $0x38;
	[tilespmem:$0x1C400] =	vst v63  }
0x116: {  	s21 =	simm.s32 $0x8000;
	s13 =	sadd.s32 s2, s13  }
0x117: {  	[tilespmem:s21], [sflag:$0x1] =	stream.linear.gather [hbm4b:s13+s3], $0x400, $0x38;
	[tilespmem:$0x1C400] =	vst v63  }
0x118: {  	v3 =	vld [tilespmem:$0x200];
	_ =	sdelay $0x4  }
0x119: {  	v3 =	vsel vm8, $0x0, v3  }
0x11a: {  	(xrf0) =	vadd.scan.msk.s32 $0xffff, v3;
	_ =	sdelay $0x5  }
0x11b: {  	v3, _, _ =	vpop (xrf0)  }
0x11c: {  	(v2sf) =	vpush v3, $0xF;
	_ =	sdelay $0xe  }
0x11d: {  	s22 =	spop (v2sf)  }
0x11e: {  	s23 =	sand.u32 $0x7F, s22  }
0x11f: {  	s24 =	sshra.s32 s22, $0x1F;
	p5 =	slt.s32 s22, $0x1;
	p6 =	sne.s32 s23, $0x0  }
0x120: {  	s16 =	sshrl.u32 s24, $0x19;
	p0 =	por !p5, !p6  }
0x121: {  	s14 =	simm.s32 $0x1;
	s13 =	sadd.s32 s16, s22;
	p0 =	por !p0, !p0  }
0x122: {  	s13 =	sshrl.u32 s13, $0x7;
	s14 =	simm.s32 @!p0 $0x0  }
0x123: {  	s13 =	ssub.s32 s13, s14  }
0x124: {  	s13 =	sshll.u32 s13, $0xA  }
0x125: {  	s17 =	sshrl.u32 s13, $0x3  }
0x126: {  	s18 =	simm.s32 $0x8400;
	s19 =	sadd.s32 $0x7A1400, s13;
	s14 =	sadd.s32 s2, s17  }
0x127: {  	[tilespmem:s18], [sflag:$0x1] =	stream.linear.gather [hbm4b:s14+s3], $0x400, $0x38;
	[tilespmem:$0x1C400] =	vst v63  }
0x128: {  	s14 =	sshrl.u32 s19, $0x3  }
0x129: {  	s20 =	simm.s32 $0x8800;
	s21 =	sadd.s32 $0xF42800, s13;
	s14 =	sadd.s32 s2, s14  }
0x12a: {  	[tilespmem:s20], [sflag:$0x1] =	stream.linear.gather [hbm4b:s14+s3], $0x400, $0x38;
	[tilespmem:$0x1C400] =	vst v63  }
0x12b: {  	s13 =	sadd.s32 $0x16E3C00, s13;
	s14 =	sshrl.u32 s21, $0x3  }
0x12c: {  	s22 =	simm.s32 $0x8C00;
	s13 =	sshrl.u32 s13, $0x3;
	s14 =	sadd.s32 s2, s14  }
0x12d: {  	[tilespmem:s22], [sflag:$0x1] =	stream.linear.gather [hbm4b:s14+s3], $0x400, $0x38;
	[tilespmem:$0x1C400] =	vst v63  }
0x12e: {  	s23 =	simm.s32 $0x9000;
	s13 =	sadd.s32 s2, s13  }
0x12f: {  	[tilespmem:s23], [sflag:$0x1] =	stream.linear.gather [hbm4b:s13+s3], $0x400, $0x38;
	[tilespmem:$0x1C400] =	vst v63  }
0x130: {  	v3 =	vld [tilespmem:$0x200];
	_ =	sdelay $0x4  }
0x131: {  	v3 =	vsel vm9, $0x0, v3  }
0x132: {  	(xrf0) =	vadd.scan.msk.s32 $0xffff, v3;
	_ =	sdelay $0x5  }
0x133: {  	v3, _, _ =	vpop (xrf0)  }
0x134: {  	(v2sf) =	vpush v3, $0xF;
	_ =	sdelay $0xe  }
0x135: {  	s24 =	spop (v2sf)  }
0x136: {  	s16 =	sand.u32 $0x7F, s24  }
0x137: {  	s17 =	sshra.s32 s24, $0x1F;
	p1 =	slt.s32 s24, $0x1;
	p2 =	sne.s32 s16, $0x0  }
0x138: {  	s18 =	sshrl.u32 s17, $0x19;
	p0 =	por !p1, !p2  }
0x139: {  	s14 =	simm.s32 $0x1;
	s13 =	sadd.s32 s18, s24;
	p0 =	por !p0, !p0  }
0x13a: {  	s13 =	sshrl.u32 s13, $0x7;
	s14 =	simm.s32 @!p0 $0x0  }
0x13b: {  	s13 =	ssub.s32 s13, s14  }
0x13c: {  	s13 =	sshll.u32 s13, $0xA  }
0x13d: {  	s19 =	sshrl.u32 s13, $0x3  }
0x13e: {  	s20 =	simm.s32 $0x9400;
	s21 =	sadd.s32 $0x7A1400, s13;
	s14 =	sadd.s32 s2, s19  }
0x13f: {  	[tilespmem:s20], [sflag:$0x1] =	stream.linear.gather [hbm4b:s14+s3], $0x400, $0x38;
	[tilespmem:$0x1C400] =	vst v63  }
0x140: {  	s14 =	sshrl.u32 s21, $0x3  }
0x141: {  	s22 =	simm.s32 $0x9800;
	s23 =	sadd.s32 $0xF42800, s13;
	s14 =	sadd.s32 s2, s14  }
0x142: {  	[tilespmem:s22], [sflag:$0x1] =	stream.linear.gather [hbm4b:s14+s3], $0x400, $0x38;
	[tilespmem:$0x1C400] =	vst v63  }
0x143: {  	s13 =	sadd.s32 $0x16E3C00, s13;
	s14 =	sshrl.u32 s23, $0x3  }
0x144: {  	s13 =	sshrl.u32 s13, $0x3;
	s14 =	sadd.s32 s2, s14  }
0x145: {  	[tilespmem:s25], [sflag:$0x1] =	stream.linear.gather [hbm4b:s14+s3], $0x400, $0x38;
	[tilespmem:$0x1C400] =	vst v63  }
0x146: {  	s13 =	sadd.s32 s2, s13  }
0x147: {  	[tilespmem:s26], [sflag:$0x1] =	stream.linear.gather [hbm4b:s13+s3], $0x400, $0x38;
	[tilespmem:$0x1C400] =	vst v63  }
0x148: {  	v3 =	vld [tilespmem:$0x200];
	_ =	sdelay $0x4  }
0x149: {  	v3 =	vsel vm10, $0x0, v3  }
0x14a: {  	(xrf0) =	vadd.scan.msk.s32 $0xffff, v3;
	_ =	sdelay $0x5  }
0x14b: {  	v3, _, _ =	vpop (xrf0)  }
0x14c: {  	(v2sf) =	vpush v3, $0xF;
	_ =	sdelay $0xe  }
0x14d: {  	s24 =	spop (v2sf)  }
0x14e: {  	s15 =	sand.u32 $0x7F, s24  }
0x14f: {  	s16 =	sshra.s32 s24, $0x1F;
	p3 =	slt.s32 s24, $0x1;
	p4 =	sne.s32 s15, $0x0  }
0x150: {  	s17 =	sshrl.u32 s16, $0x19;
	p0 =	por !p3, !p4  }
0x151: {  	s14 =	simm.s32 $0x1;
	s13 =	sadd.s32 s17, s24;
	p0 =	por !p0, !p0  }
0x152: {  	s13 =	sshrl.u32 s13, $0x7;
	s14 =	simm.s32 @!p0 $0x0  }
0x153: {  	s13 =	ssub.s32 s13, s14  }
0x154: {  	s13 =	sshll.u32 s13, $0xA  }
0x155: {  	s18 =	sshrl.u32 s13, $0x3  }
0x156: {  	s19 =	sadd.s32 $0x7A1400, s13;
	s14 =	sadd.s32 s2, s18  }
0x157: {  	[tilespmem:s28], [sflag:$0x1] =	stream.linear.gather [hbm4b:s14+s3], $0x400, $0x38;
	[tilespmem:$0x1C400] =	vst v63  }
0x158: {  	s14 =	sshrl.u32 s19, $0x3  }
0x159: {  	s20 =	sadd.s32 $0xF42800, s13;
	s14 =	sadd.s32 s2, s14  }
0x15a: {  	[tilespmem:s29], [sflag:$0x1] =	stream.linear.gather [hbm4b:s14+s3], $0x400, $0x38;
	[tilespmem:$0x1C400] =	vst v63  }
0x15b: {  	s13 =	sadd.s32 $0x16E3C00, s13;
	s14 =	sshrl.u32 s20, $0x3  }
0x15c: {  	s13 =	sshrl.u32 s13, $0x3;
	s14 =	sadd.s32 s2, s14  }
0x15d: {  	[tilespmem:s30], [sflag:$0x1] =	stream.linear.gather [hbm4b:s14+s3], $0x400, $0x38;
	[tilespmem:$0x1C400] =	vst v63  }
0x15e: {  	s13 =	sadd.s32 s2, s13  }
0x15f: {  	[tilespmem:s31], [sflag:$0x1] =	stream.linear.gather [hbm4b:s13+s3], $0x400, $0x38;
	[tilespmem:$0x1C400] =	vst v63  }
0x160: {  	v3 =	vld [tilespmem:$0x200];
	_ =	sdelay $0x4  }
0x161: {  	v3 =	vsel vm11, $0x0, v3  }
0x162: {  	(xrf0) =	vadd.scan.msk.s32 $0xffff, v3;
	_ =	sdelay $0x5  }
0x163: {  	v3, _, _ =	vpop (xrf0)  }
0x164: {  	(v2sf) =	vpush v3, $0xF;
	_ =	sdelay $0xe  }
0x165: {  	s21 =	spop (v2sf)  }
0x166: {  	s22 =	sand.u32 $0x7F, s21  }
0x167: {  	s23 =	sshra.s32 s21, $0x1F;
	p5 =	slt.s32 s21, $0x1;
	p6 =	sne.s32 s22, $0x0  }
0x168: {  	s24 =	sshrl.u32 s23, $0x19;
	p0 =	por !p5, !p6  }
0x169: {  	s14 =	simm.s32 $0x1;
	s13 =	sadd.s32 s24, s21;
	p0 =	por !p0, !p0  }
0x16a: {  	s13 =	sshrl.u32 s13, $0x7;
	s14 =	simm.s32 @!p0 $0x0  }
0x16b: {  	s13 =	ssub.s32 s13, s14  }
0x16c: {  	s13 =	sshll.u32 s13, $0xA  }
0x16d: {  	s15 =	sshrl.u32 s13, $0x3  }
0x16e: {  	s16 =	sadd.s32 $0x7A1400, s13;
	s14 =	sadd.s32 s2, s15  }
0x16f: {  	[tilespmem:s0], [sflag:$0x1] =	stream.linear.gather [hbm4b:s14+s3], $0x400, $0x38;
	[tilespmem:$0x1C400] =	vst v63  }
0x170: {  	s14 =	sshrl.u32 s16, $0x3  }
0x171: {  	s17 =	sadd.s32 $0xF42800, s13;
	s14 =	sadd.s32 s2, s14  }
0x172: {  	[tilespmem:s1], [sflag:$0x1] =	stream.linear.gather [hbm4b:s14+s3], $0x400, $0x38;
	[tilespmem:$0x1C400] =	vst v63  }
0x173: {  	s13 =	sadd.s32 $0x16E3C00, s13;
	s14 =	sshrl.u32 s17, $0x3  }
0x174: {  	s13 =	sshrl.u32 s13, $0x3;
	s14 =	sadd.s32 s2, s14  }
0x175: {  	[tilespmem:s7], [sflag:$0x1] =	stream.linear.gather [hbm4b:s14+s3], $0x400, $0x38;
	[tilespmem:$0x1C400] =	vst v63  }
0x176: {  	s13 =	sadd.s32 s2, s13  }
0x177: {  	[tilespmem:s8], [sflag:$0x1] =	stream.linear.gather [hbm4b:s13+s3], $0x400, $0x38;
	[tilespmem:$0x1C400] =	vst v63  }
0x178: {  	s18 =	simm.s32 $0x0;
	_ =	swait.ge [sflag:s10], $0x1000  }
0x179: {  	s13 =	sand.u32 $0x7C0, s18;
	[sflag:s10] =	ssyncset.done $0x0  }
0x17a: {  	s13 =	sshrl.u32 s13, $0x2;
	[sflag:s10] =	ssyncadd.s32 $0xFFFFF000  }
0x17b: {  	v3 =	vld [tilespmem:s13+$0x200];
	_ =	sdelay $0x1  }
0x17c: {  	s19 =	sand.u32 $0xF, s3  }
0x17d: {  	v62 =	vmov s19  }
0x17e: {  	vm12 =	veq.s32 v62, v0  }
0x17f: {  	v3 =	vnsel vm12, $0x0, v3  }
0x180: {  	(xrf0) =	vadd.scan.msk.s32 $0xffff, v3;
	_ =	sdelay $0x5  }
0x181: {  	v3, _, _ =	vpop (xrf0)  }
0x182: {  	(v2sf) =	vpush v3, $0xF;
	_ =	sdelay $0xe  }
0x183: {  	s20 =	spop (v2sf)  }
0x184: {  	s21 =	sshra.s32 s20, $0x1F  }
0x185: {  	s14 =	sshrl.u32 s21, $0x19  }
0x186: {  	s22 =	smul.u32 $0xAAAB, s3;
	s14 =	sadd.s32 s14, s20  }
0x187: {  	s14 =	sand.u32 $0xFFFFFF80, s14  }
0x188: {  	s15 =	sshrl.u32 s22, $0x11;
	s13 =	ssub.s32 s20, s14  }
0x189: {  	s23 =	sand.u32 $0xC, s15;
	v3 =	vadd.s32 s13, v1  }
0x18a: {  	s24 =	sadd.s32 $0x0, s23;
	v63 =	vadd.s32 s13, v2  }
0x18b: {  	s13 =	sshll.u32 s24, $0xC  }
0x18c: {  	s14 =	sand.u32 $0xF000, s13  }
0x18d: {  	s13 =	sor.u32 $0x400, s14  }
0x18e: {  	v3 =	vld.idx.msk [tilespmem:v3+s13+$0x0], $0xffff  }
0x18f: {  	v4 =	vld.idx.msk [tilespmem:v63+s13+$0x0], $0xffff;
	_ =	sdelay $0x2  }
0x190: {  	p1 =	por $0x0, $0x0;
	s15 =	simm.s32 $0x30;
	s16 =	simm.s32 $0xC410  }
0x191: {  	s15 =	sand.u32 @!p1 $0xFC0, s15;
	[tilespmem:s16+$0xFFFFFFF0] =	vst v3  }
0x192: {  	p0 =	por p1, p1;
	s15 =	sshrl.u32 @!p1 s15, $0x2;
	[tilespmem:s16+$0x0] =	vst v4  }
0x193: {  	v3 =	vld @!p0 [tilespmem:s15+$0x200]  }
0x194: {  	s15 =	simm.s32 @!p1 $0xC  }
0x195: {  	s15 =	sand.u32 @!p1 $0xF, s15  }
0x196: {  	v5 =	vlaneseq.u32 @!p1;
	v4 =	vmov @!p1 s15  }
0x197: {  	vm12 =	veq.s32 @!p0 v4, v5  }
0x198: {  	v3 =	vnsel @!p0 vm12, $0x0, v3  }
0x199: {  	(xrf0) =	vadd.scan.msk.s32 @!p0 $0xffff, v3;
	_ =	sdelay $0x5  }
0x19a: {  	v3, _, _ =	vpop @!p1 (xrf0)  }
0x19b: {  	(v2sf) =	vpush @!p0 v3, $0xF;
	_ =	sdelay $0xe  }
0x19c: {  	s15 =	spop @!p1 (v2sf)  }
0x19d: {  	s16 =	sand.u32 @!p0 $0x7F, s15  }
0x19e: {  	p1 =	slt.s32 @!p0 s15, $0x1;
	p2 =	sne.s32 @!p0 s16, $0x0  }
0x19f: {  	s16 =	sshra.s32 @!p0 s15, $0x1F;
	p1 =	por @!p0 !p1, !p2  }
0x1a0: {  	s16 =	sshrl.u32 @!p0 s16, $0x19;
	p1 =	por @!p0 !p1, !p1  }
0x1a1: {  	s15 =	sadd.s32 @!p0 s16, s15;
	s16 =	simm.s32 @!p0 $0x1;
	p1 =	por !p1, p0  }
0x1a2: {  	s15 =	sshrl.u32 @!p0 s15, $0x7;
	s16 =	simm.s32 @p1 $0x0  }
0x1a3: {  	s15 =	ssub.s32 @!p0 s15, s16  }
0x1a4: {  	s15 =	sshll.u32 @!p0 s15, $0xA  }
0x1a5: {  	s16 =	sshrl.u32 @!p0 s15, $0x3  }
0x1a6: {  	s18 =	simm.s32 @!p0 $0x0;
	s17 =	sadd.s32 @!p0 $0x7A1400, s15;
	s16 =	sadd.s32 @!p0 s2, s16  }
0x1a7: {  	[tilespmem:s13], [sflag:$0x1] =	stream.linear.gather @!p0 [hbm4b:s16+s18], $0x400, $0x38;
	[tilespmem:$0x1C400] =	vst v63  }
0x1a8: {  	s13 =	sadd.s32 @!p0 $0xF42800, s15;
	s16 =	sshrl.u32 @!p0 s17, $0x3  }
0x1a9: {  	s17 =	sadd.s32 @!p0 $0x800, s14;
	s13 =	sshrl.u32 @!p0 s13, $0x3;
	s16 =	sadd.s32 @!p0 s2, s16  }
0x1aa: {  	[tilespmem:s17], [sflag:$0x1] =	stream.linear.gather @!p0 [hbm4b:s16+s18], $0x400, $0x38;
	[tilespmem:$0x1C400] =	vst v63  }
0x1ab: {  	s16 =	sadd.s32 @!p0 $0xC00, s14;
	s13 =	sadd.s32 @!p0 s2, s13  }
0x1ac: {  	[tilespmem:s16], [sflag:$0x1] =	stream.linear.gather @!p0 [hbm4b:s13+s18], $0x400, $0x38;
	[tilespmem:$0x1C400] =	vst v63  }
0x1ad: {  	s13 =	simm.s32 $0x1;
	s16 =	sadd.s32 @!p0 $0x1000, s14;
	s14 =	sadd.s32 @!p0 $0x16E3C00, s15  }
0x1ae: {  	s15 =	simm.s32 $0xC490;
	s19 =	sshrl.u32 @!p0 s14, $0x3;
	s14 =	simm.s32 $0x34  }
.LBB2_2:
0x1af: {  	p2 =	sgt.u32 s13, $0x1F3  }
0x1b0: {  	s19 =	sadd.s32 @!p0 s2, s19;
	s17 =	smov.u32 s13;
	s13 =	sadd.s32 $0x1, s13  }
0x1b1: {  	[tilespmem:s16], [sflag:$0x1] =	stream.linear.gather @!p0 [hbm4b:s19+s18], $0x400, $0x38;
	[tilespmem:$0x1C400] =	vst v63  }
0x1b2: {  	s16 =	sadd.s32 @!p2 $0xC, s17;
	s18 =	sand.u32 @!p2 $0xFC0, s14;
	p1 =	sne.s32 s13, $0x200  }
0x1b3: {  	s19 =	sadd.s32 $0xFFFFFFD0, s14;
	s18 =	sshrl.u32 @!p2 s18, $0x2;
	_ =	swait.ge [sflag:s10], $0x1000  }
0x1b4: {  	s19 =	sand.u32 $0x7C0, s19;
	s16 =	sand.u32 @!p2 $0xF, s16;
	[sflag:s10] =	ssyncset.done $0x0  }
0x1b5: {  	v4 =	vlaneseq.u32 @!p2;
	p0 =	por p2, p2;
	s19 =	sshrl.u32 s19, $0x2;
	v3 =	vmov @!p2 s16;
	[sflag:s10] =	ssyncadd.s32 $0xFFFFF000  }
0x1b6: {  	vm12 =	veq.s32 @!p0 v3, v4;
	v5 =	vld [tilespmem:s19+$0x200];
	_ =	sdelay $0x1  }
0x1b7: {  	s16 =	sand.u32 $0xF, s17  }
0x1b8: {  	v3 =	vmov s16  }
0x1b9: {  	vm13 =	veq.s32 v3, v0  }
0x1ba: {  	v3 =	vnsel vm13, $0x0, v5  }
0x1bb: {  	(xrf0) =	vadd.scan.msk.s32 $0xffff, v3;
	_ =	sdelay $0x5  }
0x1bc: {  	v3, _, _ =	vpop (xrf0)  }
0x1bd: {  	(v2sf) =	vpush v3, $0xF;
	_ =	sdelay $0xe  }
0x1be: {  	s16 =	spop (v2sf)  }
0x1bf: {  	s19 =	sshra.s32 s16, $0x1F  }
0x1c0: {  	s19 =	sshrl.u32 s19, $0x19  }
0x1c1: {  	s20 =	smul.u32 $0xAAAB, s17;
	s19 =	sadd.s32 s19, s16  }
0x1c2: {  	s19 =	sand.u32 $0xFFFFFF80, s19  }
0x1c3: {  	s20 =	sshrl.u32 s20, $0x11;
	s16 =	ssub.s32 s16, s19  }
0x1c4: {  	s19 =	sand.u32 $0xC, s20;
	v3 =	vadd.s32 s16, v1;
	v4 =	vadd.s32 s16, v2  }
0x1c5: {  	s16 =	sadd.s32 s19, s17  }
0x1c6: {  	s16 =	sshll.u32 s16, $0xC  }
0x1c7: {  	s20 =	sand.u32 $0xF000, s16  }
0x1c8: {  	s19 =	sor.u32 $0x400, s20;
	s17 =	sadd.s32 @!p0 $0xC00, s20;
	s16 =	sadd.s32 @!p0 $0x1000, s20  }
0x1c9: {  	v3 =	vld.idx.msk [tilespmem:v3+s19+$0x0], $0xffff  }
0x1ca: {  	v4 =	vld.idx.msk [tilespmem:v4+s19+$0x0], $0xffff;
	_ =	sdelay $0x4  }
0x1cb: {  	[tilespmem:s15+$0xFFFFFFF0] =	vst v3  }
0x1cc: {  	[tilespmem:s15+$0x0] =	vst v4  }
0x1cd: {  	v3 =	vld @!p0 [tilespmem:s18+$0x200];
	_ =	sdelay $0x4  }
0x1ce: {  	v3 =	vnsel @!p0 vm12, $0x0, v3  }
0x1cf: {  	(xrf0) =	vadd.scan.msk.s32 @!p0 $0xffff, v3;
	_ =	sdelay $0x5  }
0x1d0: {  	v3, _, _ =	vpop @!p2 (xrf0)  }
0x1d1: {  	(v2sf) =	vpush @!p0 v3, $0xF;
	_ =	sdelay $0xe  }
0x1d2: {  	s18 =	spop @!p2 (v2sf)  }
0x1d3: {  	s21 =	sshra.s32 @!p0 s18, $0x1F;
	p2 =	slt.s32 @!p0 s18, $0x1;
	s22 =	sand.u32 @!p0 $0x7F, s18  }
0x1d4: {  	s21 =	sshrl.u32 @!p0 s21, $0x19;
	p3 =	sne.s32 @!p0 s22, $0x0  }
0x1d5: {  	s18 =	sadd.s32 @!p0 s21, s18;
	p2 =	por @!p0 !p2, !p3  }
0x1d6: {  	s21 =	simm.s32 @!p0 $0x1;
	p2 =	por @!p0 !p2, !p2  }
0x1d7: {  	s18 =	sshrl.u32 @!p0 s18, $0x7;
	p2 =	por !p2, p0  }
0x1d8: {  	s21 =	simm.s32 @p2 $0x0  }
0x1d9: {  	s18 =	ssub.s32 @!p0 s18, s21  }
0x1da: {  	s20 =	sadd.s32 @!p0 $0x800, s20;
	s21 =	sshll.u32 @!p0 s18, $0xA;
	s18 =	simm.s32 @!p0 $0x0  }
0x1db: {  	s22 =	sshrl.u32 @!p0 s21, $0x3;
	s23 =	sadd.s32 @!p0 $0x7A1400, s21;
	s24 =	sadd.s32 @!p0 $0xF42800, s21  }
0x1dc: {  	s22 =	sadd.s32 @!p0 s2, s22;
	s23 =	sshrl.u32 @!p0 s23, $0x3;
	s24 =	sshrl.u32 @!p0 s24, $0x3  }
0x1dd: {  	[tilespmem:s19], [sflag:$0x1] =	stream.linear.gather @!p0 [hbm4b:s22+s18], $0x400, $0x38;
	[tilespmem:$0x1C400] =	vst v63  }
.Ltmp0:
0x1de: {  	_ = 	snop;
	(pc) =	sbr.rel @p1 .LBB2_2-.Ltmp0, $4  }
0x1df: {  	s21 =	sadd.s32 @!p0 $0x16E3C00, s21;
	s19 =	sadd.s32 @!p0 s2, s23;
	s22 =	sadd.s32 @!p0 s2, s24  }
0x1e0: {  	[tilespmem:s20], [sflag:$0x1] =	stream.linear.gather @!p0 [hbm4b:s19+s18], $0x400, $0x38;
	[tilespmem:$0x1C400] =	vst v63  }
0x1e1: {  	s14 =	sadd.s32 $0x4, s14;
	s15 =	sadd.s32 $0x80, s15;
	s19 =	sshrl.u32 @!p0 s21, $0x3  }
0x1e2: {  	[tilespmem:s17], [sflag:$0x1] =	stream.linear.gather @!p0 [hbm4b:s22+s18], $0x400, $0x38;
	[tilespmem:$0x1C400] =	vst v63  }
0x1e3: {  	s13 =	sadd.s32 @!p0 s2, s19;
	s12 =	sadd.s32 $0x1, s12  }
0x1e4: {  	[tilespmem:s16], [sflag:$0x1] =	stream.linear.gather @!p0 [hbm4b:s13+s18], $0x400, $0x38;
	[tilespmem:$0x1C400] =	vst v63  }
0x1e5: {  	p0 =	sne.s32 s12, s6  }
.Ltmp1:
0x1e6: {  	_ = 	snop;
	(pc) =	sbr.rel @p0 .LBB2_1-.Ltmp1, $4  }
0x1e7: {  	[hbm4b:s5+s3] =	stream.linear.scatter [tilespmem:s11], [sflag:$0x2], $0x10000, $0x38;
	[tilespmem:$0x1C400] =	vst v63  }
0x1e8: {  	_ =	swait.ge [sflag:s9], $0x10000  }
0x1e9: {  	[sflag:s9] =	ssyncset.done $0x0  }
0x1ea: {  	[sflag:s9] =	ssyncadd.s32 $0xFFFF0000  }
0x1eb: {  	_ =	sfence.sel $0x180000  }
0x1ec: {  	[bflag:$0x0] =	sbarrier.arrive $0xFFFF  }
0x1ed: {  	_ =	strace $0x90000047  }
0x1ee: {  	s0 =	stileid.u32;
	[bflag:$0x2] =	sbarrier.arrive $0xFFFF  }
0x1ef: {  	p0 =	sne.s32 s0, $0x0;
	s0 =	rddreg [dreg:$0x3]  }
0x1f0: {  	s0 =	sadd.s32 @!p0 $0x100000, s0  }
0x1f1: {  	[sflag:s0] =	ssyncadd.tile.s32 @!p0 $0x1;
	_ =	shalt  }
.Lfunc_end2:
_tile_overlayer_lowered:
.L_overlay_start_2:
0x1f2: {  	(tag) =	ssettag $0x2  }
0x1f3: {  	s0 =	rddreg [dreg:$0x0];
	s2 =	stileid.u32  }
0x1f4: {  	s1 =	rddreg [dreg:$0x1];
	p0 =	sne.s32 s2, $0x0  }
0x1f5: {  	s3 =	rddreg [dreg:$0x2];
	[bflag:$0x3] =	sbarrier.arrive $0xFFFF;
	s2 =	simm.s32 @!p0 $0x1C02  }
0x1f6: {  	[timem:s3], [sflag:s2] =	dma.local @!p0 [hbm:s0], s1  }
0x1f7: {  	s0 =	simm.s32 @!p0 $0x2  }
0x1f8: {  	_ =	swait.ge @!p0 [sflag:s0], s1  }
0x1f9: {  	s1 =	ssub.s32 @!p0 $0x0, s1;
	[sflag:s0] =	ssyncset.done @!p0 $0x0  }
0x1fa: {  	[sflag:s0] =	ssyncadd.s32 @!p0 s1  }
0x1fb: {  	[bflag:$0x3] =	sbarrier.arrive $0xFFFF  }
0x1fc: {  	_ =	shalt  }

</sc_bundles>
